<compile_context>
chip_gen: v7x
topology: tpu7x:2x2x1
jax: 0.10.2.dev20260603
libtpu: 0.0.44.dev20260713+nightly
codegen_flags: <defaults>
</compile_context>

<pallas_src>
import jax
import jax.numpy as jnp
from jax import lax
from jax.experimental import pallas as pl
from jax.experimental.pallas import tpu as pltpu
from jax.experimental.pallas import tpu_sc as plsc

B, S, V, D = 64, 2048, 1000000, 64
NC, NS = 2, 16
NW = NC * NS
SPW = S // NW
L = 16
NBUF = 8
K = 4


def _emb_body(x_hbm, table_hbm, pos_hbm, out_hbm,
              idx_v, pos_v, rows_v, tbuf_v, gsem, osem):
    wid = lax.axis_index("s") * NC + lax.axis_index("c")
    s0 = wid * SPW

    pltpu.sync_copy(x_hbm.at[:, pl.ds(s0, SPW)], idx_v)
    pltpu.sync_copy(pos_hbm.at[pl.ds(s0, SPW)], pos_v)

    def start_gather(b, k):
        pltpu.async_copy(table_hbm.at[idx_v.at[b]], rows_v.at[k], gsem.at[k])

    def wait_gather(k):
        pltpu.make_async_copy(table_hbm.at[idx_v.at[0]], rows_v.at[k],
                              gsem.at[k]).wait()

    for h in range(K):
        start_gather(h, h)

    @pl.loop(0, B, step=NBUF)
    def ring(g0):
        for k in range(NBUF):
            g = g0 + k
            wait_gather(k)

            def add_row(s, c2):
                for q in range(D // L):
                    pv = pos_v[s, pl.ds(q * L, L)]
                    plsc.addupdate(rows_v.at[k, s, pl.ds(q * L, L)], pv)
                return c2

            lax.fori_loop(0, SPW, add_row, 0)

            def tr_col(d, c3):
                cv = jnp.full((L,), d, jnp.int32)
                for q in range(SPW // L):
                    rv = lax.iota(jnp.int32, L) + (q * L)
                    vals = plsc.load_gather(rows_v.at[k], [rv, cv])
                    tbuf_v.at[k, d, pl.ds(q * L, L)][...] = vals
                return c3

            lax.fori_loop(0, D, tr_col, 0)

            dst = out_hbm.at[g, :, pl.ds(s0, SPW)]
            pltpu.async_copy(tbuf_v.at[k], dst, osem.at[k])

            h = g + K
            kh = (k + K) % NBUF

            @pl.when(jnp.logical_and(h >= NBUF, h < B))
            def _wait_old_out():
                pltpu.make_async_copy(tbuf_v.at[kh], dst, osem.at[kh]).wait()

            @pl.when(h < B)
            def _start_next():
                start_gather(h, kh)

    for k in range(NBUF):
        pltpu.make_async_copy(tbuf_v.at[k], out_hbm.at[0, :, pl.ds(s0, SPW)],
                              osem.at[k]).wait()


def _kernel_bds(x, table, pos_enc):
    mesh = plsc.VectorSubcoreMesh(core_axis_name="c", subcore_axis_name="s")
    return pl.kernel(
        _emb_body,
        out_type=jax.ShapeDtypeStruct((B, D, S), jnp.float32),
        mesh=mesh,
        scratch_types=[
            pltpu.VMEM((B, SPW), jnp.int32),
            pltpu.VMEM((SPW, D), jnp.float32),
            pltpu.VMEM((NBUF, SPW, D), jnp.float32),
            pltpu.VMEM((NBUF, D, SPW), jnp.float32),
            pltpu.SemaphoreType.DMA((NBUF,)),
            pltpu.SemaphoreType.DMA((NBUF,)),
        ],
        compiler_params=pltpu.CompilerParams(use_tc_tiling_on_sc=False, needs_layout_passes=False),
    )(x, table, pos_enc)


@jax.jit
def kernel(x, table, pos_enc):
    return jnp.transpose(_kernel_bds(x, table, pos_enc), (0, 2, 1))

# --- scband reference (transcript-rebuilt; emitter-appended) ---
"""Pipeline reference for scband-embedding-block-70136815944153 (READ-ONLY COPY).

The authoritative reference and input builder live on the scoring server;
editing this copy changes nothing except your own understanding.
"""

import jax, jax.numpy as jnp
import numpy as np

B, S, V, D = 64, 2048, 1000000, 64


def _positional_encoding(channels, length):
    # standard sinusoidal positional encoding [length, channels]
    pos = np.arange(length, dtype=np.float32)[:, None]
    i = np.arange(channels, dtype=np.float32)[None, :]
    angle_rates = 1.0 / np.power(10000.0, (2.0 * np.floor(i / 2.0)) / float(channels))
    angles = pos * angle_rates
    pe = np.zeros((length, channels), dtype=np.float32)
    pe[:, 0::2] = np.sin(angles[:, 0::2])
    pe[:, 1::2] = np.cos(angles[:, 1::2])
    return jnp.asarray(pe)


def setup_inputs(seed: int = 0) -> dict:
    key = jax.random.key(seed)
    k1, k2 = jax.random.split(key, 2)
    x = jax.random.randint(k1, (B, S), 0, V, dtype=jnp.int32)
    table = jax.random.normal(k2, (V, D), dtype=jnp.float32) * 0.02
    pos_enc = _positional_encoding(D, S)
    return {"x": x, "table": table, "pos_enc": pos_enc}


def reference(x, table, pos_enc):
    # embedding lookup (gather) -> add positional encoding -> dropout (identity in eval)
    emb = jnp.take(table, x, axis=0)          # [B, S, D]
    out = emb + pos_enc[None, :, :]           # broadcast positional encoding
    return out

if __name__ == "__main__":
    import jax
    _d = setup_inputs()
    print(jax.jit(kernel)(*tuple(_d.values())))

</pallas_src>

<mosaic_0001>
#map = affine_map<(d0, d1) -> (0, 0)>
#map1 = affine_map<(d0, d1) -> (0, 0, 0)>
module attributes {stable_mosaic.version = 14 : i64} {
  func.func @_emb_body(%arg0: i32, %arg1: i32, %arg2: memref<64x2048xi32, #tpu.memory_space<hbm>>, %arg3: memref<1000000x64xf32, #tpu.memory_space<hbm>>, %arg4: memref<2048x64xf32, #tpu.memory_space<hbm>>, %arg5: memref<64x64x2048xf32, #tpu.memory_space<hbm>>, %arg6: memref<64x64xi32, #tpu.memory_space<vmem>>, %arg7: memref<64x64xf32, #tpu.memory_space<vmem>>, %arg8: memref<8x64x64xf32, #tpu.memory_space<vmem>>, %arg9: memref<8x64x64xf32, #tpu.memory_space<vmem>>, %arg10: memref<8x!tpu.dma_semaphore, #tpu.memory_space<semaphore_mem>>, %arg11: memref<8x!tpu.dma_semaphore, #tpu.memory_space<semaphore_mem>>) attributes {dimension_semantics = [#tpu.dimension_semantics<core_parallel>, #tpu.dimension_semantics<subcore_parallel>], iteration_bounds = array<i64: 2, 16>, scalar_prefetch = 0 : i64, scratch_operands = 6 : i64, tpu.core_type = #tpu.core_type<sc_vector_subcore>, window_params = [{transform_indices = #map}, {transform_indices = #map}, {transform_indices = #map}, {transform_indices = #map1}]} {
    %mul3A = arith.constant 2 : i32
    %mul3A_0 = arith.muli %arg1, %mul3A : i32
    %add3A = arith.addi %mul3A_0, %arg0 : i32
    %mul3A_1 = arith.constant 64 : i32
    %mul3A_2 = arith.muli %add3A, %mul3A_1 : i32
    "tpu.region"() ({
      %run_scoped3A = tpu.sem_alloc : memref<!tpu.dma_semaphore, #tpu.memory_space<semaphore_mem>>
      %dma_start3A_217 = arith.constant 0 : i32
      %dma_start3A_218 = tpu.memref_slice %arg2[%dma_start3A_217, %mul3A_2] : memref<64x2048xi32, #tpu.memory_space<hbm>> -> memref<64x64xi32, #tpu.memory_space<hbm>>
      %dma_start3A_219 = arith.constant 0 : i32
      %dma_start3A_220 = tpu.memref_slice %arg2[%dma_start3A_219, %mul3A_2] : memref<64x2048xi32, #tpu.memory_space<hbm>> -> memref<64x64xi32, #tpu.memory_space<hbm>>
      tpu.enqueue_dma source(%dma_start3A_220 : memref<64x64xi32, #tpu.memory_space<hbm>>) target(%arg6 : memref<64x64xi32, #tpu.memory_space<vmem>>) target_semaphore(%run_scoped3A : memref<!tpu.dma_semaphore, #tpu.memory_space<semaphore_mem>>)
      %dma_wait3A_221 = arith.constant 0 : i32
      %dma_wait3A_222 = tpu.memref_slice %arg2[%dma_wait3A_221, %mul3A_2] : memref<64x2048xi32, #tpu.memory_space<hbm>> -> memref<64x64xi32, #tpu.memory_space<hbm>>
      %dma_wait3A_223 = arith.constant 0 : i32
      %dma_wait3A_224 = tpu.memref_slice %arg2[%dma_wait3A_223, %mul3A_2] : memref<64x2048xi32, #tpu.memory_space<hbm>> -> memref<64x64xi32, #tpu.memory_space<hbm>>
      tpu.wait_dma2 semaphore(%run_scoped3A : memref<!tpu.dma_semaphore, #tpu.memory_space<semaphore_mem>>) src(%dma_wait3A_224 : memref<64x64xi32, #tpu.memory_space<hbm>>) dst(%arg6 : memref<64x64xi32, #tpu.memory_space<vmem>>)
      tpu.yield
    }) : () -> ()
    "tpu.region"() ({
      %run_scoped3A = tpu.sem_alloc : memref<!tpu.dma_semaphore, #tpu.memory_space<semaphore_mem>>
      %dma_start3A_217 = arith.constant 0 : i32
      %dma_start3A_218 = tpu.memref_slice %arg4[%mul3A_2, %dma_start3A_217] : memref<2048x64xf32, #tpu.memory_space<hbm>> -> memref<64x64xf32, #tpu.memory_space<hbm>>
      %dma_start3A_219 = arith.constant 0 : i32
      %dma_start3A_220 = tpu.memref_slice %arg4[%mul3A_2, %dma_start3A_219] : memref<2048x64xf32, #tpu.memory_space<hbm>> -> memref<64x64xf32, #tpu.memory_space<hbm>>
      tpu.enqueue_dma source(%dma_start3A_220 : memref<64x64xf32, #tpu.memory_space<hbm>>) target(%arg7 : memref<64x64xf32, #tpu.memory_space<vmem>>) target_semaphore(%run_scoped3A : memref<!tpu.dma_semaphore, #tpu.memory_space<semaphore_mem>>)
      %dma_wait3A_221 = arith.constant 0 : i32
      %dma_wait3A_222 = tpu.memref_slice %arg4[%mul3A_2, %dma_wait3A_221] : memref<2048x64xf32, #tpu.memory_space<hbm>> -> memref<64x64xf32, #tpu.memory_space<hbm>>
      %dma_wait3A_223 = arith.constant 0 : i32
      %dma_wait3A_224 = tpu.memref_slice %arg4[%mul3A_2, %dma_wait3A_223] : memref<2048x64xf32, #tpu.memory_space<hbm>> -> memref<64x64xf32, #tpu.memory_space<hbm>>
      tpu.wait_dma2 semaphore(%run_scoped3A : memref<!tpu.dma_semaphore, #tpu.memory_space<semaphore_mem>>) src(%dma_wait3A_224 : memref<64x64xf32, #tpu.memory_space<hbm>>) dst(%arg7 : memref<64x64xf32, #tpu.memory_space<vmem>>)
      tpu.yield
    }) : () -> ()
    %dma_start3A = arith.constant 0 : i32
    %dma_start3A_3 = arith.constant 0 : i32
    %dma_start3A_4 = arith.constant 0 : i32
    %dma_start3A_5 = arith.constant 0 : i32
    %dma_start3A_6 = arith.constant 0 : i32
    %dma_start3A_7 = tpu.memref_slice %arg8[%dma_start3A_3, %dma_start3A_5, %dma_start3A_6] : memref<8x64x64xf32, #tpu.memory_space<vmem>> -> memref<1x64x64xf32, #tpu.memory_space<vmem>>
    %dma_start3A_8 = tpu.memref_squeeze %dma_start3A_7 : memref<1x64x64xf32, #tpu.memory_space<vmem>> -> memref<64x64xf32, #tpu.memory_space<vmem>>
    %dma_start3A_9 = arith.constant 0 : i32
    %dma_start3A_10 = tpu.memref_slice %arg6[%dma_start3A, %dma_start3A_9] : memref<64x64xi32, #tpu.memory_space<vmem>> -> memref<1x64xi32, #tpu.memory_space<vmem>>
    %dma_start3A_11 = tpu.memref_squeeze %dma_start3A_10 : memref<1x64xi32, #tpu.memory_space<vmem>> -> memref<64xi32, #tpu.memory_space<vmem>>
    %dma_start3A_12 = arith.constant 0 : i32
    %dma_start3A_13 = arith.constant 0 : i32
    %dma_start3A_14 = tpu.memref_slice %arg3[%dma_start3A_12, %dma_start3A_13] : memref<1000000x64xf32, #tpu.memory_space<hbm>> -> memref<1000000x64xf32, #tpu.memory_space<hbm>>
    %dma_start3A_15 = tpu.memref_slice %arg10[%dma_start3A_4] : memref<8x!tpu.dma_semaphore, #tpu.memory_space<semaphore_mem>> -> memref<1x!tpu.dma_semaphore, #tpu.memory_space<semaphore_mem>>
    %dma_start3A_16 = tpu.memref_squeeze %dma_start3A_15 : memref<1x!tpu.dma_semaphore, #tpu.memory_space<semaphore_mem>> -> memref<!tpu.dma_semaphore, #tpu.memory_space<semaphore_mem>>
    tpu.enqueue_indirect_dma source(%dma_start3A_14 : memref<1000000x64xf32, #tpu.memory_space<hbm>>) target(%dma_start3A_8 : memref<64x64xf32, #tpu.memory_space<vmem>>) offsets(%dma_start3A_11 : memref<64xi32, #tpu.memory_space<vmem>>) semaphore(%dma_start3A_16 : memref<!tpu.dma_semaphore, #tpu.memory_space<semaphore_mem>>)
    %dma_start3A_17 = arith.constant 1 : i32
    %dma_start3A_18 = arith.constant 1 : i32
    %dma_start3A_19 = arith.constant 1 : i32
    %dma_start3A_20 = arith.constant 0 : i32
    %dma_start3A_21 = arith.constant 0 : i32
    %dma_start3A_22 = tpu.memref_slice %arg8[%dma_start3A_18, %dma_start3A_20, %dma_start3A_21] : memref<8x64x64xf32, #tpu.memory_space<vmem>> -> memref<1x64x64xf32, #tpu.memory_space<vmem>>
    %dma_start3A_23 = tpu.memref_squeeze %dma_start3A_22 : memref<1x64x64xf32, #tpu.memory_space<vmem>> -> memref<64x64xf32, #tpu.memory_space<vmem>>
    %dma_start3A_24 = arith.constant 0 : i32
    %dma_start3A_25 = tpu.memref_slice %arg6[%dma_start3A_17, %dma_start3A_24] : memref<64x64xi32, #tpu.memory_space<vmem>> -> memref<1x64xi32, #tpu.memory_space<vmem>>
    %dma_start3A_26 = tpu.memref_squeeze %dma_start3A_25 : memref<1x64xi32, #tpu.memory_space<vmem>> -> memref<64xi32, #tpu.memory_space<vmem>>
    %dma_start3A_27 = arith.constant 0 : i32
    %dma_start3A_28 = arith.constant 0 : i32
    %dma_start3A_29 = tpu.memref_slice %arg3[%dma_start3A_27, %dma_start3A_28] : memref<1000000x64xf32, #tpu.memory_space<hbm>> -> memref<1000000x64xf32, #tpu.memory_space<hbm>>
    %dma_start3A_30 = tpu.memref_slice %arg10[%dma_start3A_19] : memref<8x!tpu.dma_semaphore, #tpu.memory_space<semaphore_mem>> -> memref<1x!tpu.dma_semaphore, #tpu.memory_space<semaphore_mem>>
    %dma_start3A_31 = tpu.memref_squeeze %dma_start3A_30 : memref<1x!tpu.dma_semaphore, #tpu.memory_space<semaphore_mem>> -> memref<!tpu.dma_semaphore, #tpu.memory_space<semaphore_mem>>
    tpu.enqueue_indirect_dma source(%dma_start3A_29 : memref<1000000x64xf32, #tpu.memory_space<hbm>>) target(%dma_start3A_23 : memref<64x64xf32, #tpu.memory_space<vmem>>) offsets(%dma_start3A_26 : memref<64xi32, #tpu.memory_space<vmem>>) semaphore(%dma_start3A_31 : memref<!tpu.dma_semaphore, #tpu.memory_space<semaphore_mem>>)
    %dma_start3A_32 = arith.constant 2 : i32
    %dma_start3A_33 = arith.constant 2 : i32
    %dma_start3A_34 = arith.constant 2 : i32
    %dma_start3A_35 = arith.constant 0 : i32
    %dma_start3A_36 = arith.constant 0 : i32
    %dma_start3A_37 = tpu.memref_slice %arg8[%dma_start3A_33, %dma_start3A_35, %dma_start3A_36] : memref<8x64x64xf32, #tpu.memory_space<vmem>> -> memref<1x64x64xf32, #tpu.memory_space<vmem>>
    %dma_start3A_38 = tpu.memref_squeeze %dma_start3A_37 : memref<1x64x64xf32, #tpu.memory_space<vmem>> -> memref<64x64xf32, #tpu.memory_space<vmem>>
    %dma_start3A_39 = arith.constant 0 : i32
    %dma_start3A_40 = tpu.memref_slice %arg6[%dma_start3A_32, %dma_start3A_39] : memref<64x64xi32, #tpu.memory_space<vmem>> -> memref<1x64xi32, #tpu.memory_space<vmem>>
    %dma_start3A_41 = tpu.memref_squeeze %dma_start3A_40 : memref<1x64xi32, #tpu.memory_space<vmem>> -> memref<64xi32, #tpu.memory_space<vmem>>
    %dma_start3A_42 = arith.constant 0 : i32
    %dma_start3A_43 = arith.constant 0 : i32
    %dma_start3A_44 = tpu.memref_slice %arg3[%dma_start3A_42, %dma_start3A_43] : memref<1000000x64xf32, #tpu.memory_space<hbm>> -> memref<1000000x64xf32, #tpu.memory_space<hbm>>
    %dma_start3A_45 = tpu.memref_slice %arg10[%dma_start3A_34] : memref<8x!tpu.dma_semaphore, #tpu.memory_space<semaphore_mem>> -> memref<1x!tpu.dma_semaphore, #tpu.memory_space<semaphore_mem>>
    %dma_start3A_46 = tpu.memref_squeeze %dma_start3A_45 : memref<1x!tpu.dma_semaphore, #tpu.memory_space<semaphore_mem>> -> memref<!tpu.dma_semaphore, #tpu.memory_space<semaphore_mem>>
    tpu.enqueue_indirect_dma source(%dma_start3A_44 : memref<1000000x64xf32, #tpu.memory_space<hbm>>) target(%dma_start3A_38 : memref<64x64xf32, #tpu.memory_space<vmem>>) offsets(%dma_start3A_41 : memref<64xi32, #tpu.memory_space<vmem>>) semaphore(%dma_start3A_46 : memref<!tpu.dma_semaphore, #tpu.memory_space<semaphore_mem>>)
    %dma_start3A_47 = arith.constant 3 : i32
    %dma_start3A_48 = arith.constant 3 : i32
    %dma_start3A_49 = arith.constant 3 : i32
    %dma_start3A_50 = arith.constant 0 : i32
    %dma_start3A_51 = arith.constant 0 : i32
    %dma_start3A_52 = tpu.memref_slice %arg8[%dma_start3A_48, %dma_start3A_50, %dma_start3A_51] : memref<8x64x64xf32, #tpu.memory_space<vmem>> -> memref<1x64x64xf32, #tpu.memory_space<vmem>>
    %dma_start3A_53 = tpu.memref_squeeze %dma_start3A_52 : memref<1x64x64xf32, #tpu.memory_space<vmem>> -> memref<64x64xf32, #tpu.memory_space<vmem>>
    %dma_start3A_54 = arith.constant 0 : i32
    %dma_start3A_55 = tpu.memref_slice %arg6[%dma_start3A_47, %dma_start3A_54] : memref<64x64xi32, #tpu.memory_space<vmem>> -> memref<1x64xi32, #tpu.memory_space<vmem>>
    %dma_start3A_56 = tpu.memref_squeeze %dma_start3A_55 : memref<1x64xi32, #tpu.memory_space<vmem>> -> memref<64xi32, #tpu.memory_space<vmem>>
    %dma_start3A_57 = arith.constant 0 : i32
    %dma_start3A_58 = arith.constant 0 : i32
    %dma_start3A_59 = tpu.memref_slice %arg3[%dma_start3A_57, %dma_start3A_58] : memref<1000000x64xf32, #tpu.memory_space<hbm>> -> memref<1000000x64xf32, #tpu.memory_space<hbm>>
    %dma_start3A_60 = tpu.memref_slice %arg10[%dma_start3A_49] : memref<8x!tpu.dma_semaphore, #tpu.memory_space<semaphore_mem>> -> memref<1x!tpu.dma_semaphore, #tpu.memory_space<semaphore_mem>>
    %dma_start3A_61 = tpu.memref_squeeze %dma_start3A_60 : memref<1x!tpu.dma_semaphore, #tpu.memory_space<semaphore_mem>> -> memref<!tpu.dma_semaphore, #tpu.memory_space<semaphore_mem>>
    tpu.enqueue_indirect_dma source(%dma_start3A_59 : memref<1000000x64xf32, #tpu.memory_space<hbm>>) target(%dma_start3A_53 : memref<64x64xf32, #tpu.memory_space<vmem>>) offsets(%dma_start3A_56 : memref<64xi32, #tpu.memory_space<vmem>>) semaphore(%dma_start3A_61 : memref<!tpu.dma_semaphore, #tpu.memory_space<semaphore_mem>>)
    %scan3A = arith.constant 0 : i32
    %scan3A_62 = arith.constant 8 : i32
    %scan3A_63 = arith.addi %scan3A, %scan3A_62 : i32
    %scan3A_64 = arith.constant 1 : i32
    scf.for %scan3A_217 = %scan3A to %scan3A_63 step %scan3A_64  : i32 {
      %mul3A_218 = arith.constant 8 : i32
      %mul3A_219 = arith.muli %scan3A_217, %mul3A_218 : i32
      %add3A_220 = arith.constant 0 : i32
      %add3A_221 = arith.addi %add3A_220, %mul3A_219 : i32
      %add3A_222 = arith.constant 0 : i32
      %add3A_223 = arith.addi %add3A_221, %add3A_222 : i32
      %dma_wait3A_224 = arith.constant 0 : i32
      %dma_wait3A_225 = arith.constant 0 : i32
      %dma_wait3A_226 = arith.constant 0 : i32
      %dma_wait3A_227 = arith.constant 0 : i32
      %dma_wait3A_228 = arith.constant 0 : i32
      %dma_wait3A_229 = tpu.memref_slice %arg8[%dma_wait3A_225, %dma_wait3A_227, %dma_wait3A_228] : memref<8x64x64xf32, #tpu.memory_space<vmem>> -> memref<1x64x64xf32, #tpu.memory_space<vmem>>
      %dma_wait3A_230 = tpu.memref_squeeze %dma_wait3A_229 : memref<1x64x64xf32, #tpu.memory_space<vmem>> -> memref<64x64xf32, #tpu.memory_space<vmem>>
      %dma_wait3A_231 = arith.constant 0 : i32
      %dma_wait3A_232 = tpu.memref_slice %arg6[%dma_wait3A_224, %dma_wait3A_231] : memref<64x64xi32, #tpu.memory_space<vmem>> -> memref<1x64xi32, #tpu.memory_space<vmem>>
      %dma_wait3A_233 = tpu.memref_squeeze %dma_wait3A_232 : memref<1x64xi32, #tpu.memory_space<vmem>> -> memref<64xi32, #tpu.memory_space<vmem>>
      %dma_wait3A_234 = arith.constant 0 : i32
      %dma_wait3A_235 = arith.constant 0 : i32
      %dma_wait3A_236 = tpu.memref_slice %arg3[%dma_wait3A_234, %dma_wait3A_235] : memref<1000000x64xf32, #tpu.memory_space<hbm>> -> memref<1000000x64xf32, #tpu.memory_space<hbm>>
      %dma_wait3A_237 = tpu.memref_slice %arg10[%dma_wait3A_226] : memref<8x!tpu.dma_semaphore, #tpu.memory_space<semaphore_mem>> -> memref<1x!tpu.dma_semaphore, #tpu.memory_space<semaphore_mem>>
      %dma_wait3A_238 = tpu.memref_squeeze %dma_wait3A_237 : memref<1x!tpu.dma_semaphore, #tpu.memory_space<semaphore_mem>> -> memref<!tpu.dma_semaphore, #tpu.memory_space<semaphore_mem>>
      tpu.wait_indirect_dma semaphore(%dma_wait3A_238 : memref<!tpu.dma_semaphore, #tpu.memory_space<semaphore_mem>>) src(%dma_wait3A_236 : memref<1000000x64xf32, #tpu.memory_space<hbm>>) dst(%dma_wait3A_230 : memref<64x64xf32, #tpu.memory_space<vmem>>)
      %scan3A_239 = arith.constant 0 : i32
      %scan3A_240 = arith.constant 0 : i32
      %scan3A_241 = arith.constant 64 : i32
      %scan3A_242 = arith.addi %scan3A_240, %scan3A_241 : i32
      %scan3A_243 = arith.constant 1 : i32
      scf.for %scan3A_713 = %scan3A_240 to %scan3A_242 step %scan3A_243  : i32 {
        %get3A = arith.index_cast %scan3A_713 : i32 to index
        %get3A_714 = arith.constant 0 : index
        %get3A_715 = tpu.vector_load %arg7[%get3A, %get3A_714] {strides = array<i32>} : memref<64x64xf32, #tpu.memory_space<vmem>>, vector<16xf32>,
        %swap3A = arith.constant 0 : i32
        %swap3A_716 = arith.index_cast %swap3A : i32 to index
        %swap3A_717 = arith.index_cast %scan3A_713 : i32 to index
        %swap3A_718 = arith.constant 0 : index
        %swap3A_719 = tpu.vector_load %arg8[%swap3A_716, %swap3A_717, %swap3A_718] {strides = array<i32>} : memref<8x64x64xf32, #tpu.memory_space<vmem>>, vector<16xf32>,
        tpu.vector_store %arg8[%swap3A_716, %swap3A_717, %swap3A_718], %get3A_715 {add = true, strides = array<i32>} : memref<8x64x64xf32, #tpu.memory_space<vmem>>, vector<16xf32>,
        %get3A_720 = arith.index_cast %scan3A_713 : i32 to index
        %get3A_721 = arith.constant 16 : index
        %get3A_722 = tpu.vector_load %arg7[%get3A_720, %get3A_721] {strides = array<i32>} : memref<64x64xf32, #tpu.memory_space<vmem>>, vector<16xf32>,
        %swap3A_723 = arith.constant 0 : i32
        %swap3A_724 = arith.index_cast %swap3A_723 : i32 to index
        %swap3A_725 = arith.index_cast %scan3A_713 : i32 to index
        %swap3A_726 = arith.constant 16 : index
        %swap3A_727 = tpu.vector_load %arg8[%swap3A_724, %swap3A_725, %swap3A_726] {strides = array<i32>} : memref<8x64x64xf32, #tpu.memory_space<vmem>>, vector<16xf32>,
        tpu.vector_store %arg8[%swap3A_724, %swap3A_725, %swap3A_726], %get3A_722 {add = true, strides = array<i32>} : memref<8x64x64xf32, #tpu.memory_space<vmem>>, vector<16xf32>,
        %get3A_728 = arith.index_cast %scan3A_713 : i32 to index
        %get3A_729 = arith.constant 32 : index
        %get3A_730 = tpu.vector_load %arg7[%get3A_728, %get3A_729] {strides = array<i32>} : memref<64x64xf32, #tpu.memory_space<vmem>>, vector<16xf32>,
        %swap3A_731 = arith.constant 0 : i32
        %swap3A_732 = arith.index_cast %swap3A_731 : i32 to index
        %swap3A_733 = arith.index_cast %scan3A_713 : i32 to index
        %swap3A_734 = arith.constant 32 : index
        %swap3A_735 = tpu.vector_load %arg8[%swap3A_732, %swap3A_733, %swap3A_734] {strides = array<i32>} : memref<8x64x64xf32, #tpu.memory_space<vmem>>, vector<16xf32>,
        tpu.vector_store %arg8[%swap3A_732, %swap3A_733, %swap3A_734], %get3A_730 {add = true, strides = array<i32>} : memref<8x64x64xf32, #tpu.memory_space<vmem>>, vector<16xf32>,
        %get3A_736 = arith.index_cast %scan3A_713 : i32 to index
        %get3A_737 = arith.constant 48 : index
        %get3A_738 = tpu.vector_load %arg7[%get3A_736, %get3A_737] {strides = array<i32>} : memref<64x64xf32, #tpu.memory_space<vmem>>, vector<16xf32>,
        %swap3A_739 = arith.constant 0 : i32
        %swap3A_740 = arith.index_cast %swap3A_739 : i32 to index
        %swap3A_741 = arith.index_cast %scan3A_713 : i32 to index
        %swap3A_742 = arith.constant 48 : index
        %swap3A_743 = tpu.vector_load %arg8[%swap3A_740, %swap3A_741, %swap3A_742] {strides = array<i32>} : memref<8x64x64xf32, #tpu.memory_space<vmem>>, vector<16xf32>,
        tpu.vector_store %arg8[%swap3A_740, %swap3A_741, %swap3A_742], %get3A_738 {add = true, strides = array<i32>} : memref<8x64x64xf32, #tpu.memory_space<vmem>>, vector<16xf32>,
      }
      %scan3A_244 = arith.constant 64 : i32
      %scan3A_245 = arith.constant 0 : i32
      %scan3A_246 = arith.constant 0 : i32
      %scan3A_247 = arith.constant 64 : i32
      %scan3A_248 = arith.addi %scan3A_246, %scan3A_247 : i32
      %scan3A_249 = arith.constant 1 : i32
      scf.for %scan3A_713 = %scan3A_246 to %scan3A_248 step %scan3A_249  : i32 {
        %broadcast_in_dim3A = vector.broadcast %scan3A_713 : i32 to vector<16xi32>
        %iota3A = tpu.iota {dimensions = array<i32: 0>} : vector<16xi32>
        %add3A_714 = arith.constant 0 : i32
        %add3A_715 = vector.broadcast %add3A_714 : i32 to vector<16xi32>
        %add3A_716 = arith.addi %iota3A, %add3A_715 : vector<16xi32>
        %gather3A = arith.constant 0 : i32
        %gather3A_717 = arith.constant 0 : i32
        %gather3A_718 = arith.constant 0 : i32
        %gather3A_719 = tpu.memref_slice %arg8[%gather3A, %gather3A_717, %gather3A_718] : memref<8x64x64xf32, #tpu.memory_space<vmem>> -> memref<1x64x64xf32, #tpu.memory_space<vmem>>
        %gather3A_720 = tpu.memref_squeeze %gather3A_719 : memref<1x64x64xf32, #tpu.memory_space<vmem>> -> memref<64x64xf32, #tpu.memory_space<vmem>>
        %gather3A_721 = tpu.vector_load_idx %gather3A_720[%add3A_716, %broadcast_in_dim3A] : memref<64x64xf32, #tpu.memory_space<vmem>>[vector<16xi32>, vector<16xi32>], vector<16xf32>,
        %swap3A = arith.constant 0 : i32
        %swap3A_722 = arith.index_cast %swap3A : i32 to index
        %swap3A_723 = arith.index_cast %scan3A_713 : i32 to index
        %swap3A_724 = arith.constant 0 : index
        %swap3A_725 = tpu.vector_load %arg9[%swap3A_722, %swap3A_723, %swap3A_724] {strides = array<i32>} : memref<8x64x64xf32, #tpu.memory_space<vmem>>, vector<16xf32>,
        tpu.vector_store %arg9[%swap3A_722, %swap3A_723, %swap3A_724], %gather3A_721 {strides = array<i32>} : memref<8x64x64xf32, #tpu.memory_space<vmem>>, vector<16xf32>,
        %iota3A_726 = tpu.iota {dimensions = array<i32: 0>} : vector<16xi32>
        %add3A_727 = arith.constant 16 : i32
        %add3A_728 = vector.broadcast %add3A_727 : i32 to vector<16xi32>
        %add3A_729 = arith.addi %iota3A_726, %add3A_728 : vector<16xi32>
        %gather3A_730 = arith.constant 0 : i32
        %gather3A_731 = arith.constant 0 : i32
        %gather3A_732 = arith.constant 0 : i32
        %gather3A_733 = tpu.memref_slice %arg8[%gather3A_730, %gather3A_731, %gather3A_732] : memref<8x64x64xf32, #tpu.memory_space<vmem>> -> memref<1x64x64xf32, #tpu.memory_space<vmem>>
        %gather3A_734 = tpu.memref_squeeze %gather3A_733 : memref<1x64x64xf32, #tpu.memory_space<vmem>> -> memref<64x64xf32, #tpu.memory_space<vmem>>
        %gather3A_735 = tpu.vector_load_idx %gather3A_734[%add3A_729, %broadcast_in_dim3A] : memref<64x64xf32, #tpu.memory_space<vmem>>[vector<16xi32>, vector<16xi32>], vector<16xf32>,
        %swap3A_736 = arith.constant 0 : i32
        %swap3A_737 = arith.index_cast %swap3A_736 : i32 to index
        %swap3A_738 = arith.index_cast %scan3A_713 : i32 to index
        %swap3A_739 = arith.constant 16 : index
        %swap3A_740 = tpu.vector_load %arg9[%swap3A_737, %swap3A_738, %swap3A_739] {strides = array<i32>} : memref<8x64x64xf32, #tpu.memory_space<vmem>>, vector<16xf32>,
        tpu.vector_store %arg9[%swap3A_737, %swap3A_738, %swap3A_739], %gather3A_735 {strides = array<i32>} : memref<8x64x64xf32, #tpu.memory_space<vmem>>, vector<16xf32>,
        %iota3A_741 = tpu.iota {dimensions = array<i32: 0>} : vector<16xi32>
        %add3A_742 = arith.constant 32 : i32
        %add3A_743 = vector.broadcast %add3A_742 : i32 to vector<16xi32>
        %add3A_744 = arith.addi %iota3A_741, %add3A_743 : vector<16xi32>
        %gather3A_745 = arith.constant 0 : i32
        %gather3A_746 = arith.constant 0 : i32
        %gather3A_747 = arith.constant 0 : i32
        %gather3A_748 = tpu.memref_slice %arg8[%gather3A_745, %gather3A_746, %gather3A_747] : memref<8x64x64xf32, #tpu.memory_space<vmem>> -> memref<1x64x64xf32, #tpu.memory_space<vmem>>
        %gather3A_749 = tpu.memref_squeeze %gather3A_748 : memref<1x64x64xf32, #tpu.memory_space<vmem>> -> memref<64x64xf32, #tpu.memory_space<vmem>>
        %gather3A_750 = tpu.vector_load_idx %gather3A_749[%add3A_744, %broadcast_in_dim3A] : memref<64x64xf32, #tpu.memory_space<vmem>>[vector<16xi32>, vector<16xi32>], vector<16xf32>,
        %swap3A_751 = arith.constant 0 : i32
        %swap3A_752 = arith.index_cast %swap3A_751 : i32 to index
        %swap3A_753 = arith.index_cast %scan3A_713 : i32 to index
        %swap3A_754 = arith.constant 32 : index
        %swap3A_755 = tpu.vector_load %arg9[%swap3A_752, %swap3A_753, %swap3A_754] {strides = array<i32>} : memref<8x64x64xf32, #tpu.memory_space<vmem>>, vector<16xf32>,
        tpu.vector_store %arg9[%swap3A_752, %swap3A_753, %swap3A_754], %gather3A_750 {strides = array<i32>} : memref<8x64x64xf32, #tpu.memory_space<vmem>>, vector<16xf32>,
        %iota3A_756 = tpu.iota {dimensions = array<i32: 0>} : vector<16xi32>
        %add3A_757 = arith.constant 48 : i32
        %add3A_758 = vector.broadcast %add3A_757 : i32 to vector<16xi32>
        %add3A_759 = arith.addi %iota3A_756, %add3A_758 : vector<16xi32>
        %gather3A_760 = arith.constant 0 : i32
        %gather3A_761 = arith.constant 0 : i32
        %gather3A_762 = arith.constant 0 : i32
        %gather3A_763 = tpu.memref_slice %arg8[%gather3A_760, %gather3A_761, %gather3A_762] : memref<8x64x64xf32, #tpu.memory_space<vmem>> -> memref<1x64x64xf32, #tpu.memory_space<vmem>>
        %gather3A_764 = tpu.memref_squeeze %gather3A_763 : memref<1x64x64xf32, #tpu.memory_space<vmem>> -> memref<64x64xf32, #tpu.memory_space<vmem>>
        %gather3A_765 = tpu.vector_load_idx %gather3A_764[%add3A_759, %broadcast_in_dim3A] : memref<64x64xf32, #tpu.memory_space<vmem>>[vector<16xi32>, vector<16xi32>], vector<16xf32>,
        %swap3A_766 = arith.constant 0 : i32
        %swap3A_767 = arith.index_cast %swap3A_766 : i32 to index
        %swap3A_768 = arith.index_cast %scan3A_713 : i32 to index
        %swap3A_769 = arith.constant 48 : index
        %swap3A_770 = tpu.vector_load %arg9[%swap3A_767, %swap3A_768, %swap3A_769] {strides = array<i32>} : memref<8x64x64xf32, #tpu.memory_space<vmem>>, vector<16xf32>,
        tpu.vector_store %arg9[%swap3A_767, %swap3A_768, %swap3A_769], %gather3A_765 {strides = array<i32>} : memref<8x64x64xf32, #tpu.memory_space<vmem>>, vector<16xf32>,
      }
      %scan3A_250 = arith.constant 64 : i32
      %dma_start3A_251 = arith.constant 0 : i32
      %dma_start3A_252 = arith.constant 0 : i32
      %dma_start3A_253 = arith.constant 0 : i32
      %dma_start3A_254 = arith.constant 0 : i32
      %dma_start3A_255 = tpu.memref_slice %arg9[%dma_start3A_251, %dma_start3A_253, %dma_start3A_254] : memref<8x64x64xf32, #tpu.memory_space<vmem>> -> memref<1x64x64xf32, #tpu.memory_space<vmem>>
      %dma_start3A_256 = tpu.memref_squeeze %dma_start3A_255 : memref<1x64x64xf32, #tpu.memory_space<vmem>> -> memref<64x64xf32, #tpu.memory_space<vmem>>
      %dma_start3A_257 = arith.constant 0 : i32
      %dma_start3A_258 = tpu.memref_slice %arg5[%add3A_223, %dma_start3A_257, %mul3A_2] : memref<64x64x2048xf32, #tpu.memory_space<hbm>> -> memref<1x64x64xf32, #tpu.memory_space<hbm>>
      %dma_start3A_259 = tpu.memref_squeeze %dma_start3A_258 : memref<1x64x64xf32, #tpu.memory_space<hbm>> -> memref<64x64xf32, #tpu.memory_space<hbm>>
      %dma_start3A_260 = tpu.memref_slice %arg11[%dma_start3A_252] : memref<8x!tpu.dma_semaphore, #tpu.memory_space<semaphore_mem>> -> memref<1x!tpu.dma_semaphore, #tpu.memory_space<semaphore_mem>>
      %dma_start3A_261 = tpu.memref_squeeze %dma_start3A_260 : memref<1x!tpu.dma_semaphore, #tpu.memory_space<semaphore_mem>> -> memref<!tpu.dma_semaphore, #tpu.memory_space<semaphore_mem>>
      %dma_start3A_262 = arith.constant 0 : i32
      %dma_start3A_263 = tpu.memref_slice %arg5[%add3A_223, %dma_start3A_262, %mul3A_2] : memref<64x64x2048xf32, #tpu.memory_space<hbm>> -> memref<1x64x64xf32, #tpu.memory_space<hbm>>
      %dma_start3A_264 = tpu.memref_squeeze %dma_start3A_263 : memref<1x64x64xf32, #tpu.memory_space<hbm>> -> memref<64x64xf32, #tpu.memory_space<hbm>>
      %dma_start3A_265 = arith.constant 0 : i32
      %dma_start3A_266 = arith.constant 0 : i32
      %dma_start3A_267 = tpu.memref_slice %arg9[%dma_start3A_251, %dma_start3A_265, %dma_start3A_266] : memref<8x64x64xf32, #tpu.memory_space<vmem>> -> memref<1x64x64xf32, #tpu.memory_space<vmem>>
      %dma_start3A_268 = tpu.memref_squeeze %dma_start3A_267 : memref<1x64x64xf32, #tpu.memory_space<vmem>> -> memref<64x64xf32, #tpu.memory_space<vmem>>
      tpu.enqueue_dma source(%dma_start3A_268 : memref<64x64xf32, #tpu.memory_space<vmem>>) target(%dma_start3A_264 : memref<64x64xf32, #tpu.memory_space<hbm>>) target_semaphore(%dma_start3A_261 : memref<!tpu.dma_semaphore, #tpu.memory_space<semaphore_mem>>)
      %add3A_269 = arith.constant 4 : i32
      %add3A_270 = arith.addi %add3A_223, %add3A_269 : i32
      %ge3A = arith.constant 8 : i32
      %ge3A_271 = arith.cmpi sge, %add3A_270, %ge3A : i32
      %lt3A = arith.constant 64 : i32
      %lt3A_272 = arith.cmpi slt, %add3A_270, %lt3A : i32
      %and3A = arith.andi %ge3A_271, %lt3A_272 : i1
      %convert_element_type3A = arith.extui %and3A : i1 to i32
      %cond3A = arith.constant 0 : i32
      %cond3A_273 = arith.cmpi ne, %convert_element_type3A, %cond3A : i32
      scf.if %cond3A_273 {
        %dma_wait3A_713 = arith.constant 4 : i32
        %dma_wait3A_714 = arith.constant 4 : i32
        %dma_wait3A_715 = arith.constant 0 : i32
        %dma_wait3A_716 = arith.constant 0 : i32
        %dma_wait3A_717 = tpu.memref_slice %arg9[%dma_wait3A_713, %dma_wait3A_715, %dma_wait3A_716] : memref<8x64x64xf32, #tpu.memory_space<vmem>> -> memref<1x64x64xf32, #tpu.memory_space<vmem>>
        %dma_wait3A_718 = tpu.memref_squeeze %dma_wait3A_717 : memref<1x64x64xf32, #tpu.memory_space<vmem>> -> memref<64x64xf32, #tpu.memory_space<vmem>>
        %dma_wait3A_719 = arith.constant 0 : i32
        %dma_wait3A_720 = tpu.memref_slice %arg5[%add3A_223, %dma_wait3A_719, %mul3A_2] : memref<64x64x2048xf32, #tpu.memory_space<hbm>> -> memref<1x64x64xf32, #tpu.memory_space<hbm>>
        %dma_wait3A_721 = tpu.memref_squeeze %dma_wait3A_720 : memref<1x64x64xf32, #tpu.memory_space<hbm>> -> memref<64x64xf32, #tpu.memory_space<hbm>>
        %dma_wait3A_722 = tpu.memref_slice %arg11[%dma_wait3A_714] : memref<8x!tpu.dma_semaphore, #tpu.memory_space<semaphore_mem>> -> memref<1x!tpu.dma_semaphore, #tpu.memory_space<semaphore_mem>>
        %dma_wait3A_723 = tpu.memref_squeeze %dma_wait3A_722 : memref<1x!tpu.dma_semaphore, #tpu.memory_space<semaphore_mem>> -> memref<!tpu.dma_semaphore, #tpu.memory_space<semaphore_mem>>
        %dma_wait3A_724 = arith.constant 0 : i32
        %dma_wait3A_725 = tpu.memref_slice %arg5[%add3A_223, %dma_wait3A_724, %mul3A_2] : memref<64x64x2048xf32, #tpu.memory_space<hbm>> -> memref<1x64x64xf32, #tpu.memory_space<hbm>>
        %dma_wait3A_726 = tpu.memref_squeeze %dma_wait3A_725 : memref<1x64x64xf32, #tpu.memory_space<hbm>> -> memref<64x64xf32, #tpu.memory_space<hbm>>
        %dma_wait3A_727 = arith.constant 0 : i32
        %dma_wait3A_728 = arith.constant 0 : i32
        %dma_wait3A_729 = tpu.memref_slice %arg9[%dma_wait3A_713, %dma_wait3A_727, %dma_wait3A_728] : memref<8x64x64xf32, #tpu.memory_space<vmem>> -> memref<1x64x64xf32, #tpu.memory_space<vmem>>
        %dma_wait3A_730 = tpu.memref_squeeze %dma_wait3A_729 : memref<1x64x64xf32, #tpu.memory_space<vmem>> -> memref<64x64xf32, #tpu.memory_space<vmem>>
        tpu.wait_dma2 semaphore(%dma_wait3A_723 : memref<!tpu.dma_semaphore, #tpu.memory_space<semaphore_mem>>) src(%dma_wait3A_730 : memref<64x64xf32, #tpu.memory_space<vmem>>) dst(%dma_wait3A_726 : memref<64x64xf32, #tpu.memory_space<hbm>>)
      } else {
      }
      %lt3A_274 = arith.constant 64 : i32
      %lt3A_275 = arith.cmpi slt, %add3A_270, %lt3A_274 : i32
      %convert_element_type3A_276 = arith.extui %lt3A_275 : i1 to i32
      %cond3A_277 = arith.constant 0 : i32
      %cond3A_278 = arith.cmpi ne, %convert_element_type3A_276, %cond3A_277 : i32
      scf.if %cond3A_278 {
        %dma_start3A_713 = arith.constant 4 : i32
        %dma_start3A_714 = arith.constant 4 : i32
        %dma_start3A_715 = arith.constant 0 : i32
        %dma_start3A_716 = arith.constant 0 : i32
        %dma_start3A_717 = tpu.memref_slice %arg8[%dma_start3A_713, %dma_start3A_715, %dma_start3A_716] : memref<8x64x64xf32, #tpu.memory_space<vmem>> -> memref<1x64x64xf32, #tpu.memory_space<vmem>>
        %dma_start3A_718 = tpu.memref_squeeze %dma_start3A_717 : memref<1x64x64xf32, #tpu.memory_space<vmem>> -> memref<64x64xf32, #tpu.memory_space<vmem>>
        %dma_start3A_719 = arith.constant 0 : i32
        %dma_start3A_720 = tpu.memref_slice %arg6[%add3A_270, %dma_start3A_719] : memref<64x64xi32, #tpu.memory_space<vmem>> -> memref<1x64xi32, #tpu.memory_space<vmem>>
        %dma_start3A_721 = tpu.memref_squeeze %dma_start3A_720 : memref<1x64xi32, #tpu.memory_space<vmem>> -> memref<64xi32, #tpu.memory_space<vmem>>
        %dma_start3A_722 = arith.constant 0 : i32
        %dma_start3A_723 = arith.constant 0 : i32
        %dma_start3A_724 = tpu.memref_slice %arg3[%dma_start3A_722, %dma_start3A_723] : memref<1000000x64xf32, #tpu.memory_space<hbm>> -> memref<1000000x64xf32, #tpu.memory_space<hbm>>
        %dma_start3A_725 = tpu.memref_slice %arg10[%dma_start3A_714] : memref<8x!tpu.dma_semaphore, #tpu.memory_space<semaphore_mem>> -> memref<1x!tpu.dma_semaphore, #tpu.memory_space<semaphore_mem>>
        %dma_start3A_726 = tpu.memref_squeeze %dma_start3A_725 : memref<1x!tpu.dma_semaphore, #tpu.memory_space<semaphore_mem>> -> memref<!tpu.dma_semaphore, #tpu.memory_space<semaphore_mem>>
        tpu.enqueue_indirect_dma source(%dma_start3A_724 : memref<1000000x64xf32, #tpu.memory_space<hbm>>) target(%dma_start3A_718 : memref<64x64xf32, #tpu.memory_space<vmem>>) offsets(%dma_start3A_721 : memref<64xi32, #tpu.memory_space<vmem>>) semaphore(%dma_start3A_726 : memref<!tpu.dma_semaphore, #tpu.memory_space<semaphore_mem>>)
      } else {
      }
      %add3A_279 = arith.constant 1 : i32
      %add3A_280 = arith.addi %add3A_221, %add3A_279 : i32
      %dma_wait3A_281 = arith.constant 0 : i32
      %dma_wait3A_282 = arith.constant 1 : i32
      %dma_wait3A_283 = arith.constant 1 : i32
      %dma_wait3A_284 = arith.constant 0 : i32
      %dma_wait3A_285 = arith.constant 0 : i32
      %dma_wait3A_286 = tpu.memref_slice %arg8[%dma_wait3A_282, %dma_wait3A_284, %dma_wait3A_285] : memref<8x64x64xf32, #tpu.memory_space<vmem>> -> memref<1x64x64xf32, #tpu.memory_space<vmem>>
      %dma_wait3A_287 = tpu.memref_squeeze %dma_wait3A_286 : memref<1x64x64xf32, #tpu.memory_space<vmem>> -> memref<64x64xf32, #tpu.memory_space<vmem>>
      %dma_wait3A_288 = arith.constant 0 : i32
      %dma_wait3A_289 = tpu.memref_slice %arg6[%dma_wait3A_281, %dma_wait3A_288] : memref<64x64xi32, #tpu.memory_space<vmem>> -> memref<1x64xi32, #tpu.memory_space<vmem>>
      %dma_wait3A_290 = tpu.memref_squeeze %dma_wait3A_289 : memref<1x64xi32, #tpu.memory_space<vmem>> -> memref<64xi32, #tpu.memory_space<vmem>>
      %dma_wait3A_291 = arith.constant 0 : i32
      %dma_wait3A_292 = arith.constant 0 : i32
      %dma_wait3A_293 = tpu.memref_slice %arg3[%dma_wait3A_291, %dma_wait3A_292] : memref<1000000x64xf32, #tpu.memory_space<hbm>> -> memref<1000000x64xf32, #tpu.memory_space<hbm>>
      %dma_wait3A_294 = tpu.memref_slice %arg10[%dma_wait3A_283] : memref<8x!tpu.dma_semaphore, #tpu.memory_space<semaphore_mem>> -> memref<1x!tpu.dma_semaphore, #tpu.memory_space<semaphore_mem>>
      %dma_wait3A_295 = tpu.memref_squeeze %dma_wait3A_294 : memref<1x!tpu.dma_semaphore, #tpu.memory_space<semaphore_mem>> -> memref<!tpu.dma_semaphore, #tpu.memory_space<semaphore_mem>>
      tpu.wait_indirect_dma semaphore(%dma_wait3A_295 : memref<!tpu.dma_semaphore, #tpu.memory_space<semaphore_mem>>) src(%dma_wait3A_293 : memref<1000000x64xf32, #tpu.memory_space<hbm>>) dst(%dma_wait3A_287 : memref<64x64xf32, #tpu.memory_space<vmem>>)
      %scan3A_296 = arith.constant 0 : i32
      %scan3A_297 = arith.constant 0 : i32
      %scan3A_298 = arith.constant 64 : i32
      %scan3A_299 = arith.addi %scan3A_297, %scan3A_298 : i32
      %scan3A_300 = arith.constant 1 : i32
      scf.for %scan3A_713 = %scan3A_297 to %scan3A_299 step %scan3A_300  : i32 {
        %get3A = arith.index_cast %scan3A_713 : i32 to index
        %get3A_714 = arith.constant 0 : index
        %get3A_715 = tpu.vector_load %arg7[%get3A, %get3A_714] {strides = array<i32>} : memref<64x64xf32, #tpu.memory_space<vmem>>, vector<16xf32>,
        %swap3A = arith.constant 1 : i32
        %swap3A_716 = arith.index_cast %swap3A : i32 to index
        %swap3A_717 = arith.index_cast %scan3A_713 : i32 to index
        %swap3A_718 = arith.constant 0 : index
        %swap3A_719 = tpu.vector_load %arg8[%swap3A_716, %swap3A_717, %swap3A_718] {strides = array<i32>} : memref<8x64x64xf32, #tpu.memory_space<vmem>>, vector<16xf32>,
        tpu.vector_store %arg8[%swap3A_716, %swap3A_717, %swap3A_718], %get3A_715 {add = true, strides = array<i32>} : memref<8x64x64xf32, #tpu.memory_space<vmem>>, vector<16xf32>,
        %get3A_720 = arith.index_cast %scan3A_713 : i32 to index
        %get3A_721 = arith.constant 16 : index
        %get3A_722 = tpu.vector_load %arg7[%get3A_720, %get3A_721] {strides = array<i32>} : memref<64x64xf32, #tpu.memory_space<vmem>>, vector<16xf32>,
        %swap3A_723 = arith.constant 1 : i32
        %swap3A_724 = arith.index_cast %swap3A_723 : i32 to index
        %swap3A_725 = arith.index_cast %scan3A_713 : i32 to index
        %swap3A_726 = arith.constant 16 : index
        %swap3A_727 = tpu.vector_load %arg8[%swap3A_724, %swap3A_725, %swap3A_726] {strides = array<i32>} : memref<8x64x64xf32, #tpu.memory_space<vmem>>, vector<16xf32>,
        tpu.vector_store %arg8[%swap3A_724, %swap3A_725, %swap3A_726], %get3A_722 {add = true, strides = array<i32>} : memref<8x64x64xf32, #tpu.memory_space<vmem>>, vector<16xf32>,
        %get3A_728 = arith.index_cast %scan3A_713 : i32 to index
        %get3A_729 = arith.constant 32 : index
        %get3A_730 = tpu.vector_load %arg7[%get3A_728, %get3A_729] {strides = array<i32>} : memref<64x64xf32, #tpu.memory_space<vmem>>, vector<16xf32>,
        %swap3A_731 = arith.constant 1 : i32
        %swap3A_732 = arith.index_cast %swap3A_731 : i32 to index
        %swap3A_733 = arith.index_cast %scan3A_713 : i32 to index
        %swap3A_734 = arith.constant 32 : index
        %swap3A_735 = tpu.vector_load %arg8[%swap3A_732, %swap3A_733, %swap3A_734] {strides = array<i32>} : memref<8x64x64xf32, #tpu.memory_space<vmem>>, vector<16xf32>,
        tpu.vector_store %arg8[%swap3A_732, %swap3A_733, %swap3A_734], %get3A_730 {add = true, strides = array<i32>} : memref<8x64x64xf32, #tpu.memory_space<vmem>>, vector<16xf32>,
        %get3A_736 = arith.index_cast %scan3A_713 : i32 to index
        %get3A_737 = arith.constant 48 : index
        %get3A_738 = tpu.vector_load %arg7[%get3A_736, %get3A_737] {strides = array<i32>} : memref<64x64xf32, #tpu.memory_space<vmem>>, vector<16xf32>,
        %swap3A_739 = arith.constant 1 : i32
        %swap3A_740 = arith.index_cast %swap3A_739 : i32 to index
        %swap3A_741 = arith.index_cast %scan3A_713 : i32 to index
        %swap3A_742 = arith.constant 48 : index
        %swap3A_743 = tpu.vector_load %arg8[%swap3A_740, %swap3A_741, %swap3A_742] {strides = array<i32>} : memref<8x64x64xf32, #tpu.memory_space<vmem>>, vector<16xf32>,
        tpu.vector_store %arg8[%swap3A_740, %swap3A_741, %swap3A_742], %get3A_738 {add = true, strides = array<i32>} : memref<8x64x64xf32, #tpu.memory_space<vmem>>, vector<16xf32>,
      }
      %scan3A_301 = arith.constant 64 : i32
      %scan3A_302 = arith.constant 0 : i32
      %scan3A_303 = arith.constant 0 : i32
      %scan3A_304 = arith.constant 64 : i32
      %scan3A_305 = arith.addi %scan3A_303, %scan3A_304 : i32
      %scan3A_306 = arith.constant 1 : i32
      scf.for %scan3A_713 = %scan3A_303 to %scan3A_305 step %scan3A_306  : i32 {
        %broadcast_in_dim3A = vector.broadcast %scan3A_713 : i32 to vector<16xi32>
        %iota3A = tpu.iota {dimensions = array<i32: 0>} : vector<16xi32>
        %add3A_714 = arith.constant 0 : i32
        %add3A_715 = vector.broadcast %add3A_714 : i32 to vector<16xi32>
        %add3A_716 = arith.addi %iota3A, %add3A_715 : vector<16xi32>
        %gather3A = arith.constant 1 : i32
        %gather3A_717 = arith.constant 0 : i32
        %gather3A_718 = arith.constant 0 : i32
        %gather3A_719 = tpu.memref_slice %arg8[%gather3A, %gather3A_717, %gather3A_718] : memref<8x64x64xf32, #tpu.memory_space<vmem>> -> memref<1x64x64xf32, #tpu.memory_space<vmem>>
        %gather3A_720 = tpu.memref_squeeze %gather3A_719 : memref<1x64x64xf32, #tpu.memory_space<vmem>> -> memref<64x64xf32, #tpu.memory_space<vmem>>
        %gather3A_721 = tpu.vector_load_idx %gather3A_720[%add3A_716, %broadcast_in_dim3A] : memref<64x64xf32, #tpu.memory_space<vmem>>[vector<16xi32>, vector<16xi32>], vector<16xf32>,
        %swap3A = arith.constant 1 : i32
        %swap3A_722 = arith.index_cast %swap3A : i32 to index
        %swap3A_723 = arith.index_cast %scan3A_713 : i32 to index
        %swap3A_724 = arith.constant 0 : index
        %swap3A_725 = tpu.vector_load %arg9[%swap3A_722, %swap3A_723, %swap3A_724] {strides = array<i32>} : memref<8x64x64xf32, #tpu.memory_space<vmem>>, vector<16xf32>,
        tpu.vector_store %arg9[%swap3A_722, %swap3A_723, %swap3A_724], %gather3A_721 {strides = array<i32>} : memref<8x64x64xf32, #tpu.memory_space<vmem>>, vector<16xf32>,
        %iota3A_726 = tpu.iota {dimensions = array<i32: 0>} : vector<16xi32>
        %add3A_727 = arith.constant 16 : i32
        %add3A_728 = vector.broadcast %add3A_727 : i32 to vector<16xi32>
        %add3A_729 = arith.addi %iota3A_726, %add3A_728 : vector<16xi32>
        %gather3A_730 = arith.constant 1 : i32
        %gather3A_731 = arith.constant 0 : i32
        %gather3A_732 = arith.constant 0 : i32
        %gather3A_733 = tpu.memref_slice %arg8[%gather3A_730, %gather3A_731, %gather3A_732] : memref<8x64x64xf32, #tpu.memory_space<vmem>> -> memref<1x64x64xf32, #tpu.memory_space<vmem>>
        %gather3A_734 = tpu.memref_squeeze %gather3A_733 : memref<1x64x64xf32, #tpu.memory_space<vmem>> -> memref<64x64xf32, #tpu.memory_space<vmem>>
        %gather3A_735 = tpu.vector_load_idx %gather3A_734[%add3A_729, %broadcast_in_dim3A] : memref<64x64xf32, #tpu.memory_space<vmem>>[vector<16xi32>, vector<16xi32>], vector<16xf32>,
        %swap3A_736 = arith.constant 1 : i32
        %swap3A_737 = arith.index_cast %swap3A_736 : i32 to index
        %swap3A_738 = arith.index_cast %scan3A_713 : i32 to index
        %swap3A_739 = arith.constant 16 : index
        %swap3A_740 = tpu.vector_load %arg9[%swap3A_737, %swap3A_738, %swap3A_739] {strides = array<i32>} : memref<8x64x64xf32, #tpu.memory_space<vmem>>, vector<16xf32>,
        tpu.vector_store %arg9[%swap3A_737, %swap3A_738, %swap3A_739], %gather3A_735 {strides = array<i32>} : memref<8x64x64xf32, #tpu.memory_space<vmem>>, vector<16xf32>,
        %iota3A_741 = tpu.iota {dimensions = array<i32: 0>} : vector<16xi32>
        %add3A_742 = arith.constant 32 : i32
        %add3A_743 = vector.broadcast %add3A_742 : i32 to vector<16xi32>
        %add3A_744 = arith.addi %iota3A_741, %add3A_743 : vector<16xi32>
        %gather3A_745 = arith.constant 1 : i32
        %gather3A_746 = arith.constant 0 : i32
        %gather3A_747 = arith.constant 0 : i32
        %gather3A_748 = tpu.memref_slice %arg8[%gather3A_745, %gather3A_746, %gather3A_747] : memref<8x64x64xf32, #tpu.memory_space<vmem>> -> memref<1x64x64xf32, #tpu.memory_space<vmem>>
        %gather3A_749 = tpu.memref_squeeze %gather3A_748 : memref<1x64x64xf32, #tpu.memory_space<vmem>> -> memref<64x64xf32, #tpu.memory_space<vmem>>
        %gather3A_750 = tpu.vector_load_idx %gather3A_749[%add3A_744, %broadcast_in_dim3A] : memref<64x64xf32, #tpu.memory_space<vmem>>[vector<16xi32>, vector<16xi32>], vector<16xf32>,
        %swap3A_751 = arith.constant 1 : i32
        %swap3A_752 = arith.index_cast %swap3A_751 : i32 to index
        %swap3A_753 = arith.index_cast %scan3A_713 : i32 to index
        %swap3A_754 = arith.constant 32 : index
        %swap3A_755 = tpu.vector_load %arg9[%swap3A_752, %swap3A_753, %swap3A_754] {strides = array<i32>} : memref<8x64x64xf32, #tpu.memory_space<vmem>>, vector<16xf32>,
        tpu.vector_store %arg9[%swap3A_752, %swap3A_753, %swap3A_754], %gather3A_750 {strides = array<i32>} : memref<8x64x64xf32, #tpu.memory_space<vmem>>, vector<16xf32>,
        %iota3A_756 = tpu.iota {dimensions = array<i32: 0>} : vector<16xi32>
        %add3A_757 = arith.constant 48 : i32
        %add3A_758 = vector.broadcast %add3A_757 : i32 to vector<16xi32>
        %add3A_759 = arith.addi %iota3A_756, %add3A_758 : vector<16xi32>
        %gather3A_760 = arith.constant 1 : i32
        %gather3A_761 = arith.constant 0 : i32
        %gather3A_762 = arith.constant 0 : i32
        %gather3A_763 = tpu.memref_slice %arg8[%gather3A_760, %gather3A_761, %gather3A_762] : memref<8x64x64xf32, #tpu.memory_space<vmem>> -> memref<1x64x64xf32, #tpu.memory_space<vmem>>
        %gather3A_764 = tpu.memref_squeeze %gather3A_763 : memref<1x64x64xf32, #tpu.memory_space<vmem>> -> memref<64x64xf32, #tpu.memory_space<vmem>>
        %gather3A_765 = tpu.vector_load_idx %gather3A_764[%add3A_759, %broadcast_in_dim3A] : memref<64x64xf32, #tpu.memory_space<vmem>>[vector<16xi32>, vector<16xi32>], vector<16xf32>,
        %swap3A_766 = arith.constant 1 : i32
        %swap3A_767 = arith.index_cast %swap3A_766 : i32 to index
        %swap3A_768 = arith.index_cast %scan3A_713 : i32 to index
        %swap3A_769 = arith.constant 48 : index
        %swap3A_770 = tpu.vector_load %arg9[%swap3A_767, %swap3A_768, %swap3A_769] {strides = array<i32>} : memref<8x64x64xf32, #tpu.memory_space<vmem>>, vector<16xf32>,
        tpu.vector_store %arg9[%swap3A_767, %swap3A_768, %swap3A_769], %gather3A_765 {strides = array<i32>} : memref<8x64x64xf32, #tpu.memory_space<vmem>>, vector<16xf32>,
      }
      %scan3A_307 = arith.constant 64 : i32
      %dma_start3A_308 = arith.constant 1 : i32
      %dma_start3A_309 = arith.constant 1 : i32
      %dma_start3A_310 = arith.constant 0 : i32
      %dma_start3A_311 = arith.constant 0 : i32
      %dma_start3A_312 = tpu.memref_slice %arg9[%dma_start3A_308, %dma_start3A_310, %dma_start3A_311] : memref<8x64x64xf32, #tpu.memory_space<vmem>> -> memref<1x64x64xf32, #tpu.memory_space<vmem>>
      %dma_start3A_313 = tpu.memref_squeeze %dma_start3A_312 : memref<1x64x64xf32, #tpu.memory_space<vmem>> -> memref<64x64xf32, #tpu.memory_space<vmem>>
      %dma_start3A_314 = arith.constant 0 : i32
      %dma_start3A_315 = tpu.memref_slice %arg5[%add3A_280, %dma_start3A_314, %mul3A_2] : memref<64x64x2048xf32, #tpu.memory_space<hbm>> -> memref<1x64x64xf32, #tpu.memory_space<hbm>>
      %dma_start3A_316 = tpu.memref_squeeze %dma_start3A_315 : memref<1x64x64xf32, #tpu.memory_space<hbm>> -> memref<64x64xf32, #tpu.memory_space<hbm>>
      %dma_start3A_317 = tpu.memref_slice %arg11[%dma_start3A_309] : memref<8x!tpu.dma_semaphore, #tpu.memory_space<semaphore_mem>> -> memref<1x!tpu.dma_semaphore, #tpu.memory_space<semaphore_mem>>
      %dma_start3A_318 = tpu.memref_squeeze %dma_start3A_317 : memref<1x!tpu.dma_semaphore, #tpu.memory_space<semaphore_mem>> -> memref<!tpu.dma_semaphore, #tpu.memory_space<semaphore_mem>>
      %dma_start3A_319 = arith.constant 0 : i32
      %dma_start3A_320 = tpu.memref_slice %arg5[%add3A_280, %dma_start3A_319, %mul3A_2] : memref<64x64x2048xf32, #tpu.memory_space<hbm>> -> memref<1x64x64xf32, #tpu.memory_space<hbm>>
      %dma_start3A_321 = tpu.memref_squeeze %dma_start3A_320 : memref<1x64x64xf32, #tpu.memory_space<hbm>> -> memref<64x64xf32, #tpu.memory_space<hbm>>
      %dma_start3A_322 = arith.constant 0 : i32
      %dma_start3A_323 = arith.constant 0 : i32
      %dma_start3A_324 = tpu.memref_slice %arg9[%dma_start3A_308, %dma_start3A_322, %dma_start3A_323] : memref<8x64x64xf32, #tpu.memory_space<vmem>> -> memref<1x64x64xf32, #tpu.memory_space<vmem>>
      %dma_start3A_325 = tpu.memref_squeeze %dma_start3A_324 : memref<1x64x64xf32, #tpu.memory_space<vmem>> -> memref<64x64xf32, #tpu.memory_space<vmem>>
      tpu.enqueue_dma source(%dma_start3A_325 : memref<64x64xf32, #tpu.memory_space<vmem>>) target(%dma_start3A_321 : memref<64x64xf32, #tpu.memory_space<hbm>>) target_semaphore(%dma_start3A_318 : memref<!tpu.dma_semaphore, #tpu.memory_space<semaphore_mem>>)
      %add3A_326 = arith.constant 4 : i32
      %add3A_327 = arith.addi %add3A_280, %add3A_326 : i32
      %ge3A_328 = arith.constant 8 : i32
      %ge3A_329 = arith.cmpi sge, %add3A_327, %ge3A_328 : i32
      %lt3A_330 = arith.constant 64 : i32
      %lt3A_331 = arith.cmpi slt, %add3A_327, %lt3A_330 : i32
      %and3A_332 = arith.andi %ge3A_329, %lt3A_331 : i1
      %convert_element_type3A_333 = arith.extui %and3A_332 : i1 to i32
      %cond3A_334 = arith.constant 0 : i32
      %cond3A_335 = arith.cmpi ne, %convert_element_type3A_333, %cond3A_334 : i32
      scf.if %cond3A_335 {
        %dma_wait3A_713 = arith.constant 5 : i32
        %dma_wait3A_714 = arith.constant 5 : i32
        %dma_wait3A_715 = arith.constant 0 : i32
        %dma_wait3A_716 = arith.constant 0 : i32
        %dma_wait3A_717 = tpu.memref_slice %arg9[%dma_wait3A_713, %dma_wait3A_715, %dma_wait3A_716] : memref<8x64x64xf32, #tpu.memory_space<vmem>> -> memref<1x64x64xf32, #tpu.memory_space<vmem>>
        %dma_wait3A_718 = tpu.memref_squeeze %dma_wait3A_717 : memref<1x64x64xf32, #tpu.memory_space<vmem>> -> memref<64x64xf32, #tpu.memory_space<vmem>>
        %dma_wait3A_719 = arith.constant 0 : i32
        %dma_wait3A_720 = tpu.memref_slice %arg5[%add3A_280, %dma_wait3A_719, %mul3A_2] : memref<64x64x2048xf32, #tpu.memory_space<hbm>> -> memref<1x64x64xf32, #tpu.memory_space<hbm>>
        %dma_wait3A_721 = tpu.memref_squeeze %dma_wait3A_720 : memref<1x64x64xf32, #tpu.memory_space<hbm>> -> memref<64x64xf32, #tpu.memory_space<hbm>>
        %dma_wait3A_722 = tpu.memref_slice %arg11[%dma_wait3A_714] : memref<8x!tpu.dma_semaphore, #tpu.memory_space<semaphore_mem>> -> memref<1x!tpu.dma_semaphore, #tpu.memory_space<semaphore_mem>>
        %dma_wait3A_723 = tpu.memref_squeeze %dma_wait3A_722 : memref<1x!tpu.dma_semaphore, #tpu.memory_space<semaphore_mem>> -> memref<!tpu.dma_semaphore, #tpu.memory_space<semaphore_mem>>
        %dma_wait3A_724 = arith.constant 0 : i32
        %dma_wait3A_725 = tpu.memref_slice %arg5[%add3A_280, %dma_wait3A_724, %mul3A_2] : memref<64x64x2048xf32, #tpu.memory_space<hbm>> -> memref<1x64x64xf32, #tpu.memory_space<hbm>>
        %dma_wait3A_726 = tpu.memref_squeeze %dma_wait3A_725 : memref<1x64x64xf32, #tpu.memory_space<hbm>> -> memref<64x64xf32, #tpu.memory_space<hbm>>
        %dma_wait3A_727 = arith.constant 0 : i32
        %dma_wait3A_728 = arith.constant 0 : i32
        %dma_wait3A_729 = tpu.memref_slice %arg9[%dma_wait3A_713, %dma_wait3A_727, %dma_wait3A_728] : memref<8x64x64xf32, #tpu.memory_space<vmem>> -> memref<1x64x64xf32, #tpu.memory_space<vmem>>
        %dma_wait3A_730 = tpu.memref_squeeze %dma_wait3A_729 : memref<1x64x64xf32, #tpu.memory_space<vmem>> -> memref<64x64xf32, #tpu.memory_space<vmem>>
        tpu.wait_dma2 semaphore(%dma_wait3A_723 : memref<!tpu.dma_semaphore, #tpu.memory_space<semaphore_mem>>) src(%dma_wait3A_730 : memref<64x64xf32, #tpu.memory_space<vmem>>) dst(%dma_wait3A_726 : memref<64x64xf32, #tpu.memory_space<hbm>>)
      } else {
      }
      %lt3A_336 = arith.constant 64 : i32
      %lt3A_337 = arith.cmpi slt, %add3A_327, %lt3A_336 : i32
      %convert_element_type3A_338 = arith.extui %lt3A_337 : i1 to i32
      %cond3A_339 = arith.constant 0 : i32
      %cond3A_340 = arith.cmpi ne, %convert_element_type3A_338, %cond3A_339 : i32
      scf.if %cond3A_340 {
        %dma_start3A_713 = arith.constant 5 : i32
        %dma_start3A_714 = arith.constant 5 : i32
        %dma_start3A_715 = arith.constant 0 : i32
        %dma_start3A_716 = arith.constant 0 : i32
        %dma_start3A_717 = tpu.memref_slice %arg8[%dma_start3A_713, %dma_start3A_715, %dma_start3A_716] : memref<8x64x64xf32, #tpu.memory_space<vmem>> -> memref<1x64x64xf32, #tpu.memory_space<vmem>>
        %dma_start3A_718 = tpu.memref_squeeze %dma_start3A_717 : memref<1x64x64xf32, #tpu.memory_space<vmem>> -> memref<64x64xf32, #tpu.memory_space<vmem>>
        %dma_start3A_719 = arith.constant 0 : i32
        %dma_start3A_720 = tpu.memref_slice %arg6[%add3A_327, %dma_start3A_719] : memref<64x64xi32, #tpu.memory_space<vmem>> -> memref<1x64xi32, #tpu.memory_space<vmem>>
        %dma_start3A_721 = tpu.memref_squeeze %dma_start3A_720 : memref<1x64xi32, #tpu.memory_space<vmem>> -> memref<64xi32, #tpu.memory_space<vmem>>
        %dma_start3A_722 = arith.constant 0 : i32
        %dma_start3A_723 = arith.constant 0 : i32
        %dma_start3A_724 = tpu.memref_slice %arg3[%dma_start3A_722, %dma_start3A_723] : memref<1000000x64xf32, #tpu.memory_space<hbm>> -> memref<1000000x64xf32, #tpu.memory_space<hbm>>
        %dma_start3A_725 = tpu.memref_slice %arg10[%dma_start3A_714] : memref<8x!tpu.dma_semaphore, #tpu.memory_space<semaphore_mem>> -> memref<1x!tpu.dma_semaphore, #tpu.memory_space<semaphore_mem>>
        %dma_start3A_726 = tpu.memref_squeeze %dma_start3A_725 : memref<1x!tpu.dma_semaphore, #tpu.memory_space<semaphore_mem>> -> memref<!tpu.dma_semaphore, #tpu.memory_space<semaphore_mem>>
        tpu.enqueue_indirect_dma source(%dma_start3A_724 : memref<1000000x64xf32, #tpu.memory_space<hbm>>) target(%dma_start3A_718 : memref<64x64xf32, #tpu.memory_space<vmem>>) offsets(%dma_start3A_721 : memref<64xi32, #tpu.memory_space<vmem>>) semaphore(%dma_start3A_726 : memref<!tpu.dma_semaphore, #tpu.memory_space<semaphore_mem>>)
      } else {
      }
      %add3A_341 = arith.constant 2 : i32
      %add3A_342 = arith.addi %add3A_221, %add3A_341 : i32
      %dma_wait3A_343 = arith.constant 0 : i32
      %dma_wait3A_344 = arith.constant 2 : i32
      %dma_wait3A_345 = arith.constant 2 : i32
      %dma_wait3A_346 = arith.constant 0 : i32
      %dma_wait3A_347 = arith.constant 0 : i32
      %dma_wait3A_348 = tpu.memref_slice %arg8[%dma_wait3A_344, %dma_wait3A_346, %dma_wait3A_347] : memref<8x64x64xf32, #tpu.memory_space<vmem>> -> memref<1x64x64xf32, #tpu.memory_space<vmem>>
      %dma_wait3A_349 = tpu.memref_squeeze %dma_wait3A_348 : memref<1x64x64xf32, #tpu.memory_space<vmem>> -> memref<64x64xf32, #tpu.memory_space<vmem>>
      %dma_wait3A_350 = arith.constant 0 : i32
      %dma_wait3A_351 = tpu.memref_slice %arg6[%dma_wait3A_343, %dma_wait3A_350] : memref<64x64xi32, #tpu.memory_space<vmem>> -> memref<1x64xi32, #tpu.memory_space<vmem>>
      %dma_wait3A_352 = tpu.memref_squeeze %dma_wait3A_351 : memref<1x64xi32, #tpu.memory_space<vmem>> -> memref<64xi32, #tpu.memory_space<vmem>>
      %dma_wait3A_353 = arith.constant 0 : i32
      %dma_wait3A_354 = arith.constant 0 : i32
      %dma_wait3A_355 = tpu.memref_slice %arg3[%dma_wait3A_353, %dma_wait3A_354] : memref<1000000x64xf32, #tpu.memory_space<hbm>> -> memref<1000000x64xf32, #tpu.memory_space<hbm>>
      %dma_wait3A_356 = tpu.memref_slice %arg10[%dma_wait3A_345] : memref<8x!tpu.dma_semaphore, #tpu.memory_space<semaphore_mem>> -> memref<1x!tpu.dma_semaphore, #tpu.memory_space<semaphore_mem>>
      %dma_wait3A_357 = tpu.memref_squeeze %dma_wait3A_356 : memref<1x!tpu.dma_semaphore, #tpu.memory_space<semaphore_mem>> -> memref<!tpu.dma_semaphore, #tpu.memory_space<semaphore_mem>>
      tpu.wait_indirect_dma semaphore(%dma_wait3A_357 : memref<!tpu.dma_semaphore, #tpu.memory_space<semaphore_mem>>) src(%dma_wait3A_355 : memref<1000000x64xf32, #tpu.memory_space<hbm>>) dst(%dma_wait3A_349 : memref<64x64xf32, #tpu.memory_space<vmem>>)
      %scan3A_358 = arith.constant 0 : i32
      %scan3A_359 = arith.constant 0 : i32
      %scan3A_360 = arith.constant 64 : i32
      %scan3A_361 = arith.addi %scan3A_359, %scan3A_360 : i32
      %scan3A_362 = arith.constant 1 : i32
      scf.for %scan3A_713 = %scan3A_359 to %scan3A_361 step %scan3A_362  : i32 {
        %get3A = arith.index_cast %scan3A_713 : i32 to index
        %get3A_714 = arith.constant 0 : index
        %get3A_715 = tpu.vector_load %arg7[%get3A, %get3A_714] {strides = array<i32>} : memref<64x64xf32, #tpu.memory_space<vmem>>, vector<16xf32>,
        %swap3A = arith.constant 2 : i32
        %swap3A_716 = arith.index_cast %swap3A : i32 to index
        %swap3A_717 = arith.index_cast %scan3A_713 : i32 to index
        %swap3A_718 = arith.constant 0 : index
        %swap3A_719 = tpu.vector_load %arg8[%swap3A_716, %swap3A_717, %swap3A_718] {strides = array<i32>} : memref<8x64x64xf32, #tpu.memory_space<vmem>>, vector<16xf32>,
        tpu.vector_store %arg8[%swap3A_716, %swap3A_717, %swap3A_718], %get3A_715 {add = true, strides = array<i32>} : memref<8x64x64xf32, #tpu.memory_space<vmem>>, vector<16xf32>,
        %get3A_720 = arith.index_cast %scan3A_713 : i32 to index
        %get3A_721 = arith.constant 16 : index
        %get3A_722 = tpu.vector_load %arg7[%get3A_720, %get3A_721] {strides = array<i32>} : memref<64x64xf32, #tpu.memory_space<vmem>>, vector<16xf32>,
        %swap3A_723 = arith.constant 2 : i32
        %swap3A_724 = arith.index_cast %swap3A_723 : i32 to index
        %swap3A_725 = arith.index_cast %scan3A_713 : i32 to index
        %swap3A_726 = arith.constant 16 : index
        %swap3A_727 = tpu.vector_load %arg8[%swap3A_724, %swap3A_725, %swap3A_726] {strides = array<i32>} : memref<8x64x64xf32, #tpu.memory_space<vmem>>, vector<16xf32>,
        tpu.vector_store %arg8[%swap3A_724, %swap3A_725, %swap3A_726], %get3A_722 {add = true, strides = array<i32>} : memref<8x64x64xf32, #tpu.memory_space<vmem>>, vector<16xf32>,
        %get3A_728 = arith.index_cast %scan3A_713 : i32 to index
        %get3A_729 = arith.constant 32 : index
        %get3A_730 = tpu.vector_load %arg7[%get3A_728, %get3A_729] {strides = array<i32>} : memref<64x64xf32, #tpu.memory_space<vmem>>, vector<16xf32>,
        %swap3A_731 = arith.constant 2 : i32
        %swap3A_732 = arith.index_cast %swap3A_731 : i32 to index
        %swap3A_733 = arith.index_cast %scan3A_713 : i32 to index
        %swap3A_734 = arith.constant 32 : index
        %swap3A_735 = tpu.vector_load %arg8[%swap3A_732, %swap3A_733, %swap3A_734] {strides = array<i32>} : memref<8x64x64xf32, #tpu.memory_space<vmem>>, vector<16xf32>,
        tpu.vector_store %arg8[%swap3A_732, %swap3A_733, %swap3A_734], %get3A_730 {add = true, strides = array<i32>} : memref<8x64x64xf32, #tpu.memory_space<vmem>>, vector<16xf32>,
        %get3A_736 = arith.index_cast %scan3A_713 : i32 to index
        %get3A_737 = arith.constant 48 : index
        %get3A_738 = tpu.vector_load %arg7[%get3A_736, %get3A_737] {strides = array<i32>} : memref<64x64xf32, #tpu.memory_space<vmem>>, vector<16xf32>,
        %swap3A_739 = arith.constant 2 : i32
        %swap3A_740 = arith.index_cast %swap3A_739 : i32 to index
        %swap3A_741 = arith.index_cast %scan3A_713 : i32 to index
        %swap3A_742 = arith.constant 48 : index
        %swap3A_743 = tpu.vector_load %arg8[%swap3A_740, %swap3A_741, %swap3A_742] {strides = array<i32>} : memref<8x64x64xf32, #tpu.memory_space<vmem>>, vector<16xf32>,
        tpu.vector_store %arg8[%swap3A_740, %swap3A_741, %swap3A_742], %get3A_738 {add = true, strides = array<i32>} : memref<8x64x64xf32, #tpu.memory_space<vmem>>, vector<16xf32>,
      }
      %scan3A_363 = arith.constant 64 : i32
      %scan3A_364 = arith.constant 0 : i32
      %scan3A_365 = arith.constant 0 : i32
      %scan3A_366 = arith.constant 64 : i32
      %scan3A_367 = arith.addi %scan3A_365, %scan3A_366 : i32
      %scan3A_368 = arith.constant 1 : i32
      scf.for %scan3A_713 = %scan3A_365 to %scan3A_367 step %scan3A_368  : i32 {
        %broadcast_in_dim3A = vector.broadcast %scan3A_713 : i32 to vector<16xi32>
        %iota3A = tpu.iota {dimensions = array<i32: 0>} : vector<16xi32>
        %add3A_714 = arith.constant 0 : i32
        %add3A_715 = vector.broadcast %add3A_714 : i32 to vector<16xi32>
        %add3A_716 = arith.addi %iota3A, %add3A_715 : vector<16xi32>
        %gather3A = arith.constant 2 : i32
        %gather3A_717 = arith.constant 0 : i32
        %gather3A_718 = arith.constant 0 : i32
        %gather3A_719 = tpu.memref_slice %arg8[%gather3A, %gather3A_717, %gather3A_718] : memref<8x64x64xf32, #tpu.memory_space<vmem>> -> memref<1x64x64xf32, #tpu.memory_space<vmem>>
        %gather3A_720 = tpu.memref_squeeze %gather3A_719 : memref<1x64x64xf32, #tpu.memory_space<vmem>> -> memref<64x64xf32, #tpu.memory_space<vmem>>
        %gather3A_721 = tpu.vector_load_idx %gather3A_720[%add3A_716, %broadcast_in_dim3A] : memref<64x64xf32, #tpu.memory_space<vmem>>[vector<16xi32>, vector<16xi32>], vector<16xf32>,
        %swap3A = arith.constant 2 : i32
        %swap3A_722 = arith.index_cast %swap3A : i32 to index
        %swap3A_723 = arith.index_cast %scan3A_713 : i32 to index
        %swap3A_724 = arith.constant 0 : index
        %swap3A_725 = tpu.vector_load %arg9[%swap3A_722, %swap3A_723, %swap3A_724] {strides = array<i32>} : memref<8x64x64xf32, #tpu.memory_space<vmem>>, vector<16xf32>,
        tpu.vector_store %arg9[%swap3A_722, %swap3A_723, %swap3A_724], %gather3A_721 {strides = array<i32>} : memref<8x64x64xf32, #tpu.memory_space<vmem>>, vector<16xf32>,
        %iota3A_726 = tpu.iota {dimensions = array<i32: 0>} : vector<16xi32>
        %add3A_727 = arith.constant 16 : i32
        %add3A_728 = vector.broadcast %add3A_727 : i32 to vector<16xi32>
        %add3A_729 = arith.addi %iota3A_726, %add3A_728 : vector<16xi32>
        %gather3A_730 = arith.constant 2 : i32
        %gather3A_731 = arith.constant 0 : i32
        %gather3A_732 = arith.constant 0 : i32
        %gather3A_733 = tpu.memref_slice %arg8[%gather3A_730, %gather3A_731, %gather3A_732] : memref<8x64x64xf32, #tpu.memory_space<vmem>> -> memref<1x64x64xf32, #tpu.memory_space<vmem>>
        %gather3A_734 = tpu.memref_squeeze %gather3A_733 : memref<1x64x64xf32, #tpu.memory_space<vmem>> -> memref<64x64xf32, #tpu.memory_space<vmem>>
        %gather3A_735 = tpu.vector_load_idx %gather3A_734[%add3A_729, %broadcast_in_dim3A] : memref<64x64xf32, #tpu.memory_space<vmem>>[vector<16xi32>, vector<16xi32>], vector<16xf32>,
        %swap3A_736 = arith.constant 2 : i32
        %swap3A_737 = arith.index_cast %swap3A_736 : i32 to index
        %swap3A_738 = arith.index_cast %scan3A_713 : i32 to index
        %swap3A_739 = arith.constant 16 : index
        %swap3A_740 = tpu.vector_load %arg9[%swap3A_737, %swap3A_738, %swap3A_739] {strides = array<i32>} : memref<8x64x64xf32, #tpu.memory_space<vmem>>, vector<16xf32>,
        tpu.vector_store %arg9[%swap3A_737, %swap3A_738, %swap3A_739], %gather3A_735 {strides = array<i32>} : memref<8x64x64xf32, #tpu.memory_space<vmem>>, vector<16xf32>,
        %iota3A_741 = tpu.iota {dimensions = array<i32: 0>} : vector<16xi32>
        %add3A_742 = arith.constant 32 : i32
        %add3A_743 = vector.broadcast %add3A_742 : i32 to vector<16xi32>
        %add3A_744 = arith.addi %iota3A_741, %add3A_743 : vector<16xi32>
        %gather3A_745 = arith.constant 2 : i32
        %gather3A_746 = arith.constant 0 : i32
        %gather3A_747 = arith.constant 0 : i32
        %gather3A_748 = tpu.memref_slice %arg8[%gather3A_745, %gather3A_746, %gather3A_747] : memref<8x64x64xf32, #tpu.memory_space<vmem>> -> memref<1x64x64xf32, #tpu.memory_space<vmem>>
        %gather3A_749 = tpu.memref_squeeze %gather3A_748 : memref<1x64x64xf32, #tpu.memory_space<vmem>> -> memref<64x64xf32, #tpu.memory_space<vmem>>
        %gather3A_750 = tpu.vector_load_idx %gather3A_749[%add3A_744, %broadcast_in_dim3A] : memref<64x64xf32, #tpu.memory_space<vmem>>[vector<16xi32>, vector<16xi32>], vector<16xf32>,
        %swap3A_751 = arith.constant 2 : i32
        %swap3A_752 = arith.index_cast %swap3A_751 : i32 to index
        %swap3A_753 = arith.index_cast %scan3A_713 : i32 to index
        %swap3A_754 = arith.constant 32 : index
        %swap3A_755 = tpu.vector_load %arg9[%swap3A_752, %swap3A_753, %swap3A_754] {strides = array<i32>} : memref<8x64x64xf32, #tpu.memory_space<vmem>>, vector<16xf32>,
        tpu.vector_store %arg9[%swap3A_752, %swap3A_753, %swap3A_754], %gather3A_750 {strides = array<i32>} : memref<8x64x64xf32, #tpu.memory_space<vmem>>, vector<16xf32>,
        %iota3A_756 = tpu.iota {dimensions = array<i32: 0>} : vector<16xi32>
        %add3A_757 = arith.constant 48 : i32
        %add3A_758 = vector.broadcast %add3A_757 : i32 to vector<16xi32>
        %add3A_759 = arith.addi %iota3A_756, %add3A_758 : vector<16xi32>
        %gather3A_760 = arith.constant 2 : i32
        %gather3A_761 = arith.constant 0 : i32
        %gather3A_762 = arith.constant 0 : i32
        %gather3A_763 = tpu.memref_slice %arg8[%gather3A_760, %gather3A_761, %gather3A_762] : memref<8x64x64xf32, #tpu.memory_space<vmem>> -> memref<1x64x64xf32, #tpu.memory_space<vmem>>
        %gather3A_764 = tpu.memref_squeeze %gather3A_763 : memref<1x64x64xf32, #tpu.memory_space<vmem>> -> memref<64x64xf32, #tpu.memory_space<vmem>>
        %gather3A_765 = tpu.vector_load_idx %gather3A_764[%add3A_759, %broadcast_in_dim3A] : memref<64x64xf32, #tpu.memory_space<vmem>>[vector<16xi32>, vector<16xi32>], vector<16xf32>,
        %swap3A_766 = arith.constant 2 : i32
        %swap3A_767 = arith.index_cast %swap3A_766 : i32 to index
        %swap3A_768 = arith.index_cast %scan3A_713 : i32 to index
        %swap3A_769 = arith.constant 48 : index
        %swap3A_770 = tpu.vector_load %arg9[%swap3A_767, %swap3A_768, %swap3A_769] {strides = array<i32>} : memref<8x64x64xf32, #tpu.memory_space<vmem>>, vector<16xf32>,
        tpu.vector_store %arg9[%swap3A_767, %swap3A_768, %swap3A_769], %gather3A_765 {strides = array<i32>} : memref<8x64x64xf32, #tpu.memory_space<vmem>>, vector<16xf32>,
      }
      %scan3A_369 = arith.constant 64 : i32
      %dma_start3A_370 = arith.constant 2 : i32
      %dma_start3A_371 = arith.constant 2 : i32
      %dma_start3A_372 = arith.constant 0 : i32
      %dma_start3A_373 = arith.constant 0 : i32
      %dma_start3A_374 = tpu.memref_slice %arg9[%dma_start3A_370, %dma_start3A_372, %dma_start3A_373] : memref<8x64x64xf32, #tpu.memory_space<vmem>> -> memref<1x64x64xf32, #tpu.memory_space<vmem>>
      %dma_start3A_375 = tpu.memref_squeeze %dma_start3A_374 : memref<1x64x64xf32, #tpu.memory_space<vmem>> -> memref<64x64xf32, #tpu.memory_space<vmem>>
      %dma_start3A_376 = arith.constant 0 : i32
      %dma_start3A_377 = tpu.memref_slice %arg5[%add3A_342, %dma_start3A_376, %mul3A_2] : memref<64x64x2048xf32, #tpu.memory_space<hbm>> -> memref<1x64x64xf32, #tpu.memory_space<hbm>>
      %dma_start3A_378 = tpu.memref_squeeze %dma_start3A_377 : memref<1x64x64xf32, #tpu.memory_space<hbm>> -> memref<64x64xf32, #tpu.memory_space<hbm>>
      %dma_start3A_379 = tpu.memref_slice %arg11[%dma_start3A_371] : memref<8x!tpu.dma_semaphore, #tpu.memory_space<semaphore_mem>> -> memref<1x!tpu.dma_semaphore, #tpu.memory_space<semaphore_mem>>
      %dma_start3A_380 = tpu.memref_squeeze %dma_start3A_379 : memref<1x!tpu.dma_semaphore, #tpu.memory_space<semaphore_mem>> -> memref<!tpu.dma_semaphore, #tpu.memory_space<semaphore_mem>>
      %dma_start3A_381 = arith.constant 0 : i32
      %dma_start3A_382 = tpu.memref_slice %arg5[%add3A_342, %dma_start3A_381, %mul3A_2] : memref<64x64x2048xf32, #tpu.memory_space<hbm>> -> memref<1x64x64xf32, #tpu.memory_space<hbm>>
      %dma_start3A_383 = tpu.memref_squeeze %dma_start3A_382 : memref<1x64x64xf32, #tpu.memory_space<hbm>> -> memref<64x64xf32, #tpu.memory_space<hbm>>
      %dma_start3A_384 = arith.constant 0 : i32
      %dma_start3A_385 = arith.constant 0 : i32
      %dma_start3A_386 = tpu.memref_slice %arg9[%dma_start3A_370, %dma_start3A_384, %dma_start3A_385] : memref<8x64x64xf32, #tpu.memory_space<vmem>> -> memref<1x64x64xf32, #tpu.memory_space<vmem>>
      %dma_start3A_387 = tpu.memref_squeeze %dma_start3A_386 : memref<1x64x64xf32, #tpu.memory_space<vmem>> -> memref<64x64xf32, #tpu.memory_space<vmem>>
      tpu.enqueue_dma source(%dma_start3A_387 : memref<64x64xf32, #tpu.memory_space<vmem>>) target(%dma_start3A_383 : memref<64x64xf32, #tpu.memory_space<hbm>>) target_semaphore(%dma_start3A_380 : memref<!tpu.dma_semaphore, #tpu.memory_space<semaphore_mem>>)
      %add3A_388 = arith.constant 4 : i32
      %add3A_389 = arith.addi %add3A_342, %add3A_388 : i32
      %ge3A_390 = arith.constant 8 : i32
      %ge3A_391 = arith.cmpi sge, %add3A_389, %ge3A_390 : i32
      %lt3A_392 = arith.constant 64 : i32
      %lt3A_393 = arith.cmpi slt, %add3A_389, %lt3A_392 : i32
      %and3A_394 = arith.andi %ge3A_391, %lt3A_393 : i1
      %convert_element_type3A_395 = arith.extui %and3A_394 : i1 to i32
      %cond3A_396 = arith.constant 0 : i32
      %cond3A_397 = arith.cmpi ne, %convert_element_type3A_395, %cond3A_396 : i32
      scf.if %cond3A_397 {
        %dma_wait3A_713 = arith.constant 6 : i32
        %dma_wait3A_714 = arith.constant 6 : i32
        %dma_wait3A_715 = arith.constant 0 : i32
        %dma_wait3A_716 = arith.constant 0 : i32
        %dma_wait3A_717 = tpu.memref_slice %arg9[%dma_wait3A_713, %dma_wait3A_715, %dma_wait3A_716] : memref<8x64x64xf32, #tpu.memory_space<vmem>> -> memref<1x64x64xf32, #tpu.memory_space<vmem>>
        %dma_wait3A_718 = tpu.memref_squeeze %dma_wait3A_717 : memref<1x64x64xf32, #tpu.memory_space<vmem>> -> memref<64x64xf32, #tpu.memory_space<vmem>>
        %dma_wait3A_719 = arith.constant 0 : i32
        %dma_wait3A_720 = tpu.memref_slice %arg5[%add3A_342, %dma_wait3A_719, %mul3A_2] : memref<64x64x2048xf32, #tpu.memory_space<hbm>> -> memref<1x64x64xf32, #tpu.memory_space<hbm>>
        %dma_wait3A_721 = tpu.memref_squeeze %dma_wait3A_720 : memref<1x64x64xf32, #tpu.memory_space<hbm>> -> memref<64x64xf32, #tpu.memory_space<hbm>>
        %dma_wait3A_722 = tpu.memref_slice %arg11[%dma_wait3A_714] : memref<8x!tpu.dma_semaphore, #tpu.memory_space<semaphore_mem>> -> memref<1x!tpu.dma_semaphore, #tpu.memory_space<semaphore_mem>>
        %dma_wait3A_723 = tpu.memref_squeeze %dma_wait3A_722 : memref<1x!tpu.dma_semaphore, #tpu.memory_space<semaphore_mem>> -> memref<!tpu.dma_semaphore, #tpu.memory_space<semaphore_mem>>
        %dma_wait3A_724 = arith.constant 0 : i32
        %dma_wait3A_725 = tpu.memref_slice %arg5[%add3A_342, %dma_wait3A_724, %mul3A_2] : memref<64x64x2048xf32, #tpu.memory_space<hbm>> -> memref<1x64x64xf32, #tpu.memory_space<hbm>>
        %dma_wait3A_726 = tpu.memref_squeeze %dma_wait3A_725 : memref<1x64x64xf32, #tpu.memory_space<hbm>> -> memref<64x64xf32, #tpu.memory_space<hbm>>
        %dma_wait3A_727 = arith.constant 0 : i32
        %dma_wait3A_728 = arith.constant 0 : i32
        %dma_wait3A_729 = tpu.memref_slice %arg9[%dma_wait3A_713, %dma_wait3A_727, %dma_wait3A_728] : memref<8x64x64xf32, #tpu.memory_space<vmem>> -> memref<1x64x64xf32, #tpu.memory_space<vmem>>
        %dma_wait3A_730 = tpu.memref_squeeze %dma_wait3A_729 : memref<1x64x64xf32, #tpu.memory_space<vmem>> -> memref<64x64xf32, #tpu.memory_space<vmem>>
        tpu.wait_dma2 semaphore(%dma_wait3A_723 : memref<!tpu.dma_semaphore, #tpu.memory_space<semaphore_mem>>) src(%dma_wait3A_730 : memref<64x64xf32, #tpu.memory_space<vmem>>) dst(%dma_wait3A_726 : memref<64x64xf32, #tpu.memory_space<hbm>>)
      } else {
      }
      %lt3A_398 = arith.constant 64 : i32
      %lt3A_399 = arith.cmpi slt, %add3A_389, %lt3A_398 : i32
      %convert_element_type3A_400 = arith.extui %lt3A_399 : i1 to i32
      %cond3A_401 = arith.constant 0 : i32
      %cond3A_402 = arith.cmpi ne, %convert_element_type3A_400, %cond3A_401 : i32
      scf.if %cond3A_402 {
        %dma_start3A_713 = arith.constant 6 : i32
        %dma_start3A_714 = arith.constant 6 : i32
        %dma_start3A_715 = arith.constant 0 : i32
        %dma_start3A_716 = arith.constant 0 : i32
        %dma_start3A_717 = tpu.memref_slice %arg8[%dma_start3A_713, %dma_start3A_715, %dma_start3A_716] : memref<8x64x64xf32, #tpu.memory_space<vmem>> -> memref<1x64x64xf32, #tpu.memory_space<vmem>>
        %dma_start3A_718 = tpu.memref_squeeze %dma_start3A_717 : memref<1x64x64xf32, #tpu.memory_space<vmem>> -> memref<64x64xf32, #tpu.memory_space<vmem>>
        %dma_start3A_719 = arith.constant 0 : i32
        %dma_start3A_720 = tpu.memref_slice %arg6[%add3A_389, %dma_start3A_719] : memref<64x64xi32, #tpu.memory_space<vmem>> -> memref<1x64xi32, #tpu.memory_space<vmem>>
        %dma_start3A_721 = tpu.memref_squeeze %dma_start3A_720 : memref<1x64xi32, #tpu.memory_space<vmem>> -> memref<64xi32, #tpu.memory_space<vmem>>
        %dma_start3A_722 = arith.constant 0 : i32
        %dma_start3A_723 = arith.constant 0 : i32
        %dma_start3A_724 = tpu.memref_slice %arg3[%dma_start3A_722, %dma_start3A_723] : memref<1000000x64xf32, #tpu.memory_space<hbm>> -> memref<1000000x64xf32, #tpu.memory_space<hbm>>
        %dma_start3A_725 = tpu.memref_slice %arg10[%dma_start3A_714] : memref<8x!tpu.dma_semaphore, #tpu.memory_space<semaphore_mem>> -> memref<1x!tpu.dma_semaphore, #tpu.memory_space<semaphore_mem>>
        %dma_start3A_726 = tpu.memref_squeeze %dma_start3A_725 : memref<1x!tpu.dma_semaphore, #tpu.memory_space<semaphore_mem>> -> memref<!tpu.dma_semaphore, #tpu.memory_space<semaphore_mem>>
        tpu.enqueue_indirect_dma source(%dma_start3A_724 : memref<1000000x64xf32, #tpu.memory_space<hbm>>) target(%dma_start3A_718 : memref<64x64xf32, #tpu.memory_space<vmem>>) offsets(%dma_start3A_721 : memref<64xi32, #tpu.memory_space<vmem>>) semaphore(%dma_start3A_726 : memref<!tpu.dma_semaphore, #tpu.memory_space<semaphore_mem>>)
      } else {
      }
      %add3A_403 = arith.constant 3 : i32
      %add3A_404 = arith.addi %add3A_221, %add3A_403 : i32
      %dma_wait3A_405 = arith.constant 0 : i32
      %dma_wait3A_406 = arith.constant 3 : i32
      %dma_wait3A_407 = arith.constant 3 : i32
      %dma_wait3A_408 = arith.constant 0 : i32
      %dma_wait3A_409 = arith.constant 0 : i32
      %dma_wait3A_410 = tpu.memref_slice %arg8[%dma_wait3A_406, %dma_wait3A_408, %dma_wait3A_409] : memref<8x64x64xf32, #tpu.memory_space<vmem>> -> memref<1x64x64xf32, #tpu.memory_space<vmem>>
      %dma_wait3A_411 = tpu.memref_squeeze %dma_wait3A_410 : memref<1x64x64xf32, #tpu.memory_space<vmem>> -> memref<64x64xf32, #tpu.memory_space<vmem>>
      %dma_wait3A_412 = arith.constant 0 : i32
      %dma_wait3A_413 = tpu.memref_slice %arg6[%dma_wait3A_405, %dma_wait3A_412] : memref<64x64xi32, #tpu.memory_space<vmem>> -> memref<1x64xi32, #tpu.memory_space<vmem>>
      %dma_wait3A_414 = tpu.memref_squeeze %dma_wait3A_413 : memref<1x64xi32, #tpu.memory_space<vmem>> -> memref<64xi32, #tpu.memory_space<vmem>>
      %dma_wait3A_415 = arith.constant 0 : i32
      %dma_wait3A_416 = arith.constant 0 : i32
      %dma_wait3A_417 = tpu.memref_slice %arg3[%dma_wait3A_415, %dma_wait3A_416] : memref<1000000x64xf32, #tpu.memory_space<hbm>> -> memref<1000000x64xf32, #tpu.memory_space<hbm>>
      %dma_wait3A_418 = tpu.memref_slice %arg10[%dma_wait3A_407] : memref<8x!tpu.dma_semaphore, #tpu.memory_space<semaphore_mem>> -> memref<1x!tpu.dma_semaphore, #tpu.memory_space<semaphore_mem>>
      %dma_wait3A_419 = tpu.memref_squeeze %dma_wait3A_418 : memref<1x!tpu.dma_semaphore, #tpu.memory_space<semaphore_mem>> -> memref<!tpu.dma_semaphore, #tpu.memory_space<semaphore_mem>>
      tpu.wait_indirect_dma semaphore(%dma_wait3A_419 : memref<!tpu.dma_semaphore, #tpu.memory_space<semaphore_mem>>) src(%dma_wait3A_417 : memref<1000000x64xf32, #tpu.memory_space<hbm>>) dst(%dma_wait3A_411 : memref<64x64xf32, #tpu.memory_space<vmem>>)
      %scan3A_420 = arith.constant 0 : i32
      %scan3A_421 = arith.constant 0 : i32
      %scan3A_422 = arith.constant 64 : i32
      %scan3A_423 = arith.addi %scan3A_421, %scan3A_422 : i32
      %scan3A_424 = arith.constant 1 : i32
      scf.for %scan3A_713 = %scan3A_421 to %scan3A_423 step %scan3A_424  : i32 {
        %get3A = arith.index_cast %scan3A_713 : i32 to index
        %get3A_714 = arith.constant 0 : index
        %get3A_715 = tpu.vector_load %arg7[%get3A, %get3A_714] {strides = array<i32>} : memref<64x64xf32, #tpu.memory_space<vmem>>, vector<16xf32>,
        %swap3A = arith.constant 3 : i32
        %swap3A_716 = arith.index_cast %swap3A : i32 to index
        %swap3A_717 = arith.index_cast %scan3A_713 : i32 to index
        %swap3A_718 = arith.constant 0 : index
        %swap3A_719 = tpu.vector_load %arg8[%swap3A_716, %swap3A_717, %swap3A_718] {strides = array<i32>} : memref<8x64x64xf32, #tpu.memory_space<vmem>>, vector<16xf32>,
        tpu.vector_store %arg8[%swap3A_716, %swap3A_717, %swap3A_718], %get3A_715 {add = true, strides = array<i32>} : memref<8x64x64xf32, #tpu.memory_space<vmem>>, vector<16xf32>,
        %get3A_720 = arith.index_cast %scan3A_713 : i32 to index
        %get3A_721 = arith.constant 16 : index
        %get3A_722 = tpu.vector_load %arg7[%get3A_720, %get3A_721] {strides = array<i32>} : memref<64x64xf32, #tpu.memory_space<vmem>>, vector<16xf32>,
        %swap3A_723 = arith.constant 3 : i32
        %swap3A_724 = arith.index_cast %swap3A_723 : i32 to index
        %swap3A_725 = arith.index_cast %scan3A_713 : i32 to index
        %swap3A_726 = arith.constant 16 : index
        %swap3A_727 = tpu.vector_load %arg8[%swap3A_724, %swap3A_725, %swap3A_726] {strides = array<i32>} : memref<8x64x64xf32, #tpu.memory_space<vmem>>, vector<16xf32>,
        tpu.vector_store %arg8[%swap3A_724, %swap3A_725, %swap3A_726], %get3A_722 {add = true, strides = array<i32>} : memref<8x64x64xf32, #tpu.memory_space<vmem>>, vector<16xf32>,
        %get3A_728 = arith.index_cast %scan3A_713 : i32 to index
        %get3A_729 = arith.constant 32 : index
        %get3A_730 = tpu.vector_load %arg7[%get3A_728, %get3A_729] {strides = array<i32>} : memref<64x64xf32, #tpu.memory_space<vmem>>, vector<16xf32>,
        %swap3A_731 = arith.constant 3 : i32
        %swap3A_732 = arith.index_cast %swap3A_731 : i32 to index
        %swap3A_733 = arith.index_cast %scan3A_713 : i32 to index
        %swap3A_734 = arith.constant 32 : index
        %swap3A_735 = tpu.vector_load %arg8[%swap3A_732, %swap3A_733, %swap3A_734] {strides = array<i32>} : memref<8x64x64xf32, #tpu.memory_space<vmem>>, vector<16xf32>,
        tpu.vector_store %arg8[%swap3A_732, %swap3A_733, %swap3A_734], %get3A_730 {add = true, strides = array<i32>} : memref<8x64x64xf32, #tpu.memory_space<vmem>>, vector<16xf32>,
        %get3A_736 = arith.index_cast %scan3A_713 : i32 to index
        %get3A_737 = arith.constant 48 : index
        %get3A_738 = tpu.vector_load %arg7[%get3A_736, %get3A_737] {strides = array<i32>} : memref<64x64xf32, #tpu.memory_space<vmem>>, vector<16xf32>,
        %swap3A_739 = arith.constant 3 : i32
        %swap3A_740 = arith.index_cast %swap3A_739 : i32 to index
        %swap3A_741 = arith.index_cast %scan3A_713 : i32 to index
        %swap3A_742 = arith.constant 48 : index
        %swap3A_743 = tpu.vector_load %arg8[%swap3A_740, %swap3A_741, %swap3A_742] {strides = array<i32>} : memref<8x64x64xf32, #tpu.memory_space<vmem>>, vector<16xf32>,
        tpu.vector_store %arg8[%swap3A_740, %swap3A_741, %swap3A_742], %get3A_738 {add = true, strides = array<i32>} : memref<8x64x64xf32, #tpu.memory_space<vmem>>, vector<16xf32>,
      }
      %scan3A_425 = arith.constant 64 : i32
      %scan3A_426 = arith.constant 0 : i32
      %scan3A_427 = arith.constant 0 : i32
      %scan3A_428 = arith.constant 64 : i32
      %scan3A_429 = arith.addi %scan3A_427, %scan3A_428 : i32
      %scan3A_430 = arith.constant 1 : i32
      scf.for %scan3A_713 = %scan3A_427 to %scan3A_429 step %scan3A_430  : i32 {
        %broadcast_in_dim3A = vector.broadcast %scan3A_713 : i32 to vector<16xi32>
        %iota3A = tpu.iota {dimensions = array<i32: 0>} : vector<16xi32>
        %add3A_714 = arith.constant 0 : i32
        %add3A_715 = vector.broadcast %add3A_714 : i32 to vector<16xi32>
        %add3A_716 = arith.addi %iota3A, %add3A_715 : vector<16xi32>
        %gather3A = arith.constant 3 : i32
        %gather3A_717 = arith.constant 0 : i32
        %gather3A_718 = arith.constant 0 : i32
        %gather3A_719 = tpu.memref_slice %arg8[%gather3A, %gather3A_717, %gather3A_718] : memref<8x64x64xf32, #tpu.memory_space<vmem>> -> memref<1x64x64xf32, #tpu.memory_space<vmem>>
        %gather3A_720 = tpu.memref_squeeze %gather3A_719 : memref<1x64x64xf32, #tpu.memory_space<vmem>> -> memref<64x64xf32, #tpu.memory_space<vmem>>
        %gather3A_721 = tpu.vector_load_idx %gather3A_720[%add3A_716, %broadcast_in_dim3A] : memref<64x64xf32, #tpu.memory_space<vmem>>[vector<16xi32>, vector<16xi32>], vector<16xf32>,
        %swap3A = arith.constant 3 : i32
        %swap3A_722 = arith.index_cast %swap3A : i32 to index
        %swap3A_723 = arith.index_cast %scan3A_713 : i32 to index
        %swap3A_724 = arith.constant 0 : index
        %swap3A_725 = tpu.vector_load %arg9[%swap3A_722, %swap3A_723, %swap3A_724] {strides = array<i32>} : memref<8x64x64xf32, #tpu.memory_space<vmem>>, vector<16xf32>,
        tpu.vector_store %arg9[%swap3A_722, %swap3A_723, %swap3A_724], %gather3A_721 {strides = array<i32>} : memref<8x64x64xf32, #tpu.memory_space<vmem>>, vector<16xf32>,
        %iota3A_726 = tpu.iota {dimensions = array<i32: 0>} : vector<16xi32>
        %add3A_727 = arith.constant 16 : i32
        %add3A_728 = vector.broadcast %add3A_727 : i32 to vector<16xi32>
        %add3A_729 = arith.addi %iota3A_726, %add3A_728 : vector<16xi32>
        %gather3A_730 = arith.constant 3 : i32
        %gather3A_731 = arith.constant 0 : i32
        %gather3A_732 = arith.constant 0 : i32
        %gather3A_733 = tpu.memref_slice %arg8[%gather3A_730, %gather3A_731, %gather3A_732] : memref<8x64x64xf32, #tpu.memory_space<vmem>> -> memref<1x64x64xf32, #tpu.memory_space<vmem>>
        %gather3A_734 = tpu.memref_squeeze %gather3A_733 : memref<1x64x64xf32, #tpu.memory_space<vmem>> -> memref<64x64xf32, #tpu.memory_space<vmem>>
        %gather3A_735 = tpu.vector_load_idx %gather3A_734[%add3A_729, %broadcast_in_dim3A] : memref<64x64xf32, #tpu.memory_space<vmem>>[vector<16xi32>, vector<16xi32>], vector<16xf32>,
        %swap3A_736 = arith.constant 3 : i32
        %swap3A_737 = arith.index_cast %swap3A_736 : i32 to index
        %swap3A_738 = arith.index_cast %scan3A_713 : i32 to index
        %swap3A_739 = arith.constant 16 : index
        %swap3A_740 = tpu.vector_load %arg9[%swap3A_737, %swap3A_738, %swap3A_739] {strides = array<i32>} : memref<8x64x64xf32, #tpu.memory_space<vmem>>, vector<16xf32>,
        tpu.vector_store %arg9[%swap3A_737, %swap3A_738, %swap3A_739], %gather3A_735 {strides = array<i32>} : memref<8x64x64xf32, #tpu.memory_space<vmem>>, vector<16xf32>,
        %iota3A_741 = tpu.iota {dimensions = array<i32: 0>} : vector<16xi32>
        %add3A_742 = arith.constant 32 : i32
        %add3A_743 = vector.broadcast %add3A_742 : i32 to vector<16xi32>
        %add3A_744 = arith.addi %iota3A_741, %add3A_743 : vector<16xi32>
        %gather3A_745 = arith.constant 3 : i32
        %gather3A_746 = arith.constant 0 : i32
        %gather3A_747 = arith.constant 0 : i32
        %gather3A_748 = tpu.memref_slice %arg8[%gather3A_745, %gather3A_746, %gather3A_747] : memref<8x64x64xf32, #tpu.memory_space<vmem>> -> memref<1x64x64xf32, #tpu.memory_space<vmem>>
        %gather3A_749 = tpu.memref_squeeze %gather3A_748 : memref<1x64x64xf32, #tpu.memory_space<vmem>> -> memref<64x64xf32, #tpu.memory_space<vmem>>
        %gather3A_750 = tpu.vector_load_idx %gather3A_749[%add3A_744, %broadcast_in_dim3A] : memref<64x64xf32, #tpu.memory_space<vmem>>[vector<16xi32>, vector<16xi32>], vector<16xf32>,
        %swap3A_751 = arith.constant 3 : i32
        %swap3A_752 = arith.index_cast %swap3A_751 : i32 to index
        %swap3A_753 = arith.index_cast %scan3A_713 : i32 to index
        %swap3A_754 = arith.constant 32 : index
        %swap3A_755 = tpu.vector_load %arg9[%swap3A_752, %swap3A_753, %swap3A_754] {strides = array<i32>} : memref<8x64x64xf32, #tpu.memory_space<vmem>>, vector<16xf32>,
        tpu.vector_store %arg9[%swap3A_752, %swap3A_753, %swap3A_754], %gather3A_750 {strides = array<i32>} : memref<8x64x64xf32, #tpu.memory_space<vmem>>, vector<16xf32>,
        %iota3A_756 = tpu.iota {dimensions = array<i32: 0>} : vector<16xi32>
        %add3A_757 = arith.constant 48 : i32
        %add3A_758 = vector.broadcast %add3A_757 : i32 to vector<16xi32>
        %add3A_759 = arith.addi %iota3A_756, %add3A_758 : vector<16xi32>
        %gather3A_760 = arith.constant 3 : i32
        %gather3A_761 = arith.constant 0 : i32
        %gather3A_762 = arith.constant 0 : i32
        %gather3A_763 = tpu.memref_slice %arg8[%gather3A_760, %gather3A_761, %gather3A_762] : memref<8x64x64xf32, #tpu.memory_space<vmem>> -> memref<1x64x64xf32, #tpu.memory_space<vmem>>
        %gather3A_764 = tpu.memref_squeeze %gather3A_763 : memref<1x64x64xf32, #tpu.memory_space<vmem>> -> memref<64x64xf32, #tpu.memory_space<vmem>>
        %gather3A_765 = tpu.vector_load_idx %gather3A_764[%add3A_759, %broadcast_in_dim3A] : memref<64x64xf32, #tpu.memory_space<vmem>>[vector<16xi32>, vector<16xi32>], vector<16xf32>,
        %swap3A_766 = arith.constant 3 : i32
        %swap3A_767 = arith.index_cast %swap3A_766 : i32 to index
        %swap3A_768 = arith.index_cast %scan3A_713 : i32 to index
        %swap3A_769 = arith.constant 48 : index
        %swap3A_770 = tpu.vector_load %arg9[%swap3A_767, %swap3A_768, %swap3A_769] {strides = array<i32>} : memref<8x64x64xf32, #tpu.memory_space<vmem>>, vector<16xf32>,
        tpu.vector_store %arg9[%swap3A_767, %swap3A_768, %swap3A_769], %gather3A_765 {strides = array<i32>} : memref<8x64x64xf32, #tpu.memory_space<vmem>>, vector<16xf32>,
      }
      %scan3A_431 = arith.constant 64 : i32
      %dma_start3A_432 = arith.constant 3 : i32
      %dma_start3A_433 = arith.constant 3 : i32
      %dma_start3A_434 = arith.constant 0 : i32
      %dma_start3A_435 = arith.constant 0 : i32
      %dma_start3A_436 = tpu.memref_slice %arg9[%dma_start3A_432, %dma_start3A_434, %dma_start3A_435] : memref<8x64x64xf32, #tpu.memory_space<vmem>> -> memref<1x64x64xf32, #tpu.memory_space<vmem>>
      %dma_start3A_437 = tpu.memref_squeeze %dma_start3A_436 : memref<1x64x64xf32, #tpu.memory_space<vmem>> -> memref<64x64xf32, #tpu.memory_space<vmem>>
      %dma_start3A_438 = arith.constant 0 : i32
      %dma_start3A_439 = tpu.memref_slice %arg5[%add3A_404, %dma_start3A_438, %mul3A_2] : memref<64x64x2048xf32, #tpu.memory_space<hbm>> -> memref<1x64x64xf32, #tpu.memory_space<hbm>>
      %dma_start3A_440 = tpu.memref_squeeze %dma_start3A_439 : memref<1x64x64xf32, #tpu.memory_space<hbm>> -> memref<64x64xf32, #tpu.memory_space<hbm>>
      %dma_start3A_441 = tpu.memref_slice %arg11[%dma_start3A_433] : memref<8x!tpu.dma_semaphore, #tpu.memory_space<semaphore_mem>> -> memref<1x!tpu.dma_semaphore, #tpu.memory_space<semaphore_mem>>
      %dma_start3A_442 = tpu.memref_squeeze %dma_start3A_441 : memref<1x!tpu.dma_semaphore, #tpu.memory_space<semaphore_mem>> -> memref<!tpu.dma_semaphore, #tpu.memory_space<semaphore_mem>>
      %dma_start3A_443 = arith.constant 0 : i32
      %dma_start3A_444 = tpu.memref_slice %arg5[%add3A_404, %dma_start3A_443, %mul3A_2] : memref<64x64x2048xf32, #tpu.memory_space<hbm>> -> memref<1x64x64xf32, #tpu.memory_space<hbm>>
      %dma_start3A_445 = tpu.memref_squeeze %dma_start3A_444 : memref<1x64x64xf32, #tpu.memory_space<hbm>> -> memref<64x64xf32, #tpu.memory_space<hbm>>
      %dma_start3A_446 = arith.constant 0 : i32
      %dma_start3A_447 = arith.constant 0 : i32
      %dma_start3A_448 = tpu.memref_slice %arg9[%dma_start3A_432, %dma_start3A_446, %dma_start3A_447] : memref<8x64x64xf32, #tpu.memory_space<vmem>> -> memref<1x64x64xf32, #tpu.memory_space<vmem>>
      %dma_start3A_449 = tpu.memref_squeeze %dma_start3A_448 : memref<1x64x64xf32, #tpu.memory_space<vmem>> -> memref<64x64xf32, #tpu.memory_space<vmem>>
      tpu.enqueue_dma source(%dma_start3A_449 : memref<64x64xf32, #tpu.memory_space<vmem>>) target(%dma_start3A_445 : memref<64x64xf32, #tpu.memory_space<hbm>>) target_semaphore(%dma_start3A_442 : memref<!tpu.dma_semaphore, #tpu.memory_space<semaphore_mem>>)
      %add3A_450 = arith.constant 4 : i32
      %add3A_451 = arith.addi %add3A_404, %add3A_450 : i32
      %ge3A_452 = arith.constant 8 : i32
      %ge3A_453 = arith.cmpi sge, %add3A_451, %ge3A_452 : i32
      %lt3A_454 = arith.constant 64 : i32
      %lt3A_455 = arith.cmpi slt, %add3A_451, %lt3A_454 : i32
      %and3A_456 = arith.andi %ge3A_453, %lt3A_455 : i1
      %convert_element_type3A_457 = arith.extui %and3A_456 : i1 to i32
      %cond3A_458 = arith.constant 0 : i32
      %cond3A_459 = arith.cmpi ne, %convert_element_type3A_457, %cond3A_458 : i32
      scf.if %cond3A_459 {
        %dma_wait3A_713 = arith.constant 7 : i32
        %dma_wait3A_714 = arith.constant 7 : i32
        %dma_wait3A_715 = arith.constant 0 : i32
        %dma_wait3A_716 = arith.constant 0 : i32
        %dma_wait3A_717 = tpu.memref_slice %arg9[%dma_wait3A_713, %dma_wait3A_715, %dma_wait3A_716] : memref<8x64x64xf32, #tpu.memory_space<vmem>> -> memref<1x64x64xf32, #tpu.memory_space<vmem>>
        %dma_wait3A_718 = tpu.memref_squeeze %dma_wait3A_717 : memref<1x64x64xf32, #tpu.memory_space<vmem>> -> memref<64x64xf32, #tpu.memory_space<vmem>>
        %dma_wait3A_719 = arith.constant 0 : i32
        %dma_wait3A_720 = tpu.memref_slice %arg5[%add3A_404, %dma_wait3A_719, %mul3A_2] : memref<64x64x2048xf32, #tpu.memory_space<hbm>> -> memref<1x64x64xf32, #tpu.memory_space<hbm>>
        %dma_wait3A_721 = tpu.memref_squeeze %dma_wait3A_720 : memref<1x64x64xf32, #tpu.memory_space<hbm>> -> memref<64x64xf32, #tpu.memory_space<hbm>>
        %dma_wait3A_722 = tpu.memref_slice %arg11[%dma_wait3A_714] : memref<8x!tpu.dma_semaphore, #tpu.memory_space<semaphore_mem>> -> memref<1x!tpu.dma_semaphore, #tpu.memory_space<semaphore_mem>>
        %dma_wait3A_723 = tpu.memref_squeeze %dma_wait3A_722 : memref<1x!tpu.dma_semaphore, #tpu.memory_space<semaphore_mem>> -> memref<!tpu.dma_semaphore, #tpu.memory_space<semaphore_mem>>
        %dma_wait3A_724 = arith.constant 0 : i32
        %dma_wait3A_725 = tpu.memref_slice %arg5[%add3A_404, %dma_wait3A_724, %mul3A_2] : memref<64x64x2048xf32, #tpu.memory_space<hbm>> -> memref<1x64x64xf32, #tpu.memory_space<hbm>>
        %dma_wait3A_726 = tpu.memref_squeeze %dma_wait3A_725 : memref<1x64x64xf32, #tpu.memory_space<hbm>> -> memref<64x64xf32, #tpu.memory_space<hbm>>
        %dma_wait3A_727 = arith.constant 0 : i32
        %dma_wait3A_728 = arith.constant 0 : i32
        %dma_wait3A_729 = tpu.memref_slice %arg9[%dma_wait3A_713, %dma_wait3A_727, %dma_wait3A_728] : memref<8x64x64xf32, #tpu.memory_space<vmem>> -> memref<1x64x64xf32, #tpu.memory_space<vmem>>
        %dma_wait3A_730 = tpu.memref_squeeze %dma_wait3A_729 : memref<1x64x64xf32, #tpu.memory_space<vmem>> -> memref<64x64xf32, #tpu.memory_space<vmem>>
        tpu.wait_dma2 semaphore(%dma_wait3A_723 : memref<!tpu.dma_semaphore, #tpu.memory_space<semaphore_mem>>) src(%dma_wait3A_730 : memref<64x64xf32, #tpu.memory_space<vmem>>) dst(%dma_wait3A_726 : memref<64x64xf32, #tpu.memory_space<hbm>>)
      } else {
      }
      %lt3A_460 = arith.constant 64 : i32
      %lt3A_461 = arith.cmpi slt, %add3A_451, %lt3A_460 : i32
      %convert_element_type3A_462 = arith.extui %lt3A_461 : i1 to i32
      %cond3A_463 = arith.constant 0 : i32
      %cond3A_464 = arith.cmpi ne, %convert_element_type3A_462, %cond3A_463 : i32
      scf.if %cond3A_464 {
        %dma_start3A_713 = arith.constant 7 : i32
        %dma_start3A_714 = arith.constant 7 : i32
        %dma_start3A_715 = arith.constant 0 : i32
        %dma_start3A_716 = arith.constant 0 : i32
        %dma_start3A_717 = tpu.memref_slice %arg8[%dma_start3A_713, %dma_start3A_715, %dma_start3A_716] : memref<8x64x64xf32, #tpu.memory_space<vmem>> -> memref<1x64x64xf32, #tpu.memory_space<vmem>>
        %dma_start3A_718 = tpu.memref_squeeze %dma_start3A_717 : memref<1x64x64xf32, #tpu.memory_space<vmem>> -> memref<64x64xf32, #tpu.memory_space<vmem>>
        %dma_start3A_719 = arith.constant 0 : i32
        %dma_start3A_720 = tpu.memref_slice %arg6[%add3A_451, %dma_start3A_719] : memref<64x64xi32, #tpu.memory_space<vmem>> -> memref<1x64xi32, #tpu.memory_space<vmem>>
        %dma_start3A_721 = tpu.memref_squeeze %dma_start3A_720 : memref<1x64xi32, #tpu.memory_space<vmem>> -> memref<64xi32, #tpu.memory_space<vmem>>
        %dma_start3A_722 = arith.constant 0 : i32
        %dma_start3A_723 = arith.constant 0 : i32
        %dma_start3A_724 = tpu.memref_slice %arg3[%dma_start3A_722, %dma_start3A_723] : memref<1000000x64xf32, #tpu.memory_space<hbm>> -> memref<1000000x64xf32, #tpu.memory_space<hbm>>
        %dma_start3A_725 = tpu.memref_slice %arg10[%dma_start3A_714] : memref<8x!tpu.dma_semaphore, #tpu.memory_space<semaphore_mem>> -> memref<1x!tpu.dma_semaphore, #tpu.memory_space<semaphore_mem>>
        %dma_start3A_726 = tpu.memref_squeeze %dma_start3A_725 : memref<1x!tpu.dma_semaphore, #tpu.memory_space<semaphore_mem>> -> memref<!tpu.dma_semaphore, #tpu.memory_space<semaphore_mem>>
        tpu.enqueue_indirect_dma source(%dma_start3A_724 : memref<1000000x64xf32, #tpu.memory_space<hbm>>) target(%dma_start3A_718 : memref<64x64xf32, #tpu.memory_space<vmem>>) offsets(%dma_start3A_721 : memref<64xi32, #tpu.memory_space<vmem>>) semaphore(%dma_start3A_726 : memref<!tpu.dma_semaphore, #tpu.memory_space<semaphore_mem>>)
      } else {
      }
      %add3A_465 = arith.constant 4 : i32
      %add3A_466 = arith.addi %add3A_221, %add3A_465 : i32
      %dma_wait3A_467 = arith.constant 0 : i32
      %dma_wait3A_468 = arith.constant 4 : i32
      %dma_wait3A_469 = arith.constant 4 : i32
      %dma_wait3A_470 = arith.constant 0 : i32
      %dma_wait3A_471 = arith.constant 0 : i32
      %dma_wait3A_472 = tpu.memref_slice %arg8[%dma_wait3A_468, %dma_wait3A_470, %dma_wait3A_471] : memref<8x64x64xf32, #tpu.memory_space<vmem>> -> memref<1x64x64xf32, #tpu.memory_space<vmem>>
      %dma_wait3A_473 = tpu.memref_squeeze %dma_wait3A_472 : memref<1x64x64xf32, #tpu.memory_space<vmem>> -> memref<64x64xf32, #tpu.memory_space<vmem>>
      %dma_wait3A_474 = arith.constant 0 : i32
      %dma_wait3A_475 = tpu.memref_slice %arg6[%dma_wait3A_467, %dma_wait3A_474] : memref<64x64xi32, #tpu.memory_space<vmem>> -> memref<1x64xi32, #tpu.memory_space<vmem>>
      %dma_wait3A_476 = tpu.memref_squeeze %dma_wait3A_475 : memref<1x64xi32, #tpu.memory_space<vmem>> -> memref<64xi32, #tpu.memory_space<vmem>>
      %dma_wait3A_477 = arith.constant 0 : i32
      %dma_wait3A_478 = arith.constant 0 : i32
      %dma_wait3A_479 = tpu.memref_slice %arg3[%dma_wait3A_477, %dma_wait3A_478] : memref<1000000x64xf32, #tpu.memory_space<hbm>> -> memref<1000000x64xf32, #tpu.memory_space<hbm>>
      %dma_wait3A_480 = tpu.memref_slice %arg10[%dma_wait3A_469] : memref<8x!tpu.dma_semaphore, #tpu.memory_space<semaphore_mem>> -> memref<1x!tpu.dma_semaphore, #tpu.memory_space<semaphore_mem>>
      %dma_wait3A_481 = tpu.memref_squeeze %dma_wait3A_480 : memref<1x!tpu.dma_semaphore, #tpu.memory_space<semaphore_mem>> -> memref<!tpu.dma_semaphore, #tpu.memory_space<semaphore_mem>>
      tpu.wait_indirect_dma semaphore(%dma_wait3A_481 : memref<!tpu.dma_semaphore, #tpu.memory_space<semaphore_mem>>) src(%dma_wait3A_479 : memref<1000000x64xf32, #tpu.memory_space<hbm>>) dst(%dma_wait3A_473 : memref<64x64xf32, #tpu.memory_space<vmem>>)
      %scan3A_482 = arith.constant 0 : i32
      %scan3A_483 = arith.constant 0 : i32
      %scan3A_484 = arith.constant 64 : i32
      %scan3A_485 = arith.addi %scan3A_483, %scan3A_484 : i32
      %scan3A_486 = arith.constant 1 : i32
      scf.for %scan3A_713 = %scan3A_483 to %scan3A_485 step %scan3A_486  : i32 {
        %get3A = arith.index_cast %scan3A_713 : i32 to index
        %get3A_714 = arith.constant 0 : index
        %get3A_715 = tpu.vector_load %arg7[%get3A, %get3A_714] {strides = array<i32>} : memref<64x64xf32, #tpu.memory_space<vmem>>, vector<16xf32>,
        %swap3A = arith.constant 4 : i32
        %swap3A_716 = arith.index_cast %swap3A : i32 to index
        %swap3A_717 = arith.index_cast %scan3A_713 : i32 to index
        %swap3A_718 = arith.constant 0 : index
        %swap3A_719 = tpu.vector_load %arg8[%swap3A_716, %swap3A_717, %swap3A_718] {strides = array<i32>} : memref<8x64x64xf32, #tpu.memory_space<vmem>>, vector<16xf32>,
        tpu.vector_store %arg8[%swap3A_716, %swap3A_717, %swap3A_718], %get3A_715 {add = true, strides = array<i32>} : memref<8x64x64xf32, #tpu.memory_space<vmem>>, vector<16xf32>,
        %get3A_720 = arith.index_cast %scan3A_713 : i32 to index
        %get3A_721 = arith.constant 16 : index
        %get3A_722 = tpu.vector_load %arg7[%get3A_720, %get3A_721] {strides = array<i32>} : memref<64x64xf32, #tpu.memory_space<vmem>>, vector<16xf32>,
        %swap3A_723 = arith.constant 4 : i32
        %swap3A_724 = arith.index_cast %swap3A_723 : i32 to index
        %swap3A_725 = arith.index_cast %scan3A_713 : i32 to index
        %swap3A_726 = arith.constant 16 : index
        %swap3A_727 = tpu.vector_load %arg8[%swap3A_724, %swap3A_725, %swap3A_726] {strides = array<i32>} : memref<8x64x64xf32, #tpu.memory_space<vmem>>, vector<16xf32>,
        tpu.vector_store %arg8[%swap3A_724, %swap3A_725, %swap3A_726], %get3A_722 {add = true, strides = array<i32>} : memref<8x64x64xf32, #tpu.memory_space<vmem>>, vector<16xf32>,
        %get3A_728 = arith.index_cast %scan3A_713 : i32 to index
        %get3A_729 = arith.constant 32 : index
        %get3A_730 = tpu.vector_load %arg7[%get3A_728, %get3A_729] {strides = array<i32>} : memref<64x64xf32, #tpu.memory_space<vmem>>, vector<16xf32>,
        %swap3A_731 = arith.constant 4 : i32
        %swap3A_732 = arith.index_cast %swap3A_731 : i32 to index
        %swap3A_733 = arith.index_cast %scan3A_713 : i32 to index
        %swap3A_734 = arith.constant 32 : index
        %swap3A_735 = tpu.vector_load %arg8[%swap3A_732, %swap3A_733, %swap3A_734] {strides = array<i32>} : memref<8x64x64xf32, #tpu.memory_space<vmem>>, vector<16xf32>,
        tpu.vector_store %arg8[%swap3A_732, %swap3A_733, %swap3A_734], %get3A_730 {add = true, strides = array<i32>} : memref<8x64x64xf32, #tpu.memory_space<vmem>>, vector<16xf32>,
        %get3A_736 = arith.index_cast %scan3A_713 : i32 to index
        %get3A_737 = arith.constant 48 : index
        %get3A_738 = tpu.vector_load %arg7[%get3A_736, %get3A_737] {strides = array<i32>} : memref<64x64xf32, #tpu.memory_space<vmem>>, vector<16xf32>,
        %swap3A_739 = arith.constant 4 : i32
        %swap3A_740 = arith.index_cast %swap3A_739 : i32 to index
        %swap3A_741 = arith.index_cast %scan3A_713 : i32 to index
        %swap3A_742 = arith.constant 48 : index
        %swap3A_743 = tpu.vector_load %arg8[%swap3A_740, %swap3A_741, %swap3A_742] {strides = array<i32>} : memref<8x64x64xf32, #tpu.memory_space<vmem>>, vector<16xf32>,
        tpu.vector_store %arg8[%swap3A_740, %swap3A_741, %swap3A_742], %get3A_738 {add = true, strides = array<i32>} : memref<8x64x64xf32, #tpu.memory_space<vmem>>, vector<16xf32>,
      }
      %scan3A_487 = arith.constant 64 : i32
      %scan3A_488 = arith.constant 0 : i32
      %scan3A_489 = arith.constant 0 : i32
      %scan3A_490 = arith.constant 64 : i32
      %scan3A_491 = arith.addi %scan3A_489, %scan3A_490 : i32
      %scan3A_492 = arith.constant 1 : i32
      scf.for %scan3A_713 = %scan3A_489 to %scan3A_491 step %scan3A_492  : i32 {
        %broadcast_in_dim3A = vector.broadcast %scan3A_713 : i32 to vector<16xi32>
        %iota3A = tpu.iota {dimensions = array<i32: 0>} : vector<16xi32>
        %add3A_714 = arith.constant 0 : i32
        %add3A_715 = vector.broadcast %add3A_714 : i32 to vector<16xi32>
        %add3A_716 = arith.addi %iota3A, %add3A_715 : vector<16xi32>
        %gather3A = arith.constant 4 : i32
        %gather3A_717 = arith.constant 0 : i32
        %gather3A_718 = arith.constant 0 : i32
        %gather3A_719 = tpu.memref_slice %arg8[%gather3A, %gather3A_717, %gather3A_718] : memref<8x64x64xf32, #tpu.memory_space<vmem>> -> memref<1x64x64xf32, #tpu.memory_space<vmem>>
        %gather3A_720 = tpu.memref_squeeze %gather3A_719 : memref<1x64x64xf32, #tpu.memory_space<vmem>> -> memref<64x64xf32, #tpu.memory_space<vmem>>
        %gather3A_721 = tpu.vector_load_idx %gather3A_720[%add3A_716, %broadcast_in_dim3A] : memref<64x64xf32, #tpu.memory_space<vmem>>[vector<16xi32>, vector<16xi32>], vector<16xf32>,
        %swap3A = arith.constant 4 : i32
        %swap3A_722 = arith.index_cast %swap3A : i32 to index
        %swap3A_723 = arith.index_cast %scan3A_713 : i32 to index
        %swap3A_724 = arith.constant 0 : index
        %swap3A_725 = tpu.vector_load %arg9[%swap3A_722, %swap3A_723, %swap3A_724] {strides = array<i32>} : memref<8x64x64xf32, #tpu.memory_space<vmem>>, vector<16xf32>,
        tpu.vector_store %arg9[%swap3A_722, %swap3A_723, %swap3A_724], %gather3A_721 {strides = array<i32>} : memref<8x64x64xf32, #tpu.memory_space<vmem>>, vector<16xf32>,
        %iota3A_726 = tpu.iota {dimensions = array<i32: 0>} : vector<16xi32>
        %add3A_727 = arith.constant 16 : i32
        %add3A_728 = vector.broadcast %add3A_727 : i32 to vector<16xi32>
        %add3A_729 = arith.addi %iota3A_726, %add3A_728 : vector<16xi32>
        %gather3A_730 = arith.constant 4 : i32
        %gather3A_731 = arith.constant 0 : i32
        %gather3A_732 = arith.constant 0 : i32
        %gather3A_733 = tpu.memref_slice %arg8[%gather3A_730, %gather3A_731, %gather3A_732] : memref<8x64x64xf32, #tpu.memory_space<vmem>> -> memref<1x64x64xf32, #tpu.memory_space<vmem>>
        %gather3A_734 = tpu.memref_squeeze %gather3A_733 : memref<1x64x64xf32, #tpu.memory_space<vmem>> -> memref<64x64xf32, #tpu.memory_space<vmem>>
        %gather3A_735 = tpu.vector_load_idx %gather3A_734[%add3A_729, %broadcast_in_dim3A] : memref<64x64xf32, #tpu.memory_space<vmem>>[vector<16xi32>, vector<16xi32>], vector<16xf32>,
        %swap3A_736 = arith.constant 4 : i32
        %swap3A_737 = arith.index_cast %swap3A_736 : i32 to index
        %swap3A_738 = arith.index_cast %scan3A_713 : i32 to index
        %swap3A_739 = arith.constant 16 : index
        %swap3A_740 = tpu.vector_load %arg9[%swap3A_737, %swap3A_738, %swap3A_739] {strides = array<i32>} : memref<8x64x64xf32, #tpu.memory_space<vmem>>, vector<16xf32>,
        tpu.vector_store %arg9[%swap3A_737, %swap3A_738, %swap3A_739], %gather3A_735 {strides = array<i32>} : memref<8x64x64xf32, #tpu.memory_space<vmem>>, vector<16xf32>,
        %iota3A_741 = tpu.iota {dimensions = array<i32: 0>} : vector<16xi32>
        %add3A_742 = arith.constant 32 : i32
        %add3A_743 = vector.broadcast %add3A_742 : i32 to vector<16xi32>
        %add3A_744 = arith.addi %iota3A_741, %add3A_743 : vector<16xi32>
        %gather3A_745 = arith.constant 4 : i32
        %gather3A_746 = arith.constant 0 : i32
        %gather3A_747 = arith.constant 0 : i32
        %gather3A_748 = tpu.memref_slice %arg8[%gather3A_745, %gather3A_746, %gather3A_747] : memref<8x64x64xf32, #tpu.memory_space<vmem>> -> memref<1x64x64xf32, #tpu.memory_space<vmem>>
        %gather3A_749 = tpu.memref_squeeze %gather3A_748 : memref<1x64x64xf32, #tpu.memory_space<vmem>> -> memref<64x64xf32, #tpu.memory_space<vmem>>
        %gather3A_750 = tpu.vector_load_idx %gather3A_749[%add3A_744, %broadcast_in_dim3A] : memref<64x64xf32, #tpu.memory_space<vmem>>[vector<16xi32>, vector<16xi32>], vector<16xf32>,
        %swap3A_751 = arith.constant 4 : i32
        %swap3A_752 = arith.index_cast %swap3A_751 : i32 to index
        %swap3A_753 = arith.index_cast %scan3A_713 : i32 to index
        %swap3A_754 = arith.constant 32 : index
        %swap3A_755 = tpu.vector_load %arg9[%swap3A_752, %swap3A_753, %swap3A_754] {strides = array<i32>} : memref<8x64x64xf32, #tpu.memory_space<vmem>>, vector<16xf32>,
        tpu.vector_store %arg9[%swap3A_752, %swap3A_753, %swap3A_754], %gather3A_750 {strides = array<i32>} : memref<8x64x64xf32, #tpu.memory_space<vmem>>, vector<16xf32>,
        %iota3A_756 = tpu.iota {dimensions = array<i32: 0>} : vector<16xi32>
        %add3A_757 = arith.constant 48 : i32
        %add3A_758 = vector.broadcast %add3A_757 : i32 to vector<16xi32>
        %add3A_759 = arith.addi %iota3A_756, %add3A_758 : vector<16xi32>
        %gather3A_760 = arith.constant 4 : i32
        %gather3A_761 = arith.constant 0 : i32
        %gather3A_762 = arith.constant 0 : i32
        %gather3A_763 = tpu.memref_slice %arg8[%gather3A_760, %gather3A_761, %gather3A_762] : memref<8x64x64xf32, #tpu.memory_space<vmem>> -> memref<1x64x64xf32, #tpu.memory_space<vmem>>
        %gather3A_764 = tpu.memref_squeeze %gather3A_763 : memref<1x64x64xf32, #tpu.memory_space<vmem>> -> memref<64x64xf32, #tpu.memory_space<vmem>>
        %gather3A_765 = tpu.vector_load_idx %gather3A_764[%add3A_759, %broadcast_in_dim3A] : memref<64x64xf32, #tpu.memory_space<vmem>>[vector<16xi32>, vector<16xi32>], vector<16xf32>,
        %swap3A_766 = arith.constant 4 : i32
        %swap3A_767 = arith.index_cast %swap3A_766 : i32 to index
        %swap3A_768 = arith.index_cast %scan3A_713 : i32 to index
        %swap3A_769 = arith.constant 48 : index
        %swap3A_770 = tpu.vector_load %arg9[%swap3A_767, %swap3A_768, %swap3A_769] {strides = array<i32>} : memref<8x64x64xf32, #tpu.memory_space<vmem>>, vector<16xf32>,
        tpu.vector_store %arg9[%swap3A_767, %swap3A_768, %swap3A_769], %gather3A_765 {strides = array<i32>} : memref<8x64x64xf32, #tpu.memory_space<vmem>>, vector<16xf32>,
      }
      %scan3A_493 = arith.constant 64 : i32
      %dma_start3A_494 = arith.constant 4 : i32
      %dma_start3A_495 = arith.constant 4 : i32
      %dma_start3A_496 = arith.constant 0 : i32
      %dma_start3A_497 = arith.constant 0 : i32
      %dma_start3A_498 = tpu.memref_slice %arg9[%dma_start3A_494, %dma_start3A_496, %dma_start3A_497] : memref<8x64x64xf32, #tpu.memory_space<vmem>> -> memref<1x64x64xf32, #tpu.memory_space<vmem>>
      %dma_start3A_499 = tpu.memref_squeeze %dma_start3A_498 : memref<1x64x64xf32, #tpu.memory_space<vmem>> -> memref<64x64xf32, #tpu.memory_space<vmem>>
      %dma_start3A_500 = arith.constant 0 : i32
      %dma_start3A_501 = tpu.memref_slice %arg5[%add3A_466, %dma_start3A_500, %mul3A_2] : memref<64x64x2048xf32, #tpu.memory_space<hbm>> -> memref<1x64x64xf32, #tpu.memory_space<hbm>>
      %dma_start3A_502 = tpu.memref_squeeze %dma_start3A_501 : memref<1x64x64xf32, #tpu.memory_space<hbm>> -> memref<64x64xf32, #tpu.memory_space<hbm>>
      %dma_start3A_503 = tpu.memref_slice %arg11[%dma_start3A_495] : memref<8x!tpu.dma_semaphore, #tpu.memory_space<semaphore_mem>> -> memref<1x!tpu.dma_semaphore, #tpu.memory_space<semaphore_mem>>
      %dma_start3A_504 = tpu.memref_squeeze %dma_start3A_503 : memref<1x!tpu.dma_semaphore, #tpu.memory_space<semaphore_mem>> -> memref<!tpu.dma_semaphore, #tpu.memory_space<semaphore_mem>>
      %dma_start3A_505 = arith.constant 0 : i32
      %dma_start3A_506 = tpu.memref_slice %arg5[%add3A_466, %dma_start3A_505, %mul3A_2] : memref<64x64x2048xf32, #tpu.memory_space<hbm>> -> memref<1x64x64xf32, #tpu.memory_space<hbm>>
      %dma_start3A_507 = tpu.memref_squeeze %dma_start3A_506 : memref<1x64x64xf32, #tpu.memory_space<hbm>> -> memref<64x64xf32, #tpu.memory_space<hbm>>
      %dma_start3A_508 = arith.constant 0 : i32
      %dma_start3A_509 = arith.constant 0 : i32
      %dma_start3A_510 = tpu.memref_slice %arg9[%dma_start3A_494, %dma_start3A_508, %dma_start3A_509] : memref<8x64x64xf32, #tpu.memory_space<vmem>> -> memref<1x64x64xf32, #tpu.memory_space<vmem>>
      %dma_start3A_511 = tpu.memref_squeeze %dma_start3A_510 : memref<1x64x64xf32, #tpu.memory_space<vmem>> -> memref<64x64xf32, #tpu.memory_space<vmem>>
      tpu.enqueue_dma source(%dma_start3A_511 : memref<64x64xf32, #tpu.memory_space<vmem>>) target(%dma_start3A_507 : memref<64x64xf32, #tpu.memory_space<hbm>>) target_semaphore(%dma_start3A_504 : memref<!tpu.dma_semaphore, #tpu.memory_space<semaphore_mem>>)
      %add3A_512 = arith.constant 4 : i32
      %add3A_513 = arith.addi %add3A_466, %add3A_512 : i32
      %ge3A_514 = arith.constant 8 : i32
      %ge3A_515 = arith.cmpi sge, %add3A_513, %ge3A_514 : i32
      %lt3A_516 = arith.constant 64 : i32
      %lt3A_517 = arith.cmpi slt, %add3A_513, %lt3A_516 : i32
      %and3A_518 = arith.andi %ge3A_515, %lt3A_517 : i1
      %convert_element_type3A_519 = arith.extui %and3A_518 : i1 to i32
      %cond3A_520 = arith.constant 0 : i32
      %cond3A_521 = arith.cmpi ne, %convert_element_type3A_519, %cond3A_520 : i32
      scf.if %cond3A_521 {
        %dma_wait3A_713 = arith.constant 0 : i32
        %dma_wait3A_714 = arith.constant 0 : i32
        %dma_wait3A_715 = arith.constant 0 : i32
        %dma_wait3A_716 = arith.constant 0 : i32
        %dma_wait3A_717 = tpu.memref_slice %arg9[%dma_wait3A_713, %dma_wait3A_715, %dma_wait3A_716] : memref<8x64x64xf32, #tpu.memory_space<vmem>> -> memref<1x64x64xf32, #tpu.memory_space<vmem>>
        %dma_wait3A_718 = tpu.memref_squeeze %dma_wait3A_717 : memref<1x64x64xf32, #tpu.memory_space<vmem>> -> memref<64x64xf32, #tpu.memory_space<vmem>>
        %dma_wait3A_719 = arith.constant 0 : i32
        %dma_wait3A_720 = tpu.memref_slice %arg5[%add3A_466, %dma_wait3A_719, %mul3A_2] : memref<64x64x2048xf32, #tpu.memory_space<hbm>> -> memref<1x64x64xf32, #tpu.memory_space<hbm>>
        %dma_wait3A_721 = tpu.memref_squeeze %dma_wait3A_720 : memref<1x64x64xf32, #tpu.memory_space<hbm>> -> memref<64x64xf32, #tpu.memory_space<hbm>>
        %dma_wait3A_722 = tpu.memref_slice %arg11[%dma_wait3A_714] : memref<8x!tpu.dma_semaphore, #tpu.memory_space<semaphore_mem>> -> memref<1x!tpu.dma_semaphore, #tpu.memory_space<semaphore_mem>>
        %dma_wait3A_723 = tpu.memref_squeeze %dma_wait3A_722 : memref<1x!tpu.dma_semaphore, #tpu.memory_space<semaphore_mem>> -> memref<!tpu.dma_semaphore, #tpu.memory_space<semaphore_mem>>
        %dma_wait3A_724 = arith.constant 0 : i32
        %dma_wait3A_725 = tpu.memref_slice %arg5[%add3A_466, %dma_wait3A_724, %mul3A_2] : memref<64x64x2048xf32, #tpu.memory_space<hbm>> -> memref<1x64x64xf32, #tpu.memory_space<hbm>>
        %dma_wait3A_726 = tpu.memref_squeeze %dma_wait3A_725 : memref<1x64x64xf32, #tpu.memory_space<hbm>> -> memref<64x64xf32, #tpu.memory_space<hbm>>
        %dma_wait3A_727 = arith.constant 0 : i32
        %dma_wait3A_728 = arith.constant 0 : i32
        %dma_wait3A_729 = tpu.memref_slice %arg9[%dma_wait3A_713, %dma_wait3A_727, %dma_wait3A_728] : memref<8x64x64xf32, #tpu.memory_space<vmem>> -> memref<1x64x64xf32, #tpu.memory_space<vmem>>
        %dma_wait3A_730 = tpu.memref_squeeze %dma_wait3A_729 : memref<1x64x64xf32, #tpu.memory_space<vmem>> -> memref<64x64xf32, #tpu.memory_space<vmem>>
        tpu.wait_dma2 semaphore(%dma_wait3A_723 : memref<!tpu.dma_semaphore, #tpu.memory_space<semaphore_mem>>) src(%dma_wait3A_730 : memref<64x64xf32, #tpu.memory_space<vmem>>) dst(%dma_wait3A_726 : memref<64x64xf32, #tpu.memory_space<hbm>>)
      } else {
      }
      %lt3A_522 = arith.constant 64 : i32
      %lt3A_523 = arith.cmpi slt, %add3A_513, %lt3A_522 : i32
      %convert_element_type3A_524 = arith.extui %lt3A_523 : i1 to i32
      %cond3A_525 = arith.constant 0 : i32
      %cond3A_526 = arith.cmpi ne, %convert_element_type3A_524, %cond3A_525 : i32
      scf.if %cond3A_526 {
        %dma_start3A_713 = arith.constant 0 : i32
        %dma_start3A_714 = arith.constant 0 : i32
        %dma_start3A_715 = arith.constant 0 : i32
        %dma_start3A_716 = arith.constant 0 : i32
        %dma_start3A_717 = tpu.memref_slice %arg8[%dma_start3A_713, %dma_start3A_715, %dma_start3A_716] : memref<8x64x64xf32, #tpu.memory_space<vmem>> -> memref<1x64x64xf32, #tpu.memory_space<vmem>>
        %dma_start3A_718 = tpu.memref_squeeze %dma_start3A_717 : memref<1x64x64xf32, #tpu.memory_space<vmem>> -> memref<64x64xf32, #tpu.memory_space<vmem>>
        %dma_start3A_719 = arith.constant 0 : i32
        %dma_start3A_720 = tpu.memref_slice %arg6[%add3A_513, %dma_start3A_719] : memref<64x64xi32, #tpu.memory_space<vmem>> -> memref<1x64xi32, #tpu.memory_space<vmem>>
        %dma_start3A_721 = tpu.memref_squeeze %dma_start3A_720 : memref<1x64xi32, #tpu.memory_space<vmem>> -> memref<64xi32, #tpu.memory_space<vmem>>
        %dma_start3A_722 = arith.constant 0 : i32
        %dma_start3A_723 = arith.constant 0 : i32
        %dma_start3A_724 = tpu.memref_slice %arg3[%dma_start3A_722, %dma_start3A_723] : memref<1000000x64xf32, #tpu.memory_space<hbm>> -> memref<1000000x64xf32, #tpu.memory_space<hbm>>
        %dma_start3A_725 = tpu.memref_slice %arg10[%dma_start3A_714] : memref<8x!tpu.dma_semaphore, #tpu.memory_space<semaphore_mem>> -> memref<1x!tpu.dma_semaphore, #tpu.memory_space<semaphore_mem>>
        %dma_start3A_726 = tpu.memref_squeeze %dma_start3A_725 : memref<1x!tpu.dma_semaphore, #tpu.memory_space<semaphore_mem>> -> memref<!tpu.dma_semaphore, #tpu.memory_space<semaphore_mem>>
        tpu.enqueue_indirect_dma source(%dma_start3A_724 : memref<1000000x64xf32, #tpu.memory_space<hbm>>) target(%dma_start3A_718 : memref<64x64xf32, #tpu.memory_space<vmem>>) offsets(%dma_start3A_721 : memref<64xi32, #tpu.memory_space<vmem>>) semaphore(%dma_start3A_726 : memref<!tpu.dma_semaphore, #tpu.memory_space<semaphore_mem>>)
      } else {
      }
      %add3A_527 = arith.constant 5 : i32
      %add3A_528 = arith.addi %add3A_221, %add3A_527 : i32
      %dma_wait3A_529 = arith.constant 0 : i32
      %dma_wait3A_530 = arith.constant 5 : i32
      %dma_wait3A_531 = arith.constant 5 : i32
      %dma_wait3A_532 = arith.constant 0 : i32
      %dma_wait3A_533 = arith.constant 0 : i32
      %dma_wait3A_534 = tpu.memref_slice %arg8[%dma_wait3A_530, %dma_wait3A_532, %dma_wait3A_533] : memref<8x64x64xf32, #tpu.memory_space<vmem>> -> memref<1x64x64xf32, #tpu.memory_space<vmem>>
      %dma_wait3A_535 = tpu.memref_squeeze %dma_wait3A_534 : memref<1x64x64xf32, #tpu.memory_space<vmem>> -> memref<64x64xf32, #tpu.memory_space<vmem>>
      %dma_wait3A_536 = arith.constant 0 : i32
      %dma_wait3A_537 = tpu.memref_slice %arg6[%dma_wait3A_529, %dma_wait3A_536] : memref<64x64xi32, #tpu.memory_space<vmem>> -> memref<1x64xi32, #tpu.memory_space<vmem>>
      %dma_wait3A_538 = tpu.memref_squeeze %dma_wait3A_537 : memref<1x64xi32, #tpu.memory_space<vmem>> -> memref<64xi32, #tpu.memory_space<vmem>>
      %dma_wait3A_539 = arith.constant 0 : i32
      %dma_wait3A_540 = arith.constant 0 : i32
      %dma_wait3A_541 = tpu.memref_slice %arg3[%dma_wait3A_539, %dma_wait3A_540] : memref<1000000x64xf32, #tpu.memory_space<hbm>> -> memref<1000000x64xf32, #tpu.memory_space<hbm>>
      %dma_wait3A_542 = tpu.memref_slice %arg10[%dma_wait3A_531] : memref<8x!tpu.dma_semaphore, #tpu.memory_space<semaphore_mem>> -> memref<1x!tpu.dma_semaphore, #tpu.memory_space<semaphore_mem>>
      %dma_wait3A_543 = tpu.memref_squeeze %dma_wait3A_542 : memref<1x!tpu.dma_semaphore, #tpu.memory_space<semaphore_mem>> -> memref<!tpu.dma_semaphore, #tpu.memory_space<semaphore_mem>>
      tpu.wait_indirect_dma semaphore(%dma_wait3A_543 : memref<!tpu.dma_semaphore, #tpu.memory_space<semaphore_mem>>) src(%dma_wait3A_541 : memref<1000000x64xf32, #tpu.memory_space<hbm>>) dst(%dma_wait3A_535 : memref<64x64xf32, #tpu.memory_space<vmem>>)
      %scan3A_544 = arith.constant 0 : i32
      %scan3A_545 = arith.constant 0 : i32
      %scan3A_546 = arith.constant 64 : i32
      %scan3A_547 = arith.addi %scan3A_545, %scan3A_546 : i32
      %scan3A_548 = arith.constant 1 : i32
      scf.for %scan3A_713 = %scan3A_545 to %scan3A_547 step %scan3A_548  : i32 {
        %get3A = arith.index_cast %scan3A_713 : i32 to index
        %get3A_714 = arith.constant 0 : index
        %get3A_715 = tpu.vector_load %arg7[%get3A, %get3A_714] {strides = array<i32>} : memref<64x64xf32, #tpu.memory_space<vmem>>, vector<16xf32>,
        %swap3A = arith.constant 5 : i32
        %swap3A_716 = arith.index_cast %swap3A : i32 to index
        %swap3A_717 = arith.index_cast %scan3A_713 : i32 to index
        %swap3A_718 = arith.constant 0 : index
        %swap3A_719 = tpu.vector_load %arg8[%swap3A_716, %swap3A_717, %swap3A_718] {strides = array<i32>} : memref<8x64x64xf32, #tpu.memory_space<vmem>>, vector<16xf32>,
        tpu.vector_store %arg8[%swap3A_716, %swap3A_717, %swap3A_718], %get3A_715 {add = true, strides = array<i32>} : memref<8x64x64xf32, #tpu.memory_space<vmem>>, vector<16xf32>,
        %get3A_720 = arith.index_cast %scan3A_713 : i32 to index
        %get3A_721 = arith.constant 16 : index
        %get3A_722 = tpu.vector_load %arg7[%get3A_720, %get3A_721] {strides = array<i32>} : memref<64x64xf32, #tpu.memory_space<vmem>>, vector<16xf32>,
        %swap3A_723 = arith.constant 5 : i32
        %swap3A_724 = arith.index_cast %swap3A_723 : i32 to index
        %swap3A_725 = arith.index_cast %scan3A_713 : i32 to index
        %swap3A_726 = arith.constant 16 : index
        %swap3A_727 = tpu.vector_load %arg8[%swap3A_724, %swap3A_725, %swap3A_726] {strides = array<i32>} : memref<8x64x64xf32, #tpu.memory_space<vmem>>, vector<16xf32>,
        tpu.vector_store %arg8[%swap3A_724, %swap3A_725, %swap3A_726], %get3A_722 {add = true, strides = array<i32>} : memref<8x64x64xf32, #tpu.memory_space<vmem>>, vector<16xf32>,
        %get3A_728 = arith.index_cast %scan3A_713 : i32 to index
        %get3A_729 = arith.constant 32 : index
        %get3A_730 = tpu.vector_load %arg7[%get3A_728, %get3A_729] {strides = array<i32>} : memref<64x64xf32, #tpu.memory_space<vmem>>, vector<16xf32>,
        %swap3A_731 = arith.constant 5 : i32
        %swap3A_732 = arith.index_cast %swap3A_731 : i32 to index
        %swap3A_733 = arith.index_cast %scan3A_713 : i32 to index
        %swap3A_734 = arith.constant 32 : index
        %swap3A_735 = tpu.vector_load %arg8[%swap3A_732, %swap3A_733, %swap3A_734] {strides = array<i32>} : memref<8x64x64xf32, #tpu.memory_space<vmem>>, vector<16xf32>,
        tpu.vector_store %arg8[%swap3A_732, %swap3A_733, %swap3A_734], %get3A_730 {add = true, strides = array<i32>} : memref<8x64x64xf32, #tpu.memory_space<vmem>>, vector<16xf32>,
        %get3A_736 = arith.index_cast %scan3A_713 : i32 to index
        %get3A_737 = arith.constant 48 : index
        %get3A_738 = tpu.vector_load %arg7[%get3A_736, %get3A_737] {strides = array<i32>} : memref<64x64xf32, #tpu.memory_space<vmem>>, vector<16xf32>,
        %swap3A_739 = arith.constant 5 : i32
        %swap3A_740 = arith.index_cast %swap3A_739 : i32 to index
        %swap3A_741 = arith.index_cast %scan3A_713 : i32 to index
        %swap3A_742 = arith.constant 48 : index
        %swap3A_743 = tpu.vector_load %arg8[%swap3A_740, %swap3A_741, %swap3A_742] {strides = array<i32>} : memref<8x64x64xf32, #tpu.memory_space<vmem>>, vector<16xf32>,
        tpu.vector_store %arg8[%swap3A_740, %swap3A_741, %swap3A_742], %get3A_738 {add = true, strides = array<i32>} : memref<8x64x64xf32, #tpu.memory_space<vmem>>, vector<16xf32>,
      }
      %scan3A_549 = arith.constant 64 : i32
      %scan3A_550 = arith.constant 0 : i32
      %scan3A_551 = arith.constant 0 : i32
      %scan3A_552 = arith.constant 64 : i32
      %scan3A_553 = arith.addi %scan3A_551, %scan3A_552 : i32
      %scan3A_554 = arith.constant 1 : i32
      scf.for %scan3A_713 = %scan3A_551 to %scan3A_553 step %scan3A_554  : i32 {
        %broadcast_in_dim3A = vector.broadcast %scan3A_713 : i32 to vector<16xi32>
        %iota3A = tpu.iota {dimensions = array<i32: 0>} : vector<16xi32>
        %add3A_714 = arith.constant 0 : i32
        %add3A_715 = vector.broadcast %add3A_714 : i32 to vector<16xi32>
        %add3A_716 = arith.addi %iota3A, %add3A_715 : vector<16xi32>
        %gather3A = arith.constant 5 : i32
        %gather3A_717 = arith.constant 0 : i32
        %gather3A_718 = arith.constant 0 : i32
        %gather3A_719 = tpu.memref_slice %arg8[%gather3A, %gather3A_717, %gather3A_718] : memref<8x64x64xf32, #tpu.memory_space<vmem>> -> memref<1x64x64xf32, #tpu.memory_space<vmem>>
        %gather3A_720 = tpu.memref_squeeze %gather3A_719 : memref<1x64x64xf32, #tpu.memory_space<vmem>> -> memref<64x64xf32, #tpu.memory_space<vmem>>
        %gather3A_721 = tpu.vector_load_idx %gather3A_720[%add3A_716, %broadcast_in_dim3A] : memref<64x64xf32, #tpu.memory_space<vmem>>[vector<16xi32>, vector<16xi32>], vector<16xf32>,
        %swap3A = arith.constant 5 : i32
        %swap3A_722 = arith.index_cast %swap3A : i32 to index
        %swap3A_723 = arith.index_cast %scan3A_713 : i32 to index
        %swap3A_724 = arith.constant 0 : index
        %swap3A_725 = tpu.vector_load %arg9[%swap3A_722, %swap3A_723, %swap3A_724] {strides = array<i32>} : memref<8x64x64xf32, #tpu.memory_space<vmem>>, vector<16xf32>,
        tpu.vector_store %arg9[%swap3A_722, %swap3A_723, %swap3A_724], %gather3A_721 {strides = array<i32>} : memref<8x64x64xf32, #tpu.memory_space<vmem>>, vector<16xf32>,
        %iota3A_726 = tpu.iota {dimensions = array<i32: 0>} : vector<16xi32>
        %add3A_727 = arith.constant 16 : i32
        %add3A_728 = vector.broadcast %add3A_727 : i32 to vector<16xi32>
        %add3A_729 = arith.addi %iota3A_726, %add3A_728 : vector<16xi32>
        %gather3A_730 = arith.constant 5 : i32
        %gather3A_731 = arith.constant 0 : i32
        %gather3A_732 = arith.constant 0 : i32
        %gather3A_733 = tpu.memref_slice %arg8[%gather3A_730, %gather3A_731, %gather3A_732] : memref<8x64x64xf32, #tpu.memory_space<vmem>> -> memref<1x64x64xf32, #tpu.memory_space<vmem>>
        %gather3A_734 = tpu.memref_squeeze %gather3A_733 : memref<1x64x64xf32, #tpu.memory_space<vmem>> -> memref<64x64xf32, #tpu.memory_space<vmem>>
        %gather3A_735 = tpu.vector_load_idx %gather3A_734[%add3A_729, %broadcast_in_dim3A] : memref<64x64xf32, #tpu.memory_space<vmem>>[vector<16xi32>, vector<16xi32>], vector<16xf32>,
        %swap3A_736 = arith.constant 5 : i32
        %swap3A_737 = arith.index_cast %swap3A_736 : i32 to index
        %swap3A_738 = arith.index_cast %scan3A_713 : i32 to index
        %swap3A_739 = arith.constant 16 : index
        %swap3A_740 = tpu.vector_load %arg9[%swap3A_737, %swap3A_738, %swap3A_739] {strides = array<i32>} : memref<8x64x64xf32, #tpu.memory_space<vmem>>, vector<16xf32>,
        tpu.vector_store %arg9[%swap3A_737, %swap3A_738, %swap3A_739], %gather3A_735 {strides = array<i32>} : memref<8x64x64xf32, #tpu.memory_space<vmem>>, vector<16xf32>,
        %iota3A_741 = tpu.iota {dimensions = array<i32: 0>} : vector<16xi32>
        %add3A_742 = arith.constant 32 : i32
        %add3A_743 = vector.broadcast %add3A_742 : i32 to vector<16xi32>
        %add3A_744 = arith.addi %iota3A_741, %add3A_743 : vector<16xi32>
        %gather3A_745 = arith.constant 5 : i32
        %gather3A_746 = arith.constant 0 : i32
        %gather3A_747 = arith.constant 0 : i32
        %gather3A_748 = tpu.memref_slice %arg8[%gather3A_745, %gather3A_746, %gather3A_747] : memref<8x64x64xf32, #tpu.memory_space<vmem>> -> memref<1x64x64xf32, #tpu.memory_space<vmem>>
        %gather3A_749 = tpu.memref_squeeze %gather3A_748 : memref<1x64x64xf32, #tpu.memory_space<vmem>> -> memref<64x64xf32, #tpu.memory_space<vmem>>
        %gather3A_750 = tpu.vector_load_idx %gather3A_749[%add3A_744, %broadcast_in_dim3A] : memref<64x64xf32, #tpu.memory_space<vmem>>[vector<16xi32>, vector<16xi32>], vector<16xf32>,
        %swap3A_751 = arith.constant 5 : i32
        %swap3A_752 = arith.index_cast %swap3A_751 : i32 to index
        %swap3A_753 = arith.index_cast %scan3A_713 : i32 to index
        %swap3A_754 = arith.constant 32 : index
        %swap3A_755 = tpu.vector_load %arg9[%swap3A_752, %swap3A_753, %swap3A_754] {strides = array<i32>} : memref<8x64x64xf32, #tpu.memory_space<vmem>>, vector<16xf32>,
        tpu.vector_store %arg9[%swap3A_752, %swap3A_753, %swap3A_754], %gather3A_750 {strides = array<i32>} : memref<8x64x64xf32, #tpu.memory_space<vmem>>, vector<16xf32>,
        %iota3A_756 = tpu.iota {dimensions = array<i32: 0>} : vector<16xi32>
        %add3A_757 = arith.constant 48 : i32
        %add3A_758 = vector.broadcast %add3A_757 : i32 to vector<16xi32>
        %add3A_759 = arith.addi %iota3A_756, %add3A_758 : vector<16xi32>
        %gather3A_760 = arith.constant 5 : i32
        %gather3A_761 = arith.constant 0 : i32
        %gather3A_762 = arith.constant 0 : i32
        %gather3A_763 = tpu.memref_slice %arg8[%gather3A_760, %gather3A_761, %gather3A_762] : memref<8x64x64xf32, #tpu.memory_space<vmem>> -> memref<1x64x64xf32, #tpu.memory_space<vmem>>
        %gather3A_764 = tpu.memref_squeeze %gather3A_763 : memref<1x64x64xf32, #tpu.memory_space<vmem>> -> memref<64x64xf32, #tpu.memory_space<vmem>>
        %gather3A_765 = tpu.vector_load_idx %gather3A_764[%add3A_759, %broadcast_in_dim3A] : memref<64x64xf32, #tpu.memory_space<vmem>>[vector<16xi32>, vector<16xi32>], vector<16xf32>,
        %swap3A_766 = arith.constant 5 : i32
        %swap3A_767 = arith.index_cast %swap3A_766 : i32 to index
        %swap3A_768 = arith.index_cast %scan3A_713 : i32 to index
        %swap3A_769 = arith.constant 48 : index
        %swap3A_770 = tpu.vector_load %arg9[%swap3A_767, %swap3A_768, %swap3A_769] {strides = array<i32>} : memref<8x64x64xf32, #tpu.memory_space<vmem>>, vector<16xf32>,
        tpu.vector_store %arg9[%swap3A_767, %swap3A_768, %swap3A_769], %gather3A_765 {strides = array<i32>} : memref<8x64x64xf32, #tpu.memory_space<vmem>>, vector<16xf32>,
      }
      %scan3A_555 = arith.constant 64 : i32
      %dma_start3A_556 = arith.constant 5 : i32
      %dma_start3A_557 = arith.constant 5 : i32
      %dma_start3A_558 = arith.constant 0 : i32
      %dma_start3A_559 = arith.constant 0 : i32
      %dma_start3A_560 = tpu.memref_slice %arg9[%dma_start3A_556, %dma_start3A_558, %dma_start3A_559] : memref<8x64x64xf32, #tpu.memory_space<vmem>> -> memref<1x64x64xf32, #tpu.memory_space<vmem>>
      %dma_start3A_561 = tpu.memref_squeeze %dma_start3A_560 : memref<1x64x64xf32, #tpu.memory_space<vmem>> -> memref<64x64xf32, #tpu.memory_space<vmem>>
      %dma_start3A_562 = arith.constant 0 : i32
      %dma_start3A_563 = tpu.memref_slice %arg5[%add3A_528, %dma_start3A_562, %mul3A_2] : memref<64x64x2048xf32, #tpu.memory_space<hbm>> -> memref<1x64x64xf32, #tpu.memory_space<hbm>>
      %dma_start3A_564 = tpu.memref_squeeze %dma_start3A_563 : memref<1x64x64xf32, #tpu.memory_space<hbm>> -> memref<64x64xf32, #tpu.memory_space<hbm>>
      %dma_start3A_565 = tpu.memref_slice %arg11[%dma_start3A_557] : memref<8x!tpu.dma_semaphore, #tpu.memory_space<semaphore_mem>> -> memref<1x!tpu.dma_semaphore, #tpu.memory_space<semaphore_mem>>
      %dma_start3A_566 = tpu.memref_squeeze %dma_start3A_565 : memref<1x!tpu.dma_semaphore, #tpu.memory_space<semaphore_mem>> -> memref<!tpu.dma_semaphore, #tpu.memory_space<semaphore_mem>>
      %dma_start3A_567 = arith.constant 0 : i32
      %dma_start3A_568 = tpu.memref_slice %arg5[%add3A_528, %dma_start3A_567, %mul3A_2] : memref<64x64x2048xf32, #tpu.memory_space<hbm>> -> memref<1x64x64xf32, #tpu.memory_space<hbm>>
      %dma_start3A_569 = tpu.memref_squeeze %dma_start3A_568 : memref<1x64x64xf32, #tpu.memory_space<hbm>> -> memref<64x64xf32, #tpu.memory_space<hbm>>
      %dma_start3A_570 = arith.constant 0 : i32
      %dma_start3A_571 = arith.constant 0 : i32
      %dma_start3A_572 = tpu.memref_slice %arg9[%dma_start3A_556, %dma_start3A_570, %dma_start3A_571] : memref<8x64x64xf32, #tpu.memory_space<vmem>> -> memref<1x64x64xf32, #tpu.memory_space<vmem>>
      %dma_start3A_573 = tpu.memref_squeeze %dma_start3A_572 : memref<1x64x64xf32, #tpu.memory_space<vmem>> -> memref<64x64xf32, #tpu.memory_space<vmem>>
      tpu.enqueue_dma source(%dma_start3A_573 : memref<64x64xf32, #tpu.memory_space<vmem>>) target(%dma_start3A_569 : memref<64x64xf32, #tpu.memory_space<hbm>>) target_semaphore(%dma_start3A_566 : memref<!tpu.dma_semaphore, #tpu.memory_space<semaphore_mem>>)
      %add3A_574 = arith.constant 4 : i32
      %add3A_575 = arith.addi %add3A_528, %add3A_574 : i32
      %ge3A_576 = arith.constant 8 : i32
      %ge3A_577 = arith.cmpi sge, %add3A_575, %ge3A_576 : i32
      %lt3A_578 = arith.constant 64 : i32
      %lt3A_579 = arith.cmpi slt, %add3A_575, %lt3A_578 : i32
      %and3A_580 = arith.andi %ge3A_577, %lt3A_579 : i1
      %convert_element_type3A_581 = arith.extui %and3A_580 : i1 to i32
      %cond3A_582 = arith.constant 0 : i32
      %cond3A_583 = arith.cmpi ne, %convert_element_type3A_581, %cond3A_582 : i32
      scf.if %cond3A_583 {
        %dma_wait3A_713 = arith.constant 1 : i32
        %dma_wait3A_714 = arith.constant 1 : i32
        %dma_wait3A_715 = arith.constant 0 : i32
        %dma_wait3A_716 = arith.constant 0 : i32
        %dma_wait3A_717 = tpu.memref_slice %arg9[%dma_wait3A_713, %dma_wait3A_715, %dma_wait3A_716] : memref<8x64x64xf32, #tpu.memory_space<vmem>> -> memref<1x64x64xf32, #tpu.memory_space<vmem>>
        %dma_wait3A_718 = tpu.memref_squeeze %dma_wait3A_717 : memref<1x64x64xf32, #tpu.memory_space<vmem>> -> memref<64x64xf32, #tpu.memory_space<vmem>>
        %dma_wait3A_719 = arith.constant 0 : i32
        %dma_wait3A_720 = tpu.memref_slice %arg5[%add3A_528, %dma_wait3A_719, %mul3A_2] : memref<64x64x2048xf32, #tpu.memory_space<hbm>> -> memref<1x64x64xf32, #tpu.memory_space<hbm>>
        %dma_wait3A_721 = tpu.memref_squeeze %dma_wait3A_720 : memref<1x64x64xf32, #tpu.memory_space<hbm>> -> memref<64x64xf32, #tpu.memory_space<hbm>>
        %dma_wait3A_722 = tpu.memref_slice %arg11[%dma_wait3A_714] : memref<8x!tpu.dma_semaphore, #tpu.memory_space<semaphore_mem>> -> memref<1x!tpu.dma_semaphore, #tpu.memory_space<semaphore_mem>>
        %dma_wait3A_723 = tpu.memref_squeeze %dma_wait3A_722 : memref<1x!tpu.dma_semaphore, #tpu.memory_space<semaphore_mem>> -> memref<!tpu.dma_semaphore, #tpu.memory_space<semaphore_mem>>
        %dma_wait3A_724 = arith.constant 0 : i32
        %dma_wait3A_725 = tpu.memref_slice %arg5[%add3A_528, %dma_wait3A_724, %mul3A_2] : memref<64x64x2048xf32, #tpu.memory_space<hbm>> -> memref<1x64x64xf32, #tpu.memory_space<hbm>>
        %dma_wait3A_726 = tpu.memref_squeeze %dma_wait3A_725 : memref<1x64x64xf32, #tpu.memory_space<hbm>> -> memref<64x64xf32, #tpu.memory_space<hbm>>
        %dma_wait3A_727 = arith.constant 0 : i32
        %dma_wait3A_728 = arith.constant 0 : i32
        %dma_wait3A_729 = tpu.memref_slice %arg9[%dma_wait3A_713, %dma_wait3A_727, %dma_wait3A_728] : memref<8x64x64xf32, #tpu.memory_space<vmem>> -> memref<1x64x64xf32, #tpu.memory_space<vmem>>
        %dma_wait3A_730 = tpu.memref_squeeze %dma_wait3A_729 : memref<1x64x64xf32, #tpu.memory_space<vmem>> -> memref<64x64xf32, #tpu.memory_space<vmem>>
        tpu.wait_dma2 semaphore(%dma_wait3A_723 : memref<!tpu.dma_semaphore, #tpu.memory_space<semaphore_mem>>) src(%dma_wait3A_730 : memref<64x64xf32, #tpu.memory_space<vmem>>) dst(%dma_wait3A_726 : memref<64x64xf32, #tpu.memory_space<hbm>>)
      } else {
      }
      %lt3A_584 = arith.constant 64 : i32
      %lt3A_585 = arith.cmpi slt, %add3A_575, %lt3A_584 : i32
      %convert_element_type3A_586 = arith.extui %lt3A_585 : i1 to i32
      %cond3A_587 = arith.constant 0 : i32
      %cond3A_588 = arith.cmpi ne, %convert_element_type3A_586, %cond3A_587 : i32
      scf.if %cond3A_588 {
        %dma_start3A_713 = arith.constant 1 : i32
        %dma_start3A_714 = arith.constant 1 : i32
        %dma_start3A_715 = arith.constant 0 : i32
        %dma_start3A_716 = arith.constant 0 : i32
        %dma_start3A_717 = tpu.memref_slice %arg8[%dma_start3A_713, %dma_start3A_715, %dma_start3A_716] : memref<8x64x64xf32, #tpu.memory_space<vmem>> -> memref<1x64x64xf32, #tpu.memory_space<vmem>>
        %dma_start3A_718 = tpu.memref_squeeze %dma_start3A_717 : memref<1x64x64xf32, #tpu.memory_space<vmem>> -> memref<64x64xf32, #tpu.memory_space<vmem>>
        %dma_start3A_719 = arith.constant 0 : i32
        %dma_start3A_720 = tpu.memref_slice %arg6[%add3A_575, %dma_start3A_719] : memref<64x64xi32, #tpu.memory_space<vmem>> -> memref<1x64xi32, #tpu.memory_space<vmem>>
        %dma_start3A_721 = tpu.memref_squeeze %dma_start3A_720 : memref<1x64xi32, #tpu.memory_space<vmem>> -> memref<64xi32, #tpu.memory_space<vmem>>
        %dma_start3A_722 = arith.constant 0 : i32
        %dma_start3A_723 = arith.constant 0 : i32
        %dma_start3A_724 = tpu.memref_slice %arg3[%dma_start3A_722, %dma_start3A_723] : memref<1000000x64xf32, #tpu.memory_space<hbm>> -> memref<1000000x64xf32, #tpu.memory_space<hbm>>
        %dma_start3A_725 = tpu.memref_slice %arg10[%dma_start3A_714] : memref<8x!tpu.dma_semaphore, #tpu.memory_space<semaphore_mem>> -> memref<1x!tpu.dma_semaphore, #tpu.memory_space<semaphore_mem>>
        %dma_start3A_726 = tpu.memref_squeeze %dma_start3A_725 : memref<1x!tpu.dma_semaphore, #tpu.memory_space<semaphore_mem>> -> memref<!tpu.dma_semaphore, #tpu.memory_space<semaphore_mem>>
        tpu.enqueue_indirect_dma source(%dma_start3A_724 : memref<1000000x64xf32, #tpu.memory_space<hbm>>) target(%dma_start3A_718 : memref<64x64xf32, #tpu.memory_space<vmem>>) offsets(%dma_start3A_721 : memref<64xi32, #tpu.memory_space<vmem>>) semaphore(%dma_start3A_726 : memref<!tpu.dma_semaphore, #tpu.memory_space<semaphore_mem>>)
      } else {
      }
      %add3A_589 = arith.constant 6 : i32
      %add3A_590 = arith.addi %add3A_221, %add3A_589 : i32
      %dma_wait3A_591 = arith.constant 0 : i32
      %dma_wait3A_592 = arith.constant 6 : i32
      %dma_wait3A_593 = arith.constant 6 : i32
      %dma_wait3A_594 = arith.constant 0 : i32
      %dma_wait3A_595 = arith.constant 0 : i32
      %dma_wait3A_596 = tpu.memref_slice %arg8[%dma_wait3A_592, %dma_wait3A_594, %dma_wait3A_595] : memref<8x64x64xf32, #tpu.memory_space<vmem>> -> memref<1x64x64xf32, #tpu.memory_space<vmem>>
      %dma_wait3A_597 = tpu.memref_squeeze %dma_wait3A_596 : memref<1x64x64xf32, #tpu.memory_space<vmem>> -> memref<64x64xf32, #tpu.memory_space<vmem>>
      %dma_wait3A_598 = arith.constant 0 : i32
      %dma_wait3A_599 = tpu.memref_slice %arg6[%dma_wait3A_591, %dma_wait3A_598] : memref<64x64xi32, #tpu.memory_space<vmem>> -> memref<1x64xi32, #tpu.memory_space<vmem>>
      %dma_wait3A_600 = tpu.memref_squeeze %dma_wait3A_599 : memref<1x64xi32, #tpu.memory_space<vmem>> -> memref<64xi32, #tpu.memory_space<vmem>>
      %dma_wait3A_601 = arith.constant 0 : i32
      %dma_wait3A_602 = arith.constant 0 : i32
      %dma_wait3A_603 = tpu.memref_slice %arg3[%dma_wait3A_601, %dma_wait3A_602] : memref<1000000x64xf32, #tpu.memory_space<hbm>> -> memref<1000000x64xf32, #tpu.memory_space<hbm>>
      %dma_wait3A_604 = tpu.memref_slice %arg10[%dma_wait3A_593] : memref<8x!tpu.dma_semaphore, #tpu.memory_space<semaphore_mem>> -> memref<1x!tpu.dma_semaphore, #tpu.memory_space<semaphore_mem>>
      %dma_wait3A_605 = tpu.memref_squeeze %dma_wait3A_604 : memref<1x!tpu.dma_semaphore, #tpu.memory_space<semaphore_mem>> -> memref<!tpu.dma_semaphore, #tpu.memory_space<semaphore_mem>>
      tpu.wait_indirect_dma semaphore(%dma_wait3A_605 : memref<!tpu.dma_semaphore, #tpu.memory_space<semaphore_mem>>) src(%dma_wait3A_603 : memref<1000000x64xf32, #tpu.memory_space<hbm>>) dst(%dma_wait3A_597 : memref<64x64xf32, #tpu.memory_space<vmem>>)
      %scan3A_606 = arith.constant 0 : i32
      %scan3A_607 = arith.constant 0 : i32
      %scan3A_608 = arith.constant 64 : i32
      %scan3A_609 = arith.addi %scan3A_607, %scan3A_608 : i32
      %scan3A_610 = arith.constant 1 : i32
      scf.for %scan3A_713 = %scan3A_607 to %scan3A_609 step %scan3A_610  : i32 {
        %get3A = arith.index_cast %scan3A_713 : i32 to index
        %get3A_714 = arith.constant 0 : index
        %get3A_715 = tpu.vector_load %arg7[%get3A, %get3A_714] {strides = array<i32>} : memref<64x64xf32, #tpu.memory_space<vmem>>, vector<16xf32>,
        %swap3A = arith.constant 6 : i32
        %swap3A_716 = arith.index_cast %swap3A : i32 to index
        %swap3A_717 = arith.index_cast %scan3A_713 : i32 to index
        %swap3A_718 = arith.constant 0 : index
        %swap3A_719 = tpu.vector_load %arg8[%swap3A_716, %swap3A_717, %swap3A_718] {strides = array<i32>} : memref<8x64x64xf32, #tpu.memory_space<vmem>>, vector<16xf32>,
        tpu.vector_store %arg8[%swap3A_716, %swap3A_717, %swap3A_718], %get3A_715 {add = true, strides = array<i32>} : memref<8x64x64xf32, #tpu.memory_space<vmem>>, vector<16xf32>,
        %get3A_720 = arith.index_cast %scan3A_713 : i32 to index
        %get3A_721 = arith.constant 16 : index
        %get3A_722 = tpu.vector_load %arg7[%get3A_720, %get3A_721] {strides = array<i32>} : memref<64x64xf32, #tpu.memory_space<vmem>>, vector<16xf32>,
        %swap3A_723 = arith.constant 6 : i32
        %swap3A_724 = arith.index_cast %swap3A_723 : i32 to index
        %swap3A_725 = arith.index_cast %scan3A_713 : i32 to index
        %swap3A_726 = arith.constant 16 : index
        %swap3A_727 = tpu.vector_load %arg8[%swap3A_724, %swap3A_725, %swap3A_726] {strides = array<i32>} : memref<8x64x64xf32, #tpu.memory_space<vmem>>, vector<16xf32>,
        tpu.vector_store %arg8[%swap3A_724, %swap3A_725, %swap3A_726], %get3A_722 {add = true, strides = array<i32>} : memref<8x64x64xf32, #tpu.memory_space<vmem>>, vector<16xf32>,
        %get3A_728 = arith.index_cast %scan3A_713 : i32 to index
        %get3A_729 = arith.constant 32 : index
        %get3A_730 = tpu.vector_load %arg7[%get3A_728, %get3A_729] {strides = array<i32>} : memref<64x64xf32, #tpu.memory_space<vmem>>, vector<16xf32>,
        %swap3A_731 = arith.constant 6 : i32
        %swap3A_732 = arith.index_cast %swap3A_731 : i32 to index
        %swap3A_733 = arith.index_cast %scan3A_713 : i32 to index
        %swap3A_734 = arith.constant 32 : index
        %swap3A_735 = tpu.vector_load %arg8[%swap3A_732, %swap3A_733, %swap3A_734] {strides = array<i32>} : memref<8x64x64xf32, #tpu.memory_space<vmem>>, vector<16xf32>,
        tpu.vector_store %arg8[%swap3A_732, %swap3A_733, %swap3A_734], %get3A_730 {add = true, strides = array<i32>} : memref<8x64x64xf32, #tpu.memory_space<vmem>>, vector<16xf32>,
        %get3A_736 = arith.index_cast %scan3A_713 : i32 to index
        %get3A_737 = arith.constant 48 : index
        %get3A_738 = tpu.vector_load %arg7[%get3A_736, %get3A_737] {strides = array<i32>} : memref<64x64xf32, #tpu.memory_space<vmem>>, vector<16xf32>,
        %swap3A_739 = arith.constant 6 : i32
        %swap3A_740 = arith.index_cast %swap3A_739 : i32 to index
        %swap3A_741 = arith.index_cast %scan3A_713 : i32 to index
        %swap3A_742 = arith.constant 48 : index
        %swap3A_743 = tpu.vector_load %arg8[%swap3A_740, %swap3A_741, %swap3A_742] {strides = array<i32>} : memref<8x64x64xf32, #tpu.memory_space<vmem>>, vector<16xf32>,
        tpu.vector_store %arg8[%swap3A_740, %swap3A_741, %swap3A_742], %get3A_738 {add = true, strides = array<i32>} : memref<8x64x64xf32, #tpu.memory_space<vmem>>, vector<16xf32>,
      }
      %scan3A_611 = arith.constant 64 : i32
      %scan3A_612 = arith.constant 0 : i32
      %scan3A_613 = arith.constant 0 : i32
      %scan3A_614 = arith.constant 64 : i32
      %scan3A_615 = arith.addi %scan3A_613, %scan3A_614 : i32
      %scan3A_616 = arith.constant 1 : i32
      scf.for %scan3A_713 = %scan3A_613 to %scan3A_615 step %scan3A_616  : i32 {
        %broadcast_in_dim3A = vector.broadcast %scan3A_713 : i32 to vector<16xi32>
        %iota3A = tpu.iota {dimensions = array<i32: 0>} : vector<16xi32>
        %add3A_714 = arith.constant 0 : i32
        %add3A_715 = vector.broadcast %add3A_714 : i32 to vector<16xi32>
        %add3A_716 = arith.addi %iota3A, %add3A_715 : vector<16xi32>
        %gather3A = arith.constant 6 : i32
        %gather3A_717 = arith.constant 0 : i32
        %gather3A_718 = arith.constant 0 : i32
        %gather3A_719 = tpu.memref_slice %arg8[%gather3A, %gather3A_717, %gather3A_718] : memref<8x64x64xf32, #tpu.memory_space<vmem>> -> memref<1x64x64xf32, #tpu.memory_space<vmem>>
        %gather3A_720 = tpu.memref_squeeze %gather3A_719 : memref<1x64x64xf32, #tpu.memory_space<vmem>> -> memref<64x64xf32, #tpu.memory_space<vmem>>
        %gather3A_721 = tpu.vector_load_idx %gather3A_720[%add3A_716, %broadcast_in_dim3A] : memref<64x64xf32, #tpu.memory_space<vmem>>[vector<16xi32>, vector<16xi32>], vector<16xf32>,
        %swap3A = arith.constant 6 : i32
        %swap3A_722 = arith.index_cast %swap3A : i32 to index
        %swap3A_723 = arith.index_cast %scan3A_713 : i32 to index
        %swap3A_724 = arith.constant 0 : index
        %swap3A_725 = tpu.vector_load %arg9[%swap3A_722, %swap3A_723, %swap3A_724] {strides = array<i32>} : memref<8x64x64xf32, #tpu.memory_space<vmem>>, vector<16xf32>,
        tpu.vector_store %arg9[%swap3A_722, %swap3A_723, %swap3A_724], %gather3A_721 {strides = array<i32>} : memref<8x64x64xf32, #tpu.memory_space<vmem>>, vector<16xf32>,
        %iota3A_726 = tpu.iota {dimensions = array<i32: 0>} : vector<16xi32>
        %add3A_727 = arith.constant 16 : i32
        %add3A_728 = vector.broadcast %add3A_727 : i32 to vector<16xi32>
        %add3A_729 = arith.addi %iota3A_726, %add3A_728 : vector<16xi32>
        %gather3A_730 = arith.constant 6 : i32
        %gather3A_731 = arith.constant 0 : i32
        %gather3A_732 = arith.constant 0 : i32
        %gather3A_733 = tpu.memref_slice %arg8[%gather3A_730, %gather3A_731, %gather3A_732] : memref<8x64x64xf32, #tpu.memory_space<vmem>> -> memref<1x64x64xf32, #tpu.memory_space<vmem>>
        %gather3A_734 = tpu.memref_squeeze %gather3A_733 : memref<1x64x64xf32, #tpu.memory_space<vmem>> -> memref<64x64xf32, #tpu.memory_space<vmem>>
        %gather3A_735 = tpu.vector_load_idx %gather3A_734[%add3A_729, %broadcast_in_dim3A] : memref<64x64xf32, #tpu.memory_space<vmem>>[vector<16xi32>, vector<16xi32>], vector<16xf32>,
        %swap3A_736 = arith.constant 6 : i32
        %swap3A_737 = arith.index_cast %swap3A_736 : i32 to index
        %swap3A_738 = arith.index_cast %scan3A_713 : i32 to index
        %swap3A_739 = arith.constant 16 : index
        %swap3A_740 = tpu.vector_load %arg9[%swap3A_737, %swap3A_738, %swap3A_739] {strides = array<i32>} : memref<8x64x64xf32, #tpu.memory_space<vmem>>, vector<16xf32>,
        tpu.vector_store %arg9[%swap3A_737, %swap3A_738, %swap3A_739], %gather3A_735 {strides = array<i32>} : memref<8x64x64xf32, #tpu.memory_space<vmem>>, vector<16xf32>,
        %iota3A_741 = tpu.iota {dimensions = array<i32: 0>} : vector<16xi32>
        %add3A_742 = arith.constant 32 : i32
        %add3A_743 = vector.broadcast %add3A_742 : i32 to vector<16xi32>
        %add3A_744 = arith.addi %iota3A_741, %add3A_743 : vector<16xi32>
        %gather3A_745 = arith.constant 6 : i32
        %gather3A_746 = arith.constant 0 : i32
        %gather3A_747 = arith.constant 0 : i32
        %gather3A_748 = tpu.memref_slice %arg8[%gather3A_745, %gather3A_746, %gather3A_747] : memref<8x64x64xf32, #tpu.memory_space<vmem>> -> memref<1x64x64xf32, #tpu.memory_space<vmem>>
        %gather3A_749 = tpu.memref_squeeze %gather3A_748 : memref<1x64x64xf32, #tpu.memory_space<vmem>> -> memref<64x64xf32, #tpu.memory_space<vmem>>
        %gather3A_750 = tpu.vector_load_idx %gather3A_749[%add3A_744, %broadcast_in_dim3A] : memref<64x64xf32, #tpu.memory_space<vmem>>[vector<16xi32>, vector<16xi32>], vector<16xf32>,
        %swap3A_751 = arith.constant 6 : i32
        %swap3A_752 = arith.index_cast %swap3A_751 : i32 to index
        %swap3A_753 = arith.index_cast %scan3A_713 : i32 to index
        %swap3A_754 = arith.constant 32 : index
        %swap3A_755 = tpu.vector_load %arg9[%swap3A_752, %swap3A_753, %swap3A_754] {strides = array<i32>} : memref<8x64x64xf32, #tpu.memory_space<vmem>>, vector<16xf32>,
        tpu.vector_store %arg9[%swap3A_752, %swap3A_753, %swap3A_754], %gather3A_750 {strides = array<i32>} : memref<8x64x64xf32, #tpu.memory_space<vmem>>, vector<16xf32>,
        %iota3A_756 = tpu.iota {dimensions = array<i32: 0>} : vector<16xi32>
        %add3A_757 = arith.constant 48 : i32
        %add3A_758 = vector.broadcast %add3A_757 : i32 to vector<16xi32>
        %add3A_759 = arith.addi %iota3A_756, %add3A_758 : vector<16xi32>
        %gather3A_760 = arith.constant 6 : i32
        %gather3A_761 = arith.constant 0 : i32
        %gather3A_762 = arith.constant 0 : i32
        %gather3A_763 = tpu.memref_slice %arg8[%gather3A_760, %gather3A_761, %gather3A_762] : memref<8x64x64xf32, #tpu.memory_space<vmem>> -> memref<1x64x64xf32, #tpu.memory_space<vmem>>
        %gather3A_764 = tpu.memref_squeeze %gather3A_763 : memref<1x64x64xf32, #tpu.memory_space<vmem>> -> memref<64x64xf32, #tpu.memory_space<vmem>>
        %gather3A_765 = tpu.vector_load_idx %gather3A_764[%add3A_759, %broadcast_in_dim3A] : memref<64x64xf32, #tpu.memory_space<vmem>>[vector<16xi32>, vector<16xi32>], vector<16xf32>,
        %swap3A_766 = arith.constant 6 : i32
        %swap3A_767 = arith.index_cast %swap3A_766 : i32 to index
        %swap3A_768 = arith.index_cast %scan3A_713 : i32 to index
        %swap3A_769 = arith.constant 48 : index
        %swap3A_770 = tpu.vector_load %arg9[%swap3A_767, %swap3A_768, %swap3A_769] {strides = array<i32>} : memref<8x64x64xf32, #tpu.memory_space<vmem>>, vector<16xf32>,
        tpu.vector_store %arg9[%swap3A_767, %swap3A_768, %swap3A_769], %gather3A_765 {strides = array<i32>} : memref<8x64x64xf32, #tpu.memory_space<vmem>>, vector<16xf32>,
      }
      %scan3A_617 = arith.constant 64 : i32
      %dma_start3A_618 = arith.constant 6 : i32
      %dma_start3A_619 = arith.constant 6 : i32
      %dma_start3A_620 = arith.constant 0 : i32
      %dma_start3A_621 = arith.constant 0 : i32
      %dma_start3A_622 = tpu.memref_slice %arg9[%dma_start3A_618, %dma_start3A_620, %dma_start3A_621] : memref<8x64x64xf32, #tpu.memory_space<vmem>> -> memref<1x64x64xf32, #tpu.memory_space<vmem>>
      %dma_start3A_623 = tpu.memref_squeeze %dma_start3A_622 : memref<1x64x64xf32, #tpu.memory_space<vmem>> -> memref<64x64xf32, #tpu.memory_space<vmem>>
      %dma_start3A_624 = arith.constant 0 : i32
      %dma_start3A_625 = tpu.memref_slice %arg5[%add3A_590, %dma_start3A_624, %mul3A_2] : memref<64x64x2048xf32, #tpu.memory_space<hbm>> -> memref<1x64x64xf32, #tpu.memory_space<hbm>>
      %dma_start3A_626 = tpu.memref_squeeze %dma_start3A_625 : memref<1x64x64xf32, #tpu.memory_space<hbm>> -> memref<64x64xf32, #tpu.memory_space<hbm>>
      %dma_start3A_627 = tpu.memref_slice %arg11[%dma_start3A_619] : memref<8x!tpu.dma_semaphore, #tpu.memory_space<semaphore_mem>> -> memref<1x!tpu.dma_semaphore, #tpu.memory_space<semaphore_mem>>
      %dma_start3A_628 = tpu.memref_squeeze %dma_start3A_627 : memref<1x!tpu.dma_semaphore, #tpu.memory_space<semaphore_mem>> -> memref<!tpu.dma_semaphore, #tpu.memory_space<semaphore_mem>>
      %dma_start3A_629 = arith.constant 0 : i32
      %dma_start3A_630 = tpu.memref_slice %arg5[%add3A_590, %dma_start3A_629, %mul3A_2] : memref<64x64x2048xf32, #tpu.memory_space<hbm>> -> memref<1x64x64xf32, #tpu.memory_space<hbm>>
      %dma_start3A_631 = tpu.memref_squeeze %dma_start3A_630 : memref<1x64x64xf32, #tpu.memory_space<hbm>> -> memref<64x64xf32, #tpu.memory_space<hbm>>
      %dma_start3A_632 = arith.constant 0 : i32
      %dma_start3A_633 = arith.constant 0 : i32
      %dma_start3A_634 = tpu.memref_slice %arg9[%dma_start3A_618, %dma_start3A_632, %dma_start3A_633] : memref<8x64x64xf32, #tpu.memory_space<vmem>> -> memref<1x64x64xf32, #tpu.memory_space<vmem>>
      %dma_start3A_635 = tpu.memref_squeeze %dma_start3A_634 : memref<1x64x64xf32, #tpu.memory_space<vmem>> -> memref<64x64xf32, #tpu.memory_space<vmem>>
      tpu.enqueue_dma source(%dma_start3A_635 : memref<64x64xf32, #tpu.memory_space<vmem>>) target(%dma_start3A_631 : memref<64x64xf32, #tpu.memory_space<hbm>>) target_semaphore(%dma_start3A_628 : memref<!tpu.dma_semaphore, #tpu.memory_space<semaphore_mem>>)
      %add3A_636 = arith.constant 4 : i32
      %add3A_637 = arith.addi %add3A_590, %add3A_636 : i32
      %ge3A_638 = arith.constant 8 : i32
      %ge3A_639 = arith.cmpi sge, %add3A_637, %ge3A_638 : i32
      %lt3A_640 = arith.constant 64 : i32
      %lt3A_641 = arith.cmpi slt, %add3A_637, %lt3A_640 : i32
      %and3A_642 = arith.andi %ge3A_639, %lt3A_641 : i1
      %convert_element_type3A_643 = arith.extui %and3A_642 : i1 to i32
      %cond3A_644 = arith.constant 0 : i32
      %cond3A_645 = arith.cmpi ne, %convert_element_type3A_643, %cond3A_644 : i32
      scf.if %cond3A_645 {
        %dma_wait3A_713 = arith.constant 2 : i32
        %dma_wait3A_714 = arith.constant 2 : i32
        %dma_wait3A_715 = arith.constant 0 : i32
        %dma_wait3A_716 = arith.constant 0 : i32
        %dma_wait3A_717 = tpu.memref_slice %arg9[%dma_wait3A_713, %dma_wait3A_715, %dma_wait3A_716] : memref<8x64x64xf32, #tpu.memory_space<vmem>> -> memref<1x64x64xf32, #tpu.memory_space<vmem>>
        %dma_wait3A_718 = tpu.memref_squeeze %dma_wait3A_717 : memref<1x64x64xf32, #tpu.memory_space<vmem>> -> memref<64x64xf32, #tpu.memory_space<vmem>>
        %dma_wait3A_719 = arith.constant 0 : i32
        %dma_wait3A_720 = tpu.memref_slice %arg5[%add3A_590, %dma_wait3A_719, %mul3A_2] : memref<64x64x2048xf32, #tpu.memory_space<hbm>> -> memref<1x64x64xf32, #tpu.memory_space<hbm>>
        %dma_wait3A_721 = tpu.memref_squeeze %dma_wait3A_720 : memref<1x64x64xf32, #tpu.memory_space<hbm>> -> memref<64x64xf32, #tpu.memory_space<hbm>>
        %dma_wait3A_722 = tpu.memref_slice %arg11[%dma_wait3A_714] : memref<8x!tpu.dma_semaphore, #tpu.memory_space<semaphore_mem>> -> memref<1x!tpu.dma_semaphore, #tpu.memory_space<semaphore_mem>>
        %dma_wait3A_723 = tpu.memref_squeeze %dma_wait3A_722 : memref<1x!tpu.dma_semaphore, #tpu.memory_space<semaphore_mem>> -> memref<!tpu.dma_semaphore, #tpu.memory_space<semaphore_mem>>
        %dma_wait3A_724 = arith.constant 0 : i32
        %dma_wait3A_725 = tpu.memref_slice %arg5[%add3A_590, %dma_wait3A_724, %mul3A_2] : memref<64x64x2048xf32, #tpu.memory_space<hbm>> -> memref<1x64x64xf32, #tpu.memory_space<hbm>>
        %dma_wait3A_726 = tpu.memref_squeeze %dma_wait3A_725 : memref<1x64x64xf32, #tpu.memory_space<hbm>> -> memref<64x64xf32, #tpu.memory_space<hbm>>
        %dma_wait3A_727 = arith.constant 0 : i32
        %dma_wait3A_728 = arith.constant 0 : i32
        %dma_wait3A_729 = tpu.memref_slice %arg9[%dma_wait3A_713, %dma_wait3A_727, %dma_wait3A_728] : memref<8x64x64xf32, #tpu.memory_space<vmem>> -> memref<1x64x64xf32, #tpu.memory_space<vmem>>
        %dma_wait3A_730 = tpu.memref_squeeze %dma_wait3A_729 : memref<1x64x64xf32, #tpu.memory_space<vmem>> -> memref<64x64xf32, #tpu.memory_space<vmem>>
        tpu.wait_dma2 semaphore(%dma_wait3A_723 : memref<!tpu.dma_semaphore, #tpu.memory_space<semaphore_mem>>) src(%dma_wait3A_730 : memref<64x64xf32, #tpu.memory_space<vmem>>) dst(%dma_wait3A_726 : memref<64x64xf32, #tpu.memory_space<hbm>>)
      } else {
      }
      %lt3A_646 = arith.constant 64 : i32
      %lt3A_647 = arith.cmpi slt, %add3A_637, %lt3A_646 : i32
      %convert_element_type3A_648 = arith.extui %lt3A_647 : i1 to i32
      %cond3A_649 = arith.constant 0 : i32
      %cond3A_650 = arith.cmpi ne, %convert_element_type3A_648, %cond3A_649 : i32
      scf.if %cond3A_650 {
        %dma_start3A_713 = arith.constant 2 : i32
        %dma_start3A_714 = arith.constant 2 : i32
        %dma_start3A_715 = arith.constant 0 : i32
        %dma_start3A_716 = arith.constant 0 : i32
        %dma_start3A_717 = tpu.memref_slice %arg8[%dma_start3A_713, %dma_start3A_715, %dma_start3A_716] : memref<8x64x64xf32, #tpu.memory_space<vmem>> -> memref<1x64x64xf32, #tpu.memory_space<vmem>>
        %dma_start3A_718 = tpu.memref_squeeze %dma_start3A_717 : memref<1x64x64xf32, #tpu.memory_space<vmem>> -> memref<64x64xf32, #tpu.memory_space<vmem>>
        %dma_start3A_719 = arith.constant 0 : i32
        %dma_start3A_720 = tpu.memref_slice %arg6[%add3A_637, %dma_start3A_719] : memref<64x64xi32, #tpu.memory_space<vmem>> -> memref<1x64xi32, #tpu.memory_space<vmem>>
        %dma_start3A_721 = tpu.memref_squeeze %dma_start3A_720 : memref<1x64xi32, #tpu.memory_space<vmem>> -> memref<64xi32, #tpu.memory_space<vmem>>
        %dma_start3A_722 = arith.constant 0 : i32
        %dma_start3A_723 = arith.constant 0 : i32
        %dma_start3A_724 = tpu.memref_slice %arg3[%dma_start3A_722, %dma_start3A_723] : memref<1000000x64xf32, #tpu.memory_space<hbm>> -> memref<1000000x64xf32, #tpu.memory_space<hbm>>
        %dma_start3A_725 = tpu.memref_slice %arg10[%dma_start3A_714] : memref<8x!tpu.dma_semaphore, #tpu.memory_space<semaphore_mem>> -> memref<1x!tpu.dma_semaphore, #tpu.memory_space<semaphore_mem>>
        %dma_start3A_726 = tpu.memref_squeeze %dma_start3A_725 : memref<1x!tpu.dma_semaphore, #tpu.memory_space<semaphore_mem>> -> memref<!tpu.dma_semaphore, #tpu.memory_space<semaphore_mem>>
        tpu.enqueue_indirect_dma source(%dma_start3A_724 : memref<1000000x64xf32, #tpu.memory_space<hbm>>) target(%dma_start3A_718 : memref<64x64xf32, #tpu.memory_space<vmem>>) offsets(%dma_start3A_721 : memref<64xi32, #tpu.memory_space<vmem>>) semaphore(%dma_start3A_726 : memref<!tpu.dma_semaphore, #tpu.memory_space<semaphore_mem>>)
      } else {
      }
      %add3A_651 = arith.constant 7 : i32
      %add3A_652 = arith.addi %add3A_221, %add3A_651 : i32
      %dma_wait3A_653 = arith.constant 0 : i32
      %dma_wait3A_654 = arith.constant 7 : i32
      %dma_wait3A_655 = arith.constant 7 : i32
      %dma_wait3A_656 = arith.constant 0 : i32
      %dma_wait3A_657 = arith.constant 0 : i32
      %dma_wait3A_658 = tpu.memref_slice %arg8[%dma_wait3A_654, %dma_wait3A_656, %dma_wait3A_657] : memref<8x64x64xf32, #tpu.memory_space<vmem>> -> memref<1x64x64xf32, #tpu.memory_space<vmem>>
      %dma_wait3A_659 = tpu.memref_squeeze %dma_wait3A_658 : memref<1x64x64xf32, #tpu.memory_space<vmem>> -> memref<64x64xf32, #tpu.memory_space<vmem>>
      %dma_wait3A_660 = arith.constant 0 : i32
      %dma_wait3A_661 = tpu.memref_slice %arg6[%dma_wait3A_653, %dma_wait3A_660] : memref<64x64xi32, #tpu.memory_space<vmem>> -> memref<1x64xi32, #tpu.memory_space<vmem>>
      %dma_wait3A_662 = tpu.memref_squeeze %dma_wait3A_661 : memref<1x64xi32, #tpu.memory_space<vmem>> -> memref<64xi32, #tpu.memory_space<vmem>>
      %dma_wait3A_663 = arith.constant 0 : i32
      %dma_wait3A_664 = arith.constant 0 : i32
      %dma_wait3A_665 = tpu.memref_slice %arg3[%dma_wait3A_663, %dma_wait3A_664] : memref<1000000x64xf32, #tpu.memory_space<hbm>> -> memref<1000000x64xf32, #tpu.memory_space<hbm>>
      %dma_wait3A_666 = tpu.memref_slice %arg10[%dma_wait3A_655] : memref<8x!tpu.dma_semaphore, #tpu.memory_space<semaphore_mem>> -> memref<1x!tpu.dma_semaphore, #tpu.memory_space<semaphore_mem>>
      %dma_wait3A_667 = tpu.memref_squeeze %dma_wait3A_666 : memref<1x!tpu.dma_semaphore, #tpu.memory_space<semaphore_mem>> -> memref<!tpu.dma_semaphore, #tpu.memory_space<semaphore_mem>>
      tpu.wait_indirect_dma semaphore(%dma_wait3A_667 : memref<!tpu.dma_semaphore, #tpu.memory_space<semaphore_mem>>) src(%dma_wait3A_665 : memref<1000000x64xf32, #tpu.memory_space<hbm>>) dst(%dma_wait3A_659 : memref<64x64xf32, #tpu.memory_space<vmem>>)
      %scan3A_668 = arith.constant 0 : i32
      %scan3A_669 = arith.constant 0 : i32
      %scan3A_670 = arith.constant 64 : i32
      %scan3A_671 = arith.addi %scan3A_669, %scan3A_670 : i32
      %scan3A_672 = arith.constant 1 : i32
      scf.for %scan3A_713 = %scan3A_669 to %scan3A_671 step %scan3A_672  : i32 {
        %get3A = arith.index_cast %scan3A_713 : i32 to index
        %get3A_714 = arith.constant 0 : index
        %get3A_715 = tpu.vector_load %arg7[%get3A, %get3A_714] {strides = array<i32>} : memref<64x64xf32, #tpu.memory_space<vmem>>, vector<16xf32>,
        %swap3A = arith.constant 7 : i32
        %swap3A_716 = arith.index_cast %swap3A : i32 to index
        %swap3A_717 = arith.index_cast %scan3A_713 : i32 to index
        %swap3A_718 = arith.constant 0 : index
        %swap3A_719 = tpu.vector_load %arg8[%swap3A_716, %swap3A_717, %swap3A_718] {strides = array<i32>} : memref<8x64x64xf32, #tpu.memory_space<vmem>>, vector<16xf32>,
        tpu.vector_store %arg8[%swap3A_716, %swap3A_717, %swap3A_718], %get3A_715 {add = true, strides = array<i32>} : memref<8x64x64xf32, #tpu.memory_space<vmem>>, vector<16xf32>,
        %get3A_720 = arith.index_cast %scan3A_713 : i32 to index
        %get3A_721 = arith.constant 16 : index
        %get3A_722 = tpu.vector_load %arg7[%get3A_720, %get3A_721] {strides = array<i32>} : memref<64x64xf32, #tpu.memory_space<vmem>>, vector<16xf32>,
        %swap3A_723 = arith.constant 7 : i32
        %swap3A_724 = arith.index_cast %swap3A_723 : i32 to index
        %swap3A_725 = arith.index_cast %scan3A_713 : i32 to index
        %swap3A_726 = arith.constant 16 : index
        %swap3A_727 = tpu.vector_load %arg8[%swap3A_724, %swap3A_725, %swap3A_726] {strides = array<i32>} : memref<8x64x64xf32, #tpu.memory_space<vmem>>, vector<16xf32>,
        tpu.vector_store %arg8[%swap3A_724, %swap3A_725, %swap3A_726], %get3A_722 {add = true, strides = array<i32>} : memref<8x64x64xf32, #tpu.memory_space<vmem>>, vector<16xf32>,
        %get3A_728 = arith.index_cast %scan3A_713 : i32 to index
        %get3A_729 = arith.constant 32 : index
        %get3A_730 = tpu.vector_load %arg7[%get3A_728, %get3A_729] {strides = array<i32>} : memref<64x64xf32, #tpu.memory_space<vmem>>, vector<16xf32>,
        %swap3A_731 = arith.constant 7 : i32
        %swap3A_732 = arith.index_cast %swap3A_731 : i32 to index
        %swap3A_733 = arith.index_cast %scan3A_713 : i32 to index
        %swap3A_734 = arith.constant 32 : index
        %swap3A_735 = tpu.vector_load %arg8[%swap3A_732, %swap3A_733, %swap3A_734] {strides = array<i32>} : memref<8x64x64xf32, #tpu.memory_space<vmem>>, vector<16xf32>,
        tpu.vector_store %arg8[%swap3A_732, %swap3A_733, %swap3A_734], %get3A_730 {add = true, strides = array<i32>} : memref<8x64x64xf32, #tpu.memory_space<vmem>>, vector<16xf32>,
        %get3A_736 = arith.index_cast %scan3A_713 : i32 to index
        %get3A_737 = arith.constant 48 : index
        %get3A_738 = tpu.vector_load %arg7[%get3A_736, %get3A_737] {strides = array<i32>} : memref<64x64xf32, #tpu.memory_space<vmem>>, vector<16xf32>,
        %swap3A_739 = arith.constant 7 : i32
        %swap3A_740 = arith.index_cast %swap3A_739 : i32 to index
        %swap3A_741 = arith.index_cast %scan3A_713 : i32 to index
        %swap3A_742 = arith.constant 48 : index
        %swap3A_743 = tpu.vector_load %arg8[%swap3A_740, %swap3A_741, %swap3A_742] {strides = array<i32>} : memref<8x64x64xf32, #tpu.memory_space<vmem>>, vector<16xf32>,
        tpu.vector_store %arg8[%swap3A_740, %swap3A_741, %swap3A_742], %get3A_738 {add = true, strides = array<i32>} : memref<8x64x64xf32, #tpu.memory_space<vmem>>, vector<16xf32>,
      }
      %scan3A_673 = arith.constant 64 : i32
      %scan3A_674 = arith.constant 0 : i32
      %scan3A_675 = arith.constant 0 : i32
      %scan3A_676 = arith.constant 64 : i32
      %scan3A_677 = arith.addi %scan3A_675, %scan3A_676 : i32
      %scan3A_678 = arith.constant 1 : i32
      scf.for %scan3A_713 = %scan3A_675 to %scan3A_677 step %scan3A_678  : i32 {
        %broadcast_in_dim3A = vector.broadcast %scan3A_713 : i32 to vector<16xi32>
        %iota3A = tpu.iota {dimensions = array<i32: 0>} : vector<16xi32>
        %add3A_714 = arith.constant 0 : i32
        %add3A_715 = vector.broadcast %add3A_714 : i32 to vector<16xi32>
        %add3A_716 = arith.addi %iota3A, %add3A_715 : vector<16xi32>
        %gather3A = arith.constant 7 : i32
        %gather3A_717 = arith.constant 0 : i32
        %gather3A_718 = arith.constant 0 : i32
        %gather3A_719 = tpu.memref_slice %arg8[%gather3A, %gather3A_717, %gather3A_718] : memref<8x64x64xf32, #tpu.memory_space<vmem>> -> memref<1x64x64xf32, #tpu.memory_space<vmem>>
        %gather3A_720 = tpu.memref_squeeze %gather3A_719 : memref<1x64x64xf32, #tpu.memory_space<vmem>> -> memref<64x64xf32, #tpu.memory_space<vmem>>
        %gather3A_721 = tpu.vector_load_idx %gather3A_720[%add3A_716, %broadcast_in_dim3A] : memref<64x64xf32, #tpu.memory_space<vmem>>[vector<16xi32>, vector<16xi32>], vector<16xf32>,
        %swap3A = arith.constant 7 : i32
        %swap3A_722 = arith.index_cast %swap3A : i32 to index
        %swap3A_723 = arith.index_cast %scan3A_713 : i32 to index
        %swap3A_724 = arith.constant 0 : index
        %swap3A_725 = tpu.vector_load %arg9[%swap3A_722, %swap3A_723, %swap3A_724] {strides = array<i32>} : memref<8x64x64xf32, #tpu.memory_space<vmem>>, vector<16xf32>,
        tpu.vector_store %arg9[%swap3A_722, %swap3A_723, %swap3A_724], %gather3A_721 {strides = array<i32>} : memref<8x64x64xf32, #tpu.memory_space<vmem>>, vector<16xf32>,
        %iota3A_726 = tpu.iota {dimensions = array<i32: 0>} : vector<16xi32>
        %add3A_727 = arith.constant 16 : i32
        %add3A_728 = vector.broadcast %add3A_727 : i32 to vector<16xi32>
        %add3A_729 = arith.addi %iota3A_726, %add3A_728 : vector<16xi32>
        %gather3A_730 = arith.constant 7 : i32
        %gather3A_731 = arith.constant 0 : i32
        %gather3A_732 = arith.constant 0 : i32
        %gather3A_733 = tpu.memref_slice %arg8[%gather3A_730, %gather3A_731, %gather3A_732] : memref<8x64x64xf32, #tpu.memory_space<vmem>> -> memref<1x64x64xf32, #tpu.memory_space<vmem>>
        %gather3A_734 = tpu.memref_squeeze %gather3A_733 : memref<1x64x64xf32, #tpu.memory_space<vmem>> -> memref<64x64xf32, #tpu.memory_space<vmem>>
        %gather3A_735 = tpu.vector_load_idx %gather3A_734[%add3A_729, %broadcast_in_dim3A] : memref<64x64xf32, #tpu.memory_space<vmem>>[vector<16xi32>, vector<16xi32>], vector<16xf32>,
        %swap3A_736 = arith.constant 7 : i32
        %swap3A_737 = arith.index_cast %swap3A_736 : i32 to index
        %swap3A_738 = arith.index_cast %scan3A_713 : i32 to index
        %swap3A_739 = arith.constant 16 : index
        %swap3A_740 = tpu.vector_load %arg9[%swap3A_737, %swap3A_738, %swap3A_739] {strides = array<i32>} : memref<8x64x64xf32, #tpu.memory_space<vmem>>, vector<16xf32>,
        tpu.vector_store %arg9[%swap3A_737, %swap3A_738, %swap3A_739], %gather3A_735 {strides = array<i32>} : memref<8x64x64xf32, #tpu.memory_space<vmem>>, vector<16xf32>,
        %iota3A_741 = tpu.iota {dimensions = array<i32: 0>} : vector<16xi32>
        %add3A_742 = arith.constant 32 : i32
        %add3A_743 = vector.broadcast %add3A_742 : i32 to vector<16xi32>
        %add3A_744 = arith.addi %iota3A_741, %add3A_743 : vector<16xi32>
        %gather3A_745 = arith.constant 7 : i32
        %gather3A_746 = arith.constant 0 : i32
        %gather3A_747 = arith.constant 0 : i32
        %gather3A_748 = tpu.memref_slice %arg8[%gather3A_745, %gather3A_746, %gather3A_747] : memref<8x64x64xf32, #tpu.memory_space<vmem>> -> memref<1x64x64xf32, #tpu.memory_space<vmem>>
        %gather3A_749 = tpu.memref_squeeze %gather3A_748 : memref<1x64x64xf32, #tpu.memory_space<vmem>> -> memref<64x64xf32, #tpu.memory_space<vmem>>
        %gather3A_750 = tpu.vector_load_idx %gather3A_749[%add3A_744, %broadcast_in_dim3A] : memref<64x64xf32, #tpu.memory_space<vmem>>[vector<16xi32>, vector<16xi32>], vector<16xf32>,
        %swap3A_751 = arith.constant 7 : i32
        %swap3A_752 = arith.index_cast %swap3A_751 : i32 to index
        %swap3A_753 = arith.index_cast %scan3A_713 : i32 to index
        %swap3A_754 = arith.constant 32 : index
        %swap3A_755 = tpu.vector_load %arg9[%swap3A_752, %swap3A_753, %swap3A_754] {strides = array<i32>} : memref<8x64x64xf32, #tpu.memory_space<vmem>>, vector<16xf32>,
        tpu.vector_store %arg9[%swap3A_752, %swap3A_753, %swap3A_754], %gather3A_750 {strides = array<i32>} : memref<8x64x64xf32, #tpu.memory_space<vmem>>, vector<16xf32>,
        %iota3A_756 = tpu.iota {dimensions = array<i32: 0>} : vector<16xi32>
        %add3A_757 = arith.constant 48 : i32
        %add3A_758 = vector.broadcast %add3A_757 : i32 to vector<16xi32>
        %add3A_759 = arith.addi %iota3A_756, %add3A_758 : vector<16xi32>
        %gather3A_760 = arith.constant 7 : i32
        %gather3A_761 = arith.constant 0 : i32
        %gather3A_762 = arith.constant 0 : i32
        %gather3A_763 = tpu.memref_slice %arg8[%gather3A_760, %gather3A_761, %gather3A_762] : memref<8x64x64xf32, #tpu.memory_space<vmem>> -> memref<1x64x64xf32, #tpu.memory_space<vmem>>
        %gather3A_764 = tpu.memref_squeeze %gather3A_763 : memref<1x64x64xf32, #tpu.memory_space<vmem>> -> memref<64x64xf32, #tpu.memory_space<vmem>>
        %gather3A_765 = tpu.vector_load_idx %gather3A_764[%add3A_759, %broadcast_in_dim3A] : memref<64x64xf32, #tpu.memory_space<vmem>>[vector<16xi32>, vector<16xi32>], vector<16xf32>,
        %swap3A_766 = arith.constant 7 : i32
        %swap3A_767 = arith.index_cast %swap3A_766 : i32 to index
        %swap3A_768 = arith.index_cast %scan3A_713 : i32 to index
        %swap3A_769 = arith.constant 48 : index
        %swap3A_770 = tpu.vector_load %arg9[%swap3A_767, %swap3A_768, %swap3A_769] {strides = array<i32>} : memref<8x64x64xf32, #tpu.memory_space<vmem>>, vector<16xf32>,
        tpu.vector_store %arg9[%swap3A_767, %swap3A_768, %swap3A_769], %gather3A_765 {strides = array<i32>} : memref<8x64x64xf32, #tpu.memory_space<vmem>>, vector<16xf32>,
      }
      %scan3A_679 = arith.constant 64 : i32
      %dma_start3A_680 = arith.constant 7 : i32
      %dma_start3A_681 = arith.constant 7 : i32
      %dma_start3A_682 = arith.constant 0 : i32
      %dma_start3A_683 = arith.constant 0 : i32
      %dma_start3A_684 = tpu.memref_slice %arg9[%dma_start3A_680, %dma_start3A_682, %dma_start3A_683] : memref<8x64x64xf32, #tpu.memory_space<vmem>> -> memref<1x64x64xf32, #tpu.memory_space<vmem>>
      %dma_start3A_685 = tpu.memref_squeeze %dma_start3A_684 : memref<1x64x64xf32, #tpu.memory_space<vmem>> -> memref<64x64xf32, #tpu.memory_space<vmem>>
      %dma_start3A_686 = arith.constant 0 : i32
      %dma_start3A_687 = tpu.memref_slice %arg5[%add3A_652, %dma_start3A_686, %mul3A_2] : memref<64x64x2048xf32, #tpu.memory_space<hbm>> -> memref<1x64x64xf32, #tpu.memory_space<hbm>>
      %dma_start3A_688 = tpu.memref_squeeze %dma_start3A_687 : memref<1x64x64xf32, #tpu.memory_space<hbm>> -> memref<64x64xf32, #tpu.memory_space<hbm>>
      %dma_start3A_689 = tpu.memref_slice %arg11[%dma_start3A_681] : memref<8x!tpu.dma_semaphore, #tpu.memory_space<semaphore_mem>> -> memref<1x!tpu.dma_semaphore, #tpu.memory_space<semaphore_mem>>
      %dma_start3A_690 = tpu.memref_squeeze %dma_start3A_689 : memref<1x!tpu.dma_semaphore, #tpu.memory_space<semaphore_mem>> -> memref<!tpu.dma_semaphore, #tpu.memory_space<semaphore_mem>>
      %dma_start3A_691 = arith.constant 0 : i32
      %dma_start3A_692 = tpu.memref_slice %arg5[%add3A_652, %dma_start3A_691, %mul3A_2] : memref<64x64x2048xf32, #tpu.memory_space<hbm>> -> memref<1x64x64xf32, #tpu.memory_space<hbm>>
      %dma_start3A_693 = tpu.memref_squeeze %dma_start3A_692 : memref<1x64x64xf32, #tpu.memory_space<hbm>> -> memref<64x64xf32, #tpu.memory_space<hbm>>
      %dma_start3A_694 = arith.constant 0 : i32
      %dma_start3A_695 = arith.constant 0 : i32
      %dma_start3A_696 = tpu.memref_slice %arg9[%dma_start3A_680, %dma_start3A_694, %dma_start3A_695] : memref<8x64x64xf32, #tpu.memory_space<vmem>> -> memref<1x64x64xf32, #tpu.memory_space<vmem>>
      %dma_start3A_697 = tpu.memref_squeeze %dma_start3A_696 : memref<1x64x64xf32, #tpu.memory_space<vmem>> -> memref<64x64xf32, #tpu.memory_space<vmem>>
      tpu.enqueue_dma source(%dma_start3A_697 : memref<64x64xf32, #tpu.memory_space<vmem>>) target(%dma_start3A_693 : memref<64x64xf32, #tpu.memory_space<hbm>>) target_semaphore(%dma_start3A_690 : memref<!tpu.dma_semaphore, #tpu.memory_space<semaphore_mem>>)
      %add3A_698 = arith.constant 4 : i32
      %add3A_699 = arith.addi %add3A_652, %add3A_698 : i32
      %ge3A_700 = arith.constant 8 : i32
      %ge3A_701 = arith.cmpi sge, %add3A_699, %ge3A_700 : i32
      %lt3A_702 = arith.constant 64 : i32
      %lt3A_703 = arith.cmpi slt, %add3A_699, %lt3A_702 : i32
      %and3A_704 = arith.andi %ge3A_701, %lt3A_703 : i1
      %convert_element_type3A_705 = arith.extui %and3A_704 : i1 to i32
      %cond3A_706 = arith.constant 0 : i32
      %cond3A_707 = arith.cmpi ne, %convert_element_type3A_705, %cond3A_706 : i32
      scf.if %cond3A_707 {
        %dma_wait3A_713 = arith.constant 3 : i32
        %dma_wait3A_714 = arith.constant 3 : i32
        %dma_wait3A_715 = arith.constant 0 : i32
        %dma_wait3A_716 = arith.constant 0 : i32
        %dma_wait3A_717 = tpu.memref_slice %arg9[%dma_wait3A_713, %dma_wait3A_715, %dma_wait3A_716] : memref<8x64x64xf32, #tpu.memory_space<vmem>> -> memref<1x64x64xf32, #tpu.memory_space<vmem>>
        %dma_wait3A_718 = tpu.memref_squeeze %dma_wait3A_717 : memref<1x64x64xf32, #tpu.memory_space<vmem>> -> memref<64x64xf32, #tpu.memory_space<vmem>>
        %dma_wait3A_719 = arith.constant 0 : i32
        %dma_wait3A_720 = tpu.memref_slice %arg5[%add3A_652, %dma_wait3A_719, %mul3A_2] : memref<64x64x2048xf32, #tpu.memory_space<hbm>> -> memref<1x64x64xf32, #tpu.memory_space<hbm>>
        %dma_wait3A_721 = tpu.memref_squeeze %dma_wait3A_720 : memref<1x64x64xf32, #tpu.memory_space<hbm>> -> memref<64x64xf32, #tpu.memory_space<hbm>>
        %dma_wait3A_722 = tpu.memref_slice %arg11[%dma_wait3A_714] : memref<8x!tpu.dma_semaphore, #tpu.memory_space<semaphore_mem>> -> memref<1x!tpu.dma_semaphore, #tpu.memory_space<semaphore_mem>>
        %dma_wait3A_723 = tpu.memref_squeeze %dma_wait3A_722 : memref<1x!tpu.dma_semaphore, #tpu.memory_space<semaphore_mem>> -> memref<!tpu.dma_semaphore, #tpu.memory_space<semaphore_mem>>
        %dma_wait3A_724 = arith.constant 0 : i32
        %dma_wait3A_725 = tpu.memref_slice %arg5[%add3A_652, %dma_wait3A_724, %mul3A_2] : memref<64x64x2048xf32, #tpu.memory_space<hbm>> -> memref<1x64x64xf32, #tpu.memory_space<hbm>>
        %dma_wait3A_726 = tpu.memref_squeeze %dma_wait3A_725 : memref<1x64x64xf32, #tpu.memory_space<hbm>> -> memref<64x64xf32, #tpu.memory_space<hbm>>
        %dma_wait3A_727 = arith.constant 0 : i32
        %dma_wait3A_728 = arith.constant 0 : i32
        %dma_wait3A_729 = tpu.memref_slice %arg9[%dma_wait3A_713, %dma_wait3A_727, %dma_wait3A_728] : memref<8x64x64xf32, #tpu.memory_space<vmem>> -> memref<1x64x64xf32, #tpu.memory_space<vmem>>
        %dma_wait3A_730 = tpu.memref_squeeze %dma_wait3A_729 : memref<1x64x64xf32, #tpu.memory_space<vmem>> -> memref<64x64xf32, #tpu.memory_space<vmem>>
        tpu.wait_dma2 semaphore(%dma_wait3A_723 : memref<!tpu.dma_semaphore, #tpu.memory_space<semaphore_mem>>) src(%dma_wait3A_730 : memref<64x64xf32, #tpu.memory_space<vmem>>) dst(%dma_wait3A_726 : memref<64x64xf32, #tpu.memory_space<hbm>>)
      } else {
      }
      %lt3A_708 = arith.constant 64 : i32
      %lt3A_709 = arith.cmpi slt, %add3A_699, %lt3A_708 : i32
      %convert_element_type3A_710 = arith.extui %lt3A_709 : i1 to i32
      %cond3A_711 = arith.constant 0 : i32
      %cond3A_712 = arith.cmpi ne, %convert_element_type3A_710, %cond3A_711 : i32
      scf.if %cond3A_712 {
        %dma_start3A_713 = arith.constant 3 : i32
        %dma_start3A_714 = arith.constant 3 : i32
        %dma_start3A_715 = arith.constant 0 : i32
        %dma_start3A_716 = arith.constant 0 : i32
        %dma_start3A_717 = tpu.memref_slice %arg8[%dma_start3A_713, %dma_start3A_715, %dma_start3A_716] : memref<8x64x64xf32, #tpu.memory_space<vmem>> -> memref<1x64x64xf32, #tpu.memory_space<vmem>>
        %dma_start3A_718 = tpu.memref_squeeze %dma_start3A_717 : memref<1x64x64xf32, #tpu.memory_space<vmem>> -> memref<64x64xf32, #tpu.memory_space<vmem>>
        %dma_start3A_719 = arith.constant 0 : i32
        %dma_start3A_720 = tpu.memref_slice %arg6[%add3A_699, %dma_start3A_719] : memref<64x64xi32, #tpu.memory_space<vmem>> -> memref<1x64xi32, #tpu.memory_space<vmem>>
        %dma_start3A_721 = tpu.memref_squeeze %dma_start3A_720 : memref<1x64xi32, #tpu.memory_space<vmem>> -> memref<64xi32, #tpu.memory_space<vmem>>
        %dma_start3A_722 = arith.constant 0 : i32
        %dma_start3A_723 = arith.constant 0 : i32
        %dma_start3A_724 = tpu.memref_slice %arg3[%dma_start3A_722, %dma_start3A_723] : memref<1000000x64xf32, #tpu.memory_space<hbm>> -> memref<1000000x64xf32, #tpu.memory_space<hbm>>
        %dma_start3A_725 = tpu.memref_slice %arg10[%dma_start3A_714] : memref<8x!tpu.dma_semaphore, #tpu.memory_space<semaphore_mem>> -> memref<1x!tpu.dma_semaphore, #tpu.memory_space<semaphore_mem>>
        %dma_start3A_726 = tpu.memref_squeeze %dma_start3A_725 : memref<1x!tpu.dma_semaphore, #tpu.memory_space<semaphore_mem>> -> memref<!tpu.dma_semaphore, #tpu.memory_space<semaphore_mem>>
        tpu.enqueue_indirect_dma source(%dma_start3A_724 : memref<1000000x64xf32, #tpu.memory_space<hbm>>) target(%dma_start3A_718 : memref<64x64xf32, #tpu.memory_space<vmem>>) offsets(%dma_start3A_721 : memref<64xi32, #tpu.memory_space<vmem>>) semaphore(%dma_start3A_726 : memref<!tpu.dma_semaphore, #tpu.memory_space<semaphore_mem>>)
      } else {
      }
    }
    %scan3A_65 = arith.constant 8 : i32
    %dma_wait3A = arith.constant 0 : i32
    %dma_wait3A_66 = arith.constant 0 : i32
    %dma_wait3A_67 = arith.constant 0 : i32
    %dma_wait3A_68 = arith.constant 0 : i32
    %dma_wait3A_69 = arith.constant 0 : i32
    %dma_wait3A_70 = tpu.memref_slice %arg9[%dma_wait3A, %dma_wait3A_68, %dma_wait3A_69] : memref<8x64x64xf32, #tpu.memory_space<vmem>> -> memref<1x64x64xf32, #tpu.memory_space<vmem>>
    %dma_wait3A_71 = tpu.memref_squeeze %dma_wait3A_70 : memref<1x64x64xf32, #tpu.memory_space<vmem>> -> memref<64x64xf32, #tpu.memory_space<vmem>>
    %dma_wait3A_72 = arith.constant 0 : i32
    %dma_wait3A_73 = tpu.memref_slice %arg5[%dma_wait3A_66, %dma_wait3A_72, %mul3A_2] : memref<64x64x2048xf32, #tpu.memory_space<hbm>> -> memref<1x64x64xf32, #tpu.memory_space<hbm>>
    %dma_wait3A_74 = tpu.memref_squeeze %dma_wait3A_73 : memref<1x64x64xf32, #tpu.memory_space<hbm>> -> memref<64x64xf32, #tpu.memory_space<hbm>>
    %dma_wait3A_75 = tpu.memref_slice %arg11[%dma_wait3A_67] : memref<8x!tpu.dma_semaphore, #tpu.memory_space<semaphore_mem>> -> memref<1x!tpu.dma_semaphore, #tpu.memory_space<semaphore_mem>>
    %dma_wait3A_76 = tpu.memref_squeeze %dma_wait3A_75 : memref<1x!tpu.dma_semaphore, #tpu.memory_space<semaphore_mem>> -> memref<!tpu.dma_semaphore, #tpu.memory_space<semaphore_mem>>
    %dma_wait3A_77 = arith.constant 0 : i32
    %dma_wait3A_78 = tpu.memref_slice %arg5[%dma_wait3A_66, %dma_wait3A_77, %mul3A_2] : memref<64x64x2048xf32, #tpu.memory_space<hbm>> -> memref<1x64x64xf32, #tpu.memory_space<hbm>>
    %dma_wait3A_79 = tpu.memref_squeeze %dma_wait3A_78 : memref<1x64x64xf32, #tpu.memory_space<hbm>> -> memref<64x64xf32, #tpu.memory_space<hbm>>
    %dma_wait3A_80 = arith.constant 0 : i32
    %dma_wait3A_81 = arith.constant 0 : i32
    %dma_wait3A_82 = tpu.memref_slice %arg9[%dma_wait3A, %dma_wait3A_80, %dma_wait3A_81] : memref<8x64x64xf32, #tpu.memory_space<vmem>> -> memref<1x64x64xf32, #tpu.memory_space<vmem>>
    %dma_wait3A_83 = tpu.memref_squeeze %dma_wait3A_82 : memref<1x64x64xf32, #tpu.memory_space<vmem>> -> memref<64x64xf32, #tpu.memory_space<vmem>>
    tpu.wait_dma2 semaphore(%dma_wait3A_76 : memref<!tpu.dma_semaphore, #tpu.memory_space<semaphore_mem>>) src(%dma_wait3A_83 : memref<64x64xf32, #tpu.memory_space<vmem>>) dst(%dma_wait3A_79 : memref<64x64xf32, #tpu.memory_space<hbm>>)
    %dma_wait3A_84 = arith.constant 1 : i32
    %dma_wait3A_85 = arith.constant 0 : i32
    %dma_wait3A_86 = arith.constant 1 : i32
    %dma_wait3A_87 = arith.constant 0 : i32
    %dma_wait3A_88 = arith.constant 0 : i32
    %dma_wait3A_89 = tpu.memref_slice %arg9[%dma_wait3A_84, %dma_wait3A_87, %dma_wait3A_88] : memref<8x64x64xf32, #tpu.memory_space<vmem>> -> memref<1x64x64xf32, #tpu.memory_space<vmem>>
    %dma_wait3A_90 = tpu.memref_squeeze %dma_wait3A_89 : memref<1x64x64xf32, #tpu.memory_space<vmem>> -> memref<64x64xf32, #tpu.memory_space<vmem>>
    %dma_wait3A_91 = arith.constant 0 : i32
    %dma_wait3A_92 = tpu.memref_slice %arg5[%dma_wait3A_85, %dma_wait3A_91, %mul3A_2] : memref<64x64x2048xf32, #tpu.memory_space<hbm>> -> memref<1x64x64xf32, #tpu.memory_space<hbm>>
    %dma_wait3A_93 = tpu.memref_squeeze %dma_wait3A_92 : memref<1x64x64xf32, #tpu.memory_space<hbm>> -> memref<64x64xf32, #tpu.memory_space<hbm>>
    %dma_wait3A_94 = tpu.memref_slice %arg11[%dma_wait3A_86] : memref<8x!tpu.dma_semaphore, #tpu.memory_space<semaphore_mem>> -> memref<1x!tpu.dma_semaphore, #tpu.memory_space<semaphore_mem>>
    %dma_wait3A_95 = tpu.memref_squeeze %dma_wait3A_94 : memref<1x!tpu.dma_semaphore, #tpu.memory_space<semaphore_mem>> -> memref<!tpu.dma_semaphore, #tpu.memory_space<semaphore_mem>>
    %dma_wait3A_96 = arith.constant 0 : i32
    %dma_wait3A_97 = tpu.memref_slice %arg5[%dma_wait3A_85, %dma_wait3A_96, %mul3A_2] : memref<64x64x2048xf32, #tpu.memory_space<hbm>> -> memref<1x64x64xf32, #tpu.memory_space<hbm>>
    %dma_wait3A_98 = tpu.memref_squeeze %dma_wait3A_97 : memref<1x64x64xf32, #tpu.memory_space<hbm>> -> memref<64x64xf32, #tpu.memory_space<hbm>>
    %dma_wait3A_99 = arith.constant 0 : i32
    %dma_wait3A_100 = arith.constant 0 : i32
    %dma_wait3A_101 = tpu.memref_slice %arg9[%dma_wait3A_84, %dma_wait3A_99, %dma_wait3A_100] : memref<8x64x64xf32, #tpu.memory_space<vmem>> -> memref<1x64x64xf32, #tpu.memory_space<vmem>>
    %dma_wait3A_102 = tpu.memref_squeeze %dma_wait3A_101 : memref<1x64x64xf32, #tpu.memory_space<vmem>> -> memref<64x64xf32, #tpu.memory_space<vmem>>
    tpu.wait_dma2 semaphore(%dma_wait3A_95 : memref<!tpu.dma_semaphore, #tpu.memory_space<semaphore_mem>>) src(%dma_wait3A_102 : memref<64x64xf32, #tpu.memory_space<vmem>>) dst(%dma_wait3A_98 : memref<64x64xf32, #tpu.memory_space<hbm>>)
    %dma_wait3A_103 = arith.constant 2 : i32
    %dma_wait3A_104 = arith.constant 0 : i32
    %dma_wait3A_105 = arith.constant 2 : i32
    %dma_wait3A_106 = arith.constant 0 : i32
    %dma_wait3A_107 = arith.constant 0 : i32
    %dma_wait3A_108 = tpu.memref_slice %arg9[%dma_wait3A_103, %dma_wait3A_106, %dma_wait3A_107] : memref<8x64x64xf32, #tpu.memory_space<vmem>> -> memref<1x64x64xf32, #tpu.memory_space<vmem>>
    %dma_wait3A_109 = tpu.memref_squeeze %dma_wait3A_108 : memref<1x64x64xf32, #tpu.memory_space<vmem>> -> memref<64x64xf32, #tpu.memory_space<vmem>>
    %dma_wait3A_110 = arith.constant 0 : i32
    %dma_wait3A_111 = tpu.memref_slice %arg5[%dma_wait3A_104, %dma_wait3A_110, %mul3A_2] : memref<64x64x2048xf32, #tpu.memory_space<hbm>> -> memref<1x64x64xf32, #tpu.memory_space<hbm>>
    %dma_wait3A_112 = tpu.memref_squeeze %dma_wait3A_111 : memref<1x64x64xf32, #tpu.memory_space<hbm>> -> memref<64x64xf32, #tpu.memory_space<hbm>>
    %dma_wait3A_113 = tpu.memref_slice %arg11[%dma_wait3A_105] : memref<8x!tpu.dma_semaphore, #tpu.memory_space<semaphore_mem>> -> memref<1x!tpu.dma_semaphore, #tpu.memory_space<semaphore_mem>>
    %dma_wait3A_114 = tpu.memref_squeeze %dma_wait3A_113 : memref<1x!tpu.dma_semaphore, #tpu.memory_space<semaphore_mem>> -> memref<!tpu.dma_semaphore, #tpu.memory_space<semaphore_mem>>
    %dma_wait3A_115 = arith.constant 0 : i32
    %dma_wait3A_116 = tpu.memref_slice %arg5[%dma_wait3A_104, %dma_wait3A_115, %mul3A_2] : memref<64x64x2048xf32, #tpu.memory_space<hbm>> -> memref<1x64x64xf32, #tpu.memory_space<hbm>>
    %dma_wait3A_117 = tpu.memref_squeeze %dma_wait3A_116 : memref<1x64x64xf32, #tpu.memory_space<hbm>> -> memref<64x64xf32, #tpu.memory_space<hbm>>
    %dma_wait3A_118 = arith.constant 0 : i32
    %dma_wait3A_119 = arith.constant 0 : i32
    %dma_wait3A_120 = tpu.memref_slice %arg9[%dma_wait3A_103, %dma_wait3A_118, %dma_wait3A_119] : memref<8x64x64xf32, #tpu.memory_space<vmem>> -> memref<1x64x64xf32, #tpu.memory_space<vmem>>
    %dma_wait3A_121 = tpu.memref_squeeze %dma_wait3A_120 : memref<1x64x64xf32, #tpu.memory_space<vmem>> -> memref<64x64xf32, #tpu.memory_space<vmem>>
    tpu.wait_dma2 semaphore(%dma_wait3A_114 : memref<!tpu.dma_semaphore, #tpu.memory_space<semaphore_mem>>) src(%dma_wait3A_121 : memref<64x64xf32, #tpu.memory_space<vmem>>) dst(%dma_wait3A_117 : memref<64x64xf32, #tpu.memory_space<hbm>>)
    %dma_wait3A_122 = arith.constant 3 : i32
    %dma_wait3A_123 = arith.constant 0 : i32
    %dma_wait3A_124 = arith.constant 3 : i32
    %dma_wait3A_125 = arith.constant 0 : i32
    %dma_wait3A_126 = arith.constant 0 : i32
    %dma_wait3A_127 = tpu.memref_slice %arg9[%dma_wait3A_122, %dma_wait3A_125, %dma_wait3A_126] : memref<8x64x64xf32, #tpu.memory_space<vmem>> -> memref<1x64x64xf32, #tpu.memory_space<vmem>>
    %dma_wait3A_128 = tpu.memref_squeeze %dma_wait3A_127 : memref<1x64x64xf32, #tpu.memory_space<vmem>> -> memref<64x64xf32, #tpu.memory_space<vmem>>
    %dma_wait3A_129 = arith.constant 0 : i32
    %dma_wait3A_130 = tpu.memref_slice %arg5[%dma_wait3A_123, %dma_wait3A_129, %mul3A_2] : memref<64x64x2048xf32, #tpu.memory_space<hbm>> -> memref<1x64x64xf32, #tpu.memory_space<hbm>>
    %dma_wait3A_131 = tpu.memref_squeeze %dma_wait3A_130 : memref<1x64x64xf32, #tpu.memory_space<hbm>> -> memref<64x64xf32, #tpu.memory_space<hbm>>
    %dma_wait3A_132 = tpu.memref_slice %arg11[%dma_wait3A_124] : memref<8x!tpu.dma_semaphore, #tpu.memory_space<semaphore_mem>> -> memref<1x!tpu.dma_semaphore, #tpu.memory_space<semaphore_mem>>
    %dma_wait3A_133 = tpu.memref_squeeze %dma_wait3A_132 : memref<1x!tpu.dma_semaphore, #tpu.memory_space<semaphore_mem>> -> memref<!tpu.dma_semaphore, #tpu.memory_space<semaphore_mem>>
    %dma_wait3A_134 = arith.constant 0 : i32
    %dma_wait3A_135 = tpu.memref_slice %arg5[%dma_wait3A_123, %dma_wait3A_134, %mul3A_2] : memref<64x64x2048xf32, #tpu.memory_space<hbm>> -> memref<1x64x64xf32, #tpu.memory_space<hbm>>
    %dma_wait3A_136 = tpu.memref_squeeze %dma_wait3A_135 : memref<1x64x64xf32, #tpu.memory_space<hbm>> -> memref<64x64xf32, #tpu.memory_space<hbm>>
    %dma_wait3A_137 = arith.constant 0 : i32
    %dma_wait3A_138 = arith.constant 0 : i32
    %dma_wait3A_139 = tpu.memref_slice %arg9[%dma_wait3A_122, %dma_wait3A_137, %dma_wait3A_138] : memref<8x64x64xf32, #tpu.memory_space<vmem>> -> memref<1x64x64xf32, #tpu.memory_space<vmem>>
    %dma_wait3A_140 = tpu.memref_squeeze %dma_wait3A_139 : memref<1x64x64xf32, #tpu.memory_space<vmem>> -> memref<64x64xf32, #tpu.memory_space<vmem>>
    tpu.wait_dma2 semaphore(%dma_wait3A_133 : memref<!tpu.dma_semaphore, #tpu.memory_space<semaphore_mem>>) src(%dma_wait3A_140 : memref<64x64xf32, #tpu.memory_space<vmem>>) dst(%dma_wait3A_136 : memref<64x64xf32, #tpu.memory_space<hbm>>)
    %dma_wait3A_141 = arith.constant 4 : i32
    %dma_wait3A_142 = arith.constant 0 : i32
    %dma_wait3A_143 = arith.constant 4 : i32
    %dma_wait3A_144 = arith.constant 0 : i32
    %dma_wait3A_145 = arith.constant 0 : i32
    %dma_wait3A_146 = tpu.memref_slice %arg9[%dma_wait3A_141, %dma_wait3A_144, %dma_wait3A_145] : memref<8x64x64xf32, #tpu.memory_space<vmem>> -> memref<1x64x64xf32, #tpu.memory_space<vmem>>
    %dma_wait3A_147 = tpu.memref_squeeze %dma_wait3A_146 : memref<1x64x64xf32, #tpu.memory_space<vmem>> -> memref<64x64xf32, #tpu.memory_space<vmem>>
    %dma_wait3A_148 = arith.constant 0 : i32
    %dma_wait3A_149 = tpu.memref_slice %arg5[%dma_wait3A_142, %dma_wait3A_148, %mul3A_2] : memref<64x64x2048xf32, #tpu.memory_space<hbm>> -> memref<1x64x64xf32, #tpu.memory_space<hbm>>
    %dma_wait3A_150 = tpu.memref_squeeze %dma_wait3A_149 : memref<1x64x64xf32, #tpu.memory_space<hbm>> -> memref<64x64xf32, #tpu.memory_space<hbm>>
    %dma_wait3A_151 = tpu.memref_slice %arg11[%dma_wait3A_143] : memref<8x!tpu.dma_semaphore, #tpu.memory_space<semaphore_mem>> -> memref<1x!tpu.dma_semaphore, #tpu.memory_space<semaphore_mem>>
    %dma_wait3A_152 = tpu.memref_squeeze %dma_wait3A_151 : memref<1x!tpu.dma_semaphore, #tpu.memory_space<semaphore_mem>> -> memref<!tpu.dma_semaphore, #tpu.memory_space<semaphore_mem>>
    %dma_wait3A_153 = arith.constant 0 : i32
    %dma_wait3A_154 = tpu.memref_slice %arg5[%dma_wait3A_142, %dma_wait3A_153, %mul3A_2] : memref<64x64x2048xf32, #tpu.memory_space<hbm>> -> memref<1x64x64xf32, #tpu.memory_space<hbm>>
    %dma_wait3A_155 = tpu.memref_squeeze %dma_wait3A_154 : memref<1x64x64xf32, #tpu.memory_space<hbm>> -> memref<64x64xf32, #tpu.memory_space<hbm>>
    %dma_wait3A_156 = arith.constant 0 : i32
    %dma_wait3A_157 = arith.constant 0 : i32
    %dma_wait3A_158 = tpu.memref_slice %arg9[%dma_wait3A_141, %dma_wait3A_156, %dma_wait3A_157] : memref<8x64x64xf32, #tpu.memory_space<vmem>> -> memref<1x64x64xf32, #tpu.memory_space<vmem>>
    %dma_wait3A_159 = tpu.memref_squeeze %dma_wait3A_158 : memref<1x64x64xf32, #tpu.memory_space<vmem>> -> memref<64x64xf32, #tpu.memory_space<vmem>>
    tpu.wait_dma2 semaphore(%dma_wait3A_152 : memref<!tpu.dma_semaphore, #tpu.memory_space<semaphore_mem>>) src(%dma_wait3A_159 : memref<64x64xf32, #tpu.memory_space<vmem>>) dst(%dma_wait3A_155 : memref<64x64xf32, #tpu.memory_space<hbm>>)
    %dma_wait3A_160 = arith.constant 5 : i32
    %dma_wait3A_161 = arith.constant 0 : i32
    %dma_wait3A_162 = arith.constant 5 : i32
    %dma_wait3A_163 = arith.constant 0 : i32
    %dma_wait3A_164 = arith.constant 0 : i32
    %dma_wait3A_165 = tpu.memref_slice %arg9[%dma_wait3A_160, %dma_wait3A_163, %dma_wait3A_164] : memref<8x64x64xf32, #tpu.memory_space<vmem>> -> memref<1x64x64xf32, #tpu.memory_space<vmem>>
    %dma_wait3A_166 = tpu.memref_squeeze %dma_wait3A_165 : memref<1x64x64xf32, #tpu.memory_space<vmem>> -> memref<64x64xf32, #tpu.memory_space<vmem>>
    %dma_wait3A_167 = arith.constant 0 : i32
    %dma_wait3A_168 = tpu.memref_slice %arg5[%dma_wait3A_161, %dma_wait3A_167, %mul3A_2] : memref<64x64x2048xf32, #tpu.memory_space<hbm>> -> memref<1x64x64xf32, #tpu.memory_space<hbm>>
    %dma_wait3A_169 = tpu.memref_squeeze %dma_wait3A_168 : memref<1x64x64xf32, #tpu.memory_space<hbm>> -> memref<64x64xf32, #tpu.memory_space<hbm>>
    %dma_wait3A_170 = tpu.memref_slice %arg11[%dma_wait3A_162] : memref<8x!tpu.dma_semaphore, #tpu.memory_space<semaphore_mem>> -> memref<1x!tpu.dma_semaphore, #tpu.memory_space<semaphore_mem>>
    %dma_wait3A_171 = tpu.memref_squeeze %dma_wait3A_170 : memref<1x!tpu.dma_semaphore, #tpu.memory_space<semaphore_mem>> -> memref<!tpu.dma_semaphore, #tpu.memory_space<semaphore_mem>>
    %dma_wait3A_172 = arith.constant 0 : i32
    %dma_wait3A_173 = tpu.memref_slice %arg5[%dma_wait3A_161, %dma_wait3A_172, %mul3A_2] : memref<64x64x2048xf32, #tpu.memory_space<hbm>> -> memref<1x64x64xf32, #tpu.memory_space<hbm>>
    %dma_wait3A_174 = tpu.memref_squeeze %dma_wait3A_173 : memref<1x64x64xf32, #tpu.memory_space<hbm>> -> memref<64x64xf32, #tpu.memory_space<hbm>>
    %dma_wait3A_175 = arith.constant 0 : i32
    %dma_wait3A_176 = arith.constant 0 : i32
    %dma_wait3A_177 = tpu.memref_slice %arg9[%dma_wait3A_160, %dma_wait3A_175, %dma_wait3A_176] : memref<8x64x64xf32, #tpu.memory_space<vmem>> -> memref<1x64x64xf32, #tpu.memory_space<vmem>>
    %dma_wait3A_178 = tpu.memref_squeeze %dma_wait3A_177 : memref<1x64x64xf32, #tpu.memory_space<vmem>> -> memref<64x64xf32, #tpu.memory_space<vmem>>
    tpu.wait_dma2 semaphore(%dma_wait3A_171 : memref<!tpu.dma_semaphore, #tpu.memory_space<semaphore_mem>>) src(%dma_wait3A_178 : memref<64x64xf32, #tpu.memory_space<vmem>>) dst(%dma_wait3A_174 : memref<64x64xf32, #tpu.memory_space<hbm>>)
    %dma_wait3A_179 = arith.constant 6 : i32
    %dma_wait3A_180 = arith.constant 0 : i32
    %dma_wait3A_181 = arith.constant 6 : i32
    %dma_wait3A_182 = arith.constant 0 : i32
    %dma_wait3A_183 = arith.constant 0 : i32
    %dma_wait3A_184 = tpu.memref_slice %arg9[%dma_wait3A_179, %dma_wait3A_182, %dma_wait3A_183] : memref<8x64x64xf32, #tpu.memory_space<vmem>> -> memref<1x64x64xf32, #tpu.memory_space<vmem>>
    %dma_wait3A_185 = tpu.memref_squeeze %dma_wait3A_184 : memref<1x64x64xf32, #tpu.memory_space<vmem>> -> memref<64x64xf32, #tpu.memory_space<vmem>>
    %dma_wait3A_186 = arith.constant 0 : i32
    %dma_wait3A_187 = tpu.memref_slice %arg5[%dma_wait3A_180, %dma_wait3A_186, %mul3A_2] : memref<64x64x2048xf32, #tpu.memory_space<hbm>> -> memref<1x64x64xf32, #tpu.memory_space<hbm>>
    %dma_wait3A_188 = tpu.memref_squeeze %dma_wait3A_187 : memref<1x64x64xf32, #tpu.memory_space<hbm>> -> memref<64x64xf32, #tpu.memory_space<hbm>>
    %dma_wait3A_189 = tpu.memref_slice %arg11[%dma_wait3A_181] : memref<8x!tpu.dma_semaphore, #tpu.memory_space<semaphore_mem>> -> memref<1x!tpu.dma_semaphore, #tpu.memory_space<semaphore_mem>>
    %dma_wait3A_190 = tpu.memref_squeeze %dma_wait3A_189 : memref<1x!tpu.dma_semaphore, #tpu.memory_space<semaphore_mem>> -> memref<!tpu.dma_semaphore, #tpu.memory_space<semaphore_mem>>
    %dma_wait3A_191 = arith.constant 0 : i32
    %dma_wait3A_192 = tpu.memref_slice %arg5[%dma_wait3A_180, %dma_wait3A_191, %mul3A_2] : memref<64x64x2048xf32, #tpu.memory_space<hbm>> -> memref<1x64x64xf32, #tpu.memory_space<hbm>>
    %dma_wait3A_193 = tpu.memref_squeeze %dma_wait3A_192 : memref<1x64x64xf32, #tpu.memory_space<hbm>> -> memref<64x64xf32, #tpu.memory_space<hbm>>
    %dma_wait3A_194 = arith.constant 0 : i32
    %dma_wait3A_195 = arith.constant 0 : i32
    %dma_wait3A_196 = tpu.memref_slice %arg9[%dma_wait3A_179, %dma_wait3A_194, %dma_wait3A_195] : memref<8x64x64xf32, #tpu.memory_space<vmem>> -> memref<1x64x64xf32, #tpu.memory_space<vmem>>
    %dma_wait3A_197 = tpu.memref_squeeze %dma_wait3A_196 : memref<1x64x64xf32, #tpu.memory_space<vmem>> -> memref<64x64xf32, #tpu.memory_space<vmem>>
    tpu.wait_dma2 semaphore(%dma_wait3A_190 : memref<!tpu.dma_semaphore, #tpu.memory_space<semaphore_mem>>) src(%dma_wait3A_197 : memref<64x64xf32, #tpu.memory_space<vmem>>) dst(%dma_wait3A_193 : memref<64x64xf32, #tpu.memory_space<hbm>>)
    %dma_wait3A_198 = arith.constant 7 : i32
    %dma_wait3A_199 = arith.constant 0 : i32
    %dma_wait3A_200 = arith.constant 7 : i32
    %dma_wait3A_201 = arith.constant 0 : i32
    %dma_wait3A_202 = arith.constant 0 : i32
    %dma_wait3A_203 = tpu.memref_slice %arg9[%dma_wait3A_198, %dma_wait3A_201, %dma_wait3A_202] : memref<8x64x64xf32, #tpu.memory_space<vmem>> -> memref<1x64x64xf32, #tpu.memory_space<vmem>>
    %dma_wait3A_204 = tpu.memref_squeeze %dma_wait3A_203 : memref<1x64x64xf32, #tpu.memory_space<vmem>> -> memref<64x64xf32, #tpu.memory_space<vmem>>
    %dma_wait3A_205 = arith.constant 0 : i32
    %dma_wait3A_206 = tpu.memref_slice %arg5[%dma_wait3A_199, %dma_wait3A_205, %mul3A_2] : memref<64x64x2048xf32, #tpu.memory_space<hbm>> -> memref<1x64x64xf32, #tpu.memory_space<hbm>>
    %dma_wait3A_207 = tpu.memref_squeeze %dma_wait3A_206 : memref<1x64x64xf32, #tpu.memory_space<hbm>> -> memref<64x64xf32, #tpu.memory_space<hbm>>
    %dma_wait3A_208 = tpu.memref_slice %arg11[%dma_wait3A_200] : memref<8x!tpu.dma_semaphore, #tpu.memory_space<semaphore_mem>> -> memref<1x!tpu.dma_semaphore, #tpu.memory_space<semaphore_mem>>
    %dma_wait3A_209 = tpu.memref_squeeze %dma_wait3A_208 : memref<1x!tpu.dma_semaphore, #tpu.memory_space<semaphore_mem>> -> memref<!tpu.dma_semaphore, #tpu.memory_space<semaphore_mem>>
    %dma_wait3A_210 = arith.constant 0 : i32
    %dma_wait3A_211 = tpu.memref_slice %arg5[%dma_wait3A_199, %dma_wait3A_210, %mul3A_2] : memref<64x64x2048xf32, #tpu.memory_space<hbm>> -> memref<1x64x64xf32, #tpu.memory_space<hbm>>
    %dma_wait3A_212 = tpu.memref_squeeze %dma_wait3A_211 : memref<1x64x64xf32, #tpu.memory_space<hbm>> -> memref<64x64xf32, #tpu.memory_space<hbm>>
    %dma_wait3A_213 = arith.constant 0 : i32
    %dma_wait3A_214 = arith.constant 0 : i32
    %dma_wait3A_215 = tpu.memref_slice %arg9[%dma_wait3A_198, %dma_wait3A_213, %dma_wait3A_214] : memref<8x64x64xf32, #tpu.memory_space<vmem>> -> memref<1x64x64xf32, #tpu.memory_space<vmem>>
    %dma_wait3A_216 = tpu.memref_squeeze %dma_wait3A_215 : memref<1x64x64xf32, #tpu.memory_space<vmem>> -> memref<64x64xf32, #tpu.memory_space<vmem>>
    tpu.wait_dma2 semaphore(%dma_wait3A_209 : memref<!tpu.dma_semaphore, #tpu.memory_space<semaphore_mem>>) src(%dma_wait3A_216 : memref<64x64xf32, #tpu.memory_space<vmem>>) dst(%dma_wait3A_212 : memref<64x64xf32, #tpu.memory_space<hbm>>)
    return
  }
}

</mosaic_0001>

<sc_bundles>
// kernel: kernel.3.cloned.1.call-start
scs
__scs_entry_jumppad:
0x0: {  	(pc) =	sbr.rel $0x88, $3  }
0x1: {  	(tag) =	ssettag $0x0;
	lr =	simm.s32 $0x1  }
0x2: {  	[smem:$0x3F9E] =	sst lr;
	_ =	strace $0xD0000000  }
0x3: {  	_ = 	snop  }
0x4: {  	_ = 	snop  }
0x5: {  	_ = 	snop  }
0x6: {  	_ = 	snop  }
0x7: {  	_ = 	snop  }
__scs_overlays_trampoline_lowered:
0x8: {  	[smem:$0x3FAD] =	sst s0  }
0x9: {  	[smem:$0x3FAE] =	sst s1  }
0xa: {  	[smem:$0x3FAF] =	sst s2  }
0xb: {  	[smem:$0x3FB0] =	sst s3  }
0xc: {  	[smem:$0x3FB1] =	sst s4  }
0xd: {  	[smem:$0x3FB2] =	sst s5  }
0xe: {  	[smem:$0x3FB3] =	sst s6  }
0xf: {  	[smem:$0x3FB4] =	sst s7  }
0x10: {  	[smem:$0x3FB5] =	sst s8  }
0x11: {  	[smem:$0x3FB6] =	sst s9;
	s0 =	simm.s32 @!p0 $0x0  }
0x12: {  	s1 =	sld [smem:$0x3F9C];
	s0 =	simm.s32 @p0 $0x1  }
0x13: {  	[smem:$0x3FB7] =	sst s0;
	s0 =	simm.s32 @!p1 $0x0  }
0x14: {  	s2 =	sld [smem:$0x3F9B];
	s0 =	simm.s32 @p1 $0x1  }
0x15: {  	[smem:$0x3FB8] =	sst s0;
	s0 =	simm.s32 @!p2 $0x0  }
0x16: {  	s3 =	sld [smem:$0x3FDB];
	s0 =	simm.s32 @p2 $0x1  }
0x17: {  	s4 =	simm.s32 $0x1BF5;
	[smem:$0x3FBA] =	sst s0  }
0x18: {  	s0 =	sld [smem:$0x3F9D];
	_ =	swait.ge [sflag:s4], $0x0  }
0x19: {  	s7 =	sld [smem:$0x3F9E]  }
0x1a: {  	s8 =	sadd.s32 $0xFFFFE003, lr  }
0x1b: {  	s9 =	sadd.s32 $0xFFFFFEF7, lr;
	s5 =	simm.s32 $0xFFFFFFFF;
	p2 =	slt.u32 s8, $0xFFFFF086  }
0x1c: {  	p1 =	slt.u32 s9, $0xF7A;
	s5 =	simm.s32 @!p2 $0x0  }
0x1d: {  	s5 =	simm.s32 @p1 $0x1;
	p0 =	seq.s32 s7, s2  }
0x1e: {  	s7 =	smul.u32 @!p0 $0xF7A, s2;
	p2 =	seq.s32 @!p0 s5, $0x0  }
0x1f: {  	s9 =	smul.u32 $0xF7A, s1;
	s8 =	simm.s32 @!p0 $0x1BF5;
	p2 =	por !p2, p0  }
0x20: {  	[sflag:s8] =	ssyncset.s32 @!p0 $0xFFFFF086;
	s6 =	sadd.s32 @!p0 s3, s7;
	s7 =	simm.s32 @!p0 $0x108  }
0x21: {  	s3 =	sadd.s32 s3, s9;
	s6 =	sadd.s32 @!p0 $0x88, s6;
	s7 =	simm.s32 @p2 $0x1082  }
0x22: {  	[simem:s7], [sflag:s8] =	dma.local @!p0 [hbm:s6], $0xF7A  }
0x23: {  	s9 =	sor.u32 $0xD0000000, s2;
	s6 =	simm.s32 $0x108;
	_ =	swait.ge @!p0 [sflag:s8], $0x0  }
0x24: {  	s3 =	sadd.s32 $0x88, s3;
	s6 =	simm.s32 @!p1 $0x1082;
	[sflag:s4] =	ssyncset.s32 $0xFFFFF086  }
0x25: {  	[simem:s6], [sflag:s4] =	dma.local [hbm:s3], $0xF7A  }
0x26: {  	[smem:$0x3F9E] =	sst s1;
	(tag) =	ssettag s2;
	_ =	strace s9  }
0x27: {  	s1 =	sld [smem:$0x3FAE]  }
0x28: {  	s2 =	sld [smem:$0x3FAF]  }
0x29: {  	s4 =	sld [smem:$0x3FB1]  }
0x2a: {  	p0 =	seq.s32 s5, $0x0;
	s5 =	sld [smem:$0x3FB2]  }
0x2b: {  	s6 =	sld [smem:$0x3FB3]  }
0x2c: {  	s7 =	sld [smem:$0x3FB4]  }
0x2d: {  	s3 =	simm.s32 $0x108;
	s8 =	sld [smem:$0x3FB5]  }
0x2e: {  	s3 =	simm.s32 @!p0 $0x1082;
	s9 =	sld [smem:$0x3FB6]  }
0x2f: {  	lr =	sadd.s32 s0, s3;
	s0 =	sld [smem:$0x3FAD]  }
0x30: {  	s3 =	sld [smem:$0x3FB0]  }
0x31: {  	[smem:$0x3FB9] =	sst s10  }
0x32: {  	s10 =	sld [smem:$0x3FB7];
	_ =	sdelay $0x3  }
0x33: {  	p0 =	seq.s32 s10, $0x1;
	s10 =	sld [smem:$0x3FB9];
	_ =	sdelay $0x3  }
0x34: {  	[smem:$0x3FB9] =	sst s10  }
0x35: {  	s10 =	sld [smem:$0x3FB8];
	_ =	sdelay $0x3  }
0x36: {  	p1 =	seq.s32 s10, $0x1;
	s10 =	sld [smem:$0x3FB9];
	_ =	sdelay $0x3  }
0x37: {  	[smem:$0x3FB9] =	sst s10  }
0x38: {  	s10 =	sld [smem:$0x3FBA]  }
0x39: {  	_ = 	snop;
	(pc) =	sbr.ind lr, $3  }
0x3a: {  	_ = 	snop  }
0x3b: {  	_ = 	snop  }
0x3c: {  	p2 =	seq.s32 s10, $0x1;
	s10 =	sld [smem:$0x3FB9]  }
0x3d: {  	_ =	shalt  }
0x3e: {  	_ =	shalt  }
0x3f: {  	_ =	shalt  }
0x40: {  	_ =	shalt  }
0x41: {  	_ =	shalt  }
0x42: {  	_ =	shalt  }
0x43: {  	_ =	shalt  }
0x44: {  	_ =	shalt  }
0x45: {  	_ =	shalt  }
0x46: {  	_ =	shalt  }
0x47: {  	_ =	shalt  }
0x48: {  	_ =	shalt  }
0x49: {  	_ =	shalt  }
0x4a: {  	_ =	shalt  }
0x4b: {  	_ =	shalt  }
0x4c: {  	_ =	shalt  }
0x4d: {  	_ =	shalt  }
0x4e: {  	_ =	shalt  }
0x4f: {  	_ =	shalt  }
0x50: {  	_ =	shalt  }
0x51: {  	_ =	shalt  }
0x52: {  	_ =	shalt  }
0x53: {  	_ =	shalt  }
0x54: {  	_ =	shalt  }
0x55: {  	_ =	shalt  }
0x56: {  	_ =	shalt  }
0x57: {  	_ =	shalt  }
0x58: {  	_ =	shalt  }
0x59: {  	_ =	shalt  }
0x5a: {  	_ =	shalt  }
0x5b: {  	_ =	shalt  }
0x5c: {  	_ =	shalt  }
0x5d: {  	_ =	shalt  }
0x5e: {  	_ =	shalt  }
0x5f: {  	_ =	shalt  }
0x60: {  	_ =	shalt  }
0x61: {  	_ =	shalt  }
0x62: {  	_ =	shalt  }
0x63: {  	_ =	shalt  }
0x64: {  	_ =	shalt  }
0x65: {  	_ =	shalt  }
0x66: {  	_ =	shalt  }
0x67: {  	_ =	shalt  }
0x68: {  	_ =	shalt  }
0x69: {  	_ =	shalt  }
0x6a: {  	_ =	shalt  }
0x6b: {  	_ =	shalt  }
0x6c: {  	_ =	shalt  }
0x6d: {  	_ =	shalt  }
0x6e: {  	_ =	shalt  }
0x6f: {  	_ =	shalt  }
0x70: {  	_ =	shalt  }
0x71: {  	_ =	shalt  }
0x72: {  	_ =	shalt  }
0x73: {  	_ =	shalt  }
0x74: {  	_ =	shalt  }
0x75: {  	_ =	shalt  }
0x76: {  	_ =	shalt  }
0x77: {  	_ =	shalt  }
0x78: {  	_ =	shalt  }
0x79: {  	_ =	shalt  }
0x7a: {  	_ =	shalt  }
0x7b: {  	_ =	shalt  }
0x7c: {  	_ =	shalt  }
0x7d: {  	_ =	shalt  }
0x7e: {  	_ =	shalt  }
0x7f: {  	_ =	shalt  }
0x80: {  	_ =	shalt  }
0x81: {  	_ =	shalt  }
0x82: {  	_ =	shalt  }
0x83: {  	_ =	shalt  }
0x84: {  	_ =	shalt  }
0x85: {  	_ =	shalt  }
0x86: {  	_ =	shalt  }
0x87: {  	_ =	shalt  }
.Lfunc_end0:
.L_simem_size_0:
called_computation_lowered:
.L_overlay_start_0:
0x88: {  	s2 =	sld [smem:$0x3FD9]  }
0x89: {  	s3 =	sld [smem:$0x3FFE];
	_ =	sdelay $0x1  }
0x8a: {  	s1 =	srdreg.scid  }
0x8b: {  	s0 =	sand.u32 $0x1, s1  }
0x8c: {  	s17 =	sshll.u32 s0, $0xA;
	s2 =	sadd.s32 s3, s2  }
0x8d: {  	s2 =	sadd.s32 s2, s17  }
0x8e: {  	[smem:$0x3FC5] =	sst s2  }
0x8f: {  	_ = 	snop  }
0x90: {  	s2 =	sld [smem:$0x3FD0];
	(tm) =	ssettm $0x1  }
0x91: {  	s18 =	sld [smem:$0x3FFB];
	_ =	sdelay $0x3  }
0x92: {  	_ =	strace s18  }
0x93: {  	s3 =	sld [smem:$0x3FFC];
	_ =	sdelay $0x3  }
0x94: {  	_ =	strace s3  }
0x95: {  	s3 =	sld [smem:$0x3FFD];
	_ =	sdelay $0x3  }
0x96: {  	_ =	strace s3  }
0x97: {  	_ =	strace $0x8FFFFFFF  }
0x98: {  	s19 =	sld [smem:$0x3FDB];
	_ =	sdelay $0x1  }
0x99: {  	s4 =	simm.s32 $_scs_section_size  }
0x9a: {  	s5 =	simm.s32 $_size__tile_overlayer_lowered;
	s6 =	simm.s32 $_tile_overlayer_lowered  }
0x9b: {  	s22 =	simm.s32 $0x1BFF;
	s21 =	sshll.u32 s6, $0x1;
	s3 =	sadd.s32 s4, s19  }
0x9c: {  	s7 =	simm.s32 $0x0;
	s20 =	sshll.u32 s5, $0x1;
	s5 =	sadd.s32 s21, s3  }
0x9d: {  	[timem:s7], [sflag:s22] =	dma.local [hbm:s5], s20  }
0x9e: {  	_ =	swait.ge [sflag:s22], s20  }
0x9f: {  	s4 =	ssub.s32 $0x0, s20;
	[sflag:s22] =	ssyncset.done $0x0  }
0xa0: {  	[sflag:s22] =	ssyncadd.s32 s4;
	_ =	sdelay $0x1  }
0xa1: {  	s23 =	simm.s32 $0x1B8B  }
0xa2: {  	_ =	swait.ge [sflag:s23], $0x1  }
0xa3: {  	[sflag:s23] =	ssyncset.done $0x0  }
0xa4: {  	s25 =	simm.s32 $0x1B8E;
	s24 =	sld [smem:$0x3FFE];
	[sflag:s23] =	ssyncadd.s32 $0xFFFFFFFF  }
0xa5: {  	s26 =	simm.s32 $execute0_lowered;
	[smem:$0x3FD2] =	sst s25  }
0xa6: {  	s5 =	sshll.u32 s26, $0x1;
	_ =	strace $0x80000046;
	[dreg:$0x1] =	wrdreg $0xFFFFFFFF  }
0xa7: {  	s28 =	simm.s32 $_size_execute0_lowered;
	s3 =	sadd.s32 s3, s5;
	[dreg:$0x0] =	wrdreg $0x0  }
0xa8: {  	s5 =	sshll.u32 s28, $0x1;
	[dreg:$0x2] =	wrdreg s3  }
0xa9: {  	[dreg:$0x3] =	wrdreg s5  }
0xaa: {  	[dreg:$0x4] =	wrdreg $0xC0  }
0xab: {  	_ =	task [dreg:s7], $0x5FFFF  }
0xac: {  	[dreg:$0x1] =	wrdreg $0xFFFFFFFF  }
0xad: {  	[dreg:$0x0] =	wrdreg $0x60  }
0xae: {  	[dreg:$0x2] =	wrdreg s2  }
0xaf: {  	[dreg:$0x3] =	wrdreg s24  }
0xb0: {  	[dreg:$0x4] =	wrdreg $0x9  }
0xb1: {  	_ =	task.clear_ibuf [dreg:s7], $0x5FFFF;
	_ =	strace $0x90000046  }
0xb2: {  	s29 =	simm.s32 $0x9;
	_ =	strace $0x80000048  }
0xb3: {  	_ =	swait.ge [sflag:s29], $0x1  }
0xb4: {  	[sflag:s29] =	ssyncadd.s32 $0xFFFFFFFF  }
0xb5: {  	_ =	strace $0x90000048  }
0xb6: {  	_ =	sfence  }
0xb7: {  	s30 =	sld [smem:$0x0];
	_ =	sdelay $0x2  }
0xb8: {  	s31 =	sshll.u32 s1, $0xD;
	s1 =	sshrl.u32 s1, $0x2  }
0xb9: {  	s3 =	sand.u32 $0x4000, s31;
	s1 =	sadd.s32 s1, s30  }
0xba: {  	s0 =	sor.u32 s3, s0;
	s1 =	sshll.u32 s1, $0x11  }
0xbb: {  	s0 =	sor.u32 s1, s0  }
0xbc: {  	s0 =	sadd.s32 $0x8F2B, s0  }
0xbd: {  	[sflag:s0] =	ssyncadd.remote.s32 $0x1  }
0xbe: {  	_ =	sfence.sel $0xFFFF  }
0xbf: {  	[dreg:$0x0] =	wrdreg $0xFFFFFFFF;
	(pc) =	sbr.abs _section_cstart, $3  }
0xc0: {  	[dreg:$0x1] =	wrdreg $0xFFFFFFFF  }
0xc1: {  	_ =	task.clear_ibuf [dreg:s7], $0x2FFFF;
	_ =	strace $0x9FFFFFFF  }
0xc2: {  	(tm) =	ssettm $0x7FFFFFFF  }
0xc3: {  	_ =	shalt  }
tec
execute0_lowered:
.L_overlay_start_1:
0x0: {  	(tag) =	ssettag $0x1  }
0x1: {  	s0 =	rddreg [dreg:$0x0]  }
0x2: {  	s1 =	rddreg [dreg:$0x1];
	s2 =	srdreg.scid  }
0x3: {  	s3 =	stileid.u32;
	s5 =	simm.s32 $0x0;
	s12 =	simm.s32 $0x40  }
0x4: {  	s13 =	simm.s32 $0x800;
	s16 =	simm.s32 $0x2000;
	s17 =	simm.s32 $0x3000  }
0x5: {  	s19 =	simm.s32 $0x4000;
	s28 =	simm.s32 $0x7000;
	s29 =	simm.s32 $0x3  }
0x6: {  	s31 =	simm.s32 $0x8000;
	s15 =	simm.s32 $0x9000;
	s18 =	simm.s32 $0x5  }
0x7: {  	s11 =	simm.s32 $0x7;
	s14 =	simm.s32 $0x8;
	s2 =	sand.u32 $0x1, s2  }
0x8: {  	s3 =	sshll.u32 s3, $0x7;
	[smem:$0x7FF] =	sst s5;
	s24 =	sadd.s32 $0x8800, s1  }
0x9: {  	s25 =	sadd.s32 $0xC800, s1;
	_ =	strace $0x80000047;
	[dreg:$0x5] =	wrdreg s24  }
0xa: {  	s5 =	sadd.s32 $0x4800, s1;
	s26 =	sadd.s32 $0x10800, s1;
	[dreg:$0x6] =	wrdreg s25  }
0xb: {  	s4 =	sshll.u32 s2, $0x6;
	s2 =	ssub.s32 $0x2, s2;
	[dreg:$0x7] =	wrdreg s26  }
0xc: {  	s24 =	simm.s32 $0x6000;
	s25 =	simm.s32 $0x2;
	s26 =	simm.s32 $0xC  }
0xd: {  	s3 =	sor.u32 s4, s3;
	s4 =	sadd.s32 $0xF42C00, s1;
	s7 =	sshrl.u32 s2, $0x1  }
.Ltmp0:
0xe: {  	s21 =	sshll.u32 s3, $0x3;
	s22 =	sshrl.u32 s3, $0x3;
	(pc) =	sbr.rel .LBB2_1-.Ltmp0, $4  }
0xf: {  	v0 =	vlaneseq.u32;
	s2 =	ssub.s32 s2, s7;
	s7 =	simm.s32 $0x0;
	s0 =	sadd.s32 s0, s22  }
0x10: {  	v0 =	vmul.u32 $0x40, v0;
	s6 =	sadd.s32 s21, s1;
	s30 =	smax.u32 s2, $0x1;
	[dreg:$0x3] =	wrdreg s0  }
0x11: {  	s21 =	simm.s32 $0x5000;
	s23 =	sadd.s32 $0x800, s6;
	[dreg:$0x8] =	wrdreg s30  }
0x12: {  	v1 =	vor.u32 $0x400, v0;
	v2 =	vor.u32 $0x800, v0;
	v3 =	vor.u32 $0xC00, v0;
	s0 =	simm.s32 $0x4;
	s6 =	simm.s32 $0x6;
	[dreg:$0x4] =	wrdreg s23  }
.LBB2_36:
0x13: {  	s1 =	simm.s32 $0x9  }
0x14: {  	_ =	swait.ge [sflag:s1], $0x1000  }
0x15: {  	[sflag:s1] =	ssyncset.done $0x0  }
0x16: {  	s9 =	simm.s32 $0xA;
	[sflag:s1] =	ssyncadd.s32 $0xFFFFF000  }
0x17: {  	_ =	swait.ge [sflag:s9], $0x1000  }
0x18: {  	[sflag:s9] =	ssyncset.done $0x0  }
0x19: {  	s10 =	simm.s32 $0xB;
	[sflag:s9] =	ssyncadd.s32 $0xFFFFF000  }
0x1a: {  	_ =	swait.ge [sflag:s10], $0x1000  }
0x1b: {  	[sflag:s10] =	ssyncset.done $0x0  }
0x1c: {  	[sflag:s10] =	ssyncadd.s32 $0xFFFFF000  }
0x1d: {  	_ =	swait.ge [sflag:s26], $0x1000  }
0x1e: {  	[sflag:s26] =	ssyncset.done $0x0  }
0x1f: {  	s20 =	simm.s32 $0xD;
	[sflag:s26] =	ssyncadd.s32 $0xFFFFF000  }
0x20: {  	_ =	swait.ge [sflag:s20], $0x1000  }
0x21: {  	[sflag:s20] =	ssyncset.done $0x0  }
0x22: {  	s22 =	simm.s32 $0xE;
	[sflag:s20] =	ssyncadd.s32 $0xFFFFF000  }
0x23: {  	_ =	swait.ge [sflag:s22], $0x1000  }
0x24: {  	[sflag:s22] =	ssyncset.done $0x0  }
0x25: {  	s23 =	simm.s32 $0xF;
	[sflag:s22] =	ssyncadd.s32 $0xFFFFF000  }
0x26: {  	_ =	swait.ge [sflag:s23], $0x1000  }
0x27: {  	[sflag:s23] =	ssyncset.done $0x0  }
0x28: {  	s2 =	simm.s32 $0x10;
	[sflag:s23] =	ssyncadd.s32 $0xFFFFF000  }
0x29: {  	_ =	swait.ge [sflag:s2], $0x1000  }
0x2a: {  	s7 =	rddreg [dreg:$0x9]  }
0x2b: {  	s30 =	rddreg [dreg:$0x8];
	s7 =	sadd.s32 $0x1, s7  }
0x2c: {  	p0 =	sne.s32 s7, s30  }
.Ltmp1:
0x2d: {  	_ = 	snop;
	(pc) =	sbr.rel @!p0 .LBB2_37-.Ltmp1, $3  }
0x2e: {  	_ =	sdelay $0x1  }
0x2f: {  	[sflag:s2] =	ssyncset.done $0x0  }
0x30: {  	[sflag:s2] =	ssyncadd.s32 $0xFFFFF000  }
.LBB2_1:
0x31: {  	[dreg:$0x9] =	wrdreg s7  }
0x32: {  	s1 =	simm.s32 $0x0;
	s2 =	rddreg [dreg:$0x3];
	s10 =	simm.s32 $0x11  }
0x33: {  	[tilespmem:s1], [sflag:$0x11] =	stream.strided.gather [hbm4b:s2+s12], $0x1000, s13, s12, $0x38;
	[tilespmem:$0x12000] =	vst v63  }
0x34: {  	_ =	swait.ge [sflag:s10], $0x1000  }
0x35: {  	[sflag:s10] =	ssyncset.done $0x0  }
0x36: {  	s8 =	simm.s32 $0x1000;
	s20 =	rddreg [dreg:$0x4];
	[sflag:s10] =	ssyncadd.s32 $0xFFFFF000  }
0x37: {  	[tilespmem:s8], [sflag:$0x11] =	stream.linear.gather [hbm4b:s20+s1], $0x1000, $0x38;
	[tilespmem:$0x12000] =	vst v63  }
0x38: {  	_ =	swait.ge [sflag:s10], $0x1000  }
0x39: {  	[sflag:s10] =	ssyncset.done $0x0  }
0x3a: {  	[sflag:s10] =	ssyncadd.s32 $0xFFFFF000  }
0x3b: {  	[tilespmem:s16], [sflag:$0x1] =	stream.indirect.gather [hbm4b:s4+s12], $0x40, s1, s12, $0xb8;
	[tilespmem:$0x12000] =	vst v63  }
0x3c: {  	_ = 	snop  }
0x3d: {  	[tilespmem:s17], [sflag:$0x2] =	stream.indirect.gather [hbm4b:s4+s12], $0x40, s12, s12, $0xb8;
	[tilespmem:$0x12000] =	vst v63  }
0x3e: {  	s22 =	simm.s32 $0x80  }
0x3f: {  	[tilespmem:s19], [sflag:$0x3] =	stream.indirect.gather [hbm4b:s4+s12], $0x40, s22, s12, $0xb8;
	[tilespmem:$0x12000] =	vst v63  }
0x40: {  	s23 =	simm.s32 $0xC0;
	s30 =	simm.s32 $0x0  }
0x41: {  	[tilespmem:s21], [sflag:$0x4] =	stream.indirect.gather [hbm4b:s4+s12], $0x40, s23, s12, $0xb8;
	[tilespmem:$0x12000] =	vst v63  }
.LBB2_2:
0x42: {  	s1 =	simm.s32 $0x1  }
0x43: {  	_ =	swait.ge [sflag:s1], $0x1000  }
0x44: {  	[sflag:s1] =	ssyncset.done $0x0  }
0x45: {  	[sflag:s1] =	ssyncadd.s32 $0xFFFFF000;
	s1 =	simm.s32 $0x0  }
0x46: {  	v5 =	vld [tilespmem:s1+$0x1030]  }
0x47: {  	v6 =	vld [tilespmem:s1+$0x1000]  }
0x48: {  	v7 =	vld [tilespmem:s1+$0x1010]  }
0x49: {  	v4 =	vld [tilespmem:s1+$0x1020];
	_ =	sdelay $0x1  }
0x4a: {  	[tilespmem:s1+$0x2030] =	vst.add.f32.msk $0xffff, v5  }
0x4b: {  	[tilespmem:s1+$0x2000] =	vst.add.f32.msk $0xffff, v6  }
0x4c: {  	s7 =	simm.s32 $0x0;
	s2 =	simm.s32 $0x40;
	s8 =	simm.s32 $0x200;
	[tilespmem:s1+$0x2010] =	vst.add.f32.msk $0xffff, v7  }
.LBB2_3:
0x4d: {  	p0 =	sne.s32 s8, $0x3F00;
	v5 =	vld [tilespmem:s2+$0x1030];
	v6 =	vmov v4  }
0x4e: {  	v7 =	vld [tilespmem:s2+$0x1000]  }
0x4f: {  	v8 =	vld [tilespmem:s2+$0x1010]  }
.Ltmp2:
0x50: {  	v4 =	vld [tilespmem:s2+$0x1020];
	(pc) =	sbr.rel @p0 .LBB2_3-.Ltmp2, $4  }
0x51: {  	[tilespmem:s1+$0x2020] =	vst.add.f32.msk $0xffff, v6;
	s1 =	smov.u32 s2  }
0x52: {  	[tilespmem:s1+$0x2030] =	vst.add.f32.msk $0xffff, v5  }
0x53: {  	[tilespmem:s1+$0x2000] =	vst.add.f32.msk $0xffff, v7  }
0x54: {  	s2 =	sshra.s32 s8, $0x2;
	s8 =	sadd.s32 $0x100, s8;
	[tilespmem:s1+$0x2010] =	vst.add.f32.msk $0xffff, v8  }
0x55: {  	v5 =	vld [tilespmem:s2+$0x1030];
	v6 =	vmov s7  }
0x56: {  	v7 =	vld [tilespmem:s2+$0x1000];
	v6 =	vand.u32 $0x3F, v6  }
0x57: {  	v8 =	vld [tilespmem:s2+$0x1010];
	v6 =	vbroadcast v6, $0x0  }
0x58: {  	v9 =	vld [tilespmem:s2+$0x1020]  }
0x59: {  	[tilespmem:s1+$0x2020] =	vst.add.f32.msk $0xffff, v4;
	v4 =	vor.u32 v0, v6  }
0x5a: {  	[tilespmem:s2+$0x2030] =	vst.add.f32.msk $0xffff, v5  }
0x5b: {  	[tilespmem:s2+$0x2000] =	vst.add.f32.msk $0xffff, v7  }
0x5c: {  	[tilespmem:s2+$0x2010] =	vst.add.f32.msk $0xffff, v8  }
0x5d: {  	[tilespmem:s2+$0x2020] =	vst.add.f32.msk $0xffff, v9  }
0x5e: {  	v4 =	vld.idx.msk [tilespmem:v4+s16+$0x0], $0xffff  }
0x5f: {  	v5 =	vor.u32 v1, v6;
	_ =	sdelay $0x2  }
0x60: {  	s1 =	simm.s32 $0xA020  }
0x61: {  	[tilespmem:s1+$0xFFFFFFE0] =	vst v4  }
0x62: {  	v4 =	vld.idx.msk [tilespmem:v5+s16+$0x0], $0xffff  }
0x63: {  	v5 =	vor.u32 v2, v6;
	_ =	sdelay $0x3  }
0x64: {  	[tilespmem:s1+$0xFFFFFFF0] =	vst v4  }
0x65: {  	v5 =	vld.idx.msk [tilespmem:v5+s16+$0x0], $0xffff  }
0x66: {  	v4 =	vor.u32 v3, v6;
	_ =	sdelay $0x1  }
0x67: {  	s23 =	simm.s32 $0x1  }
0x68: {  	s2 =	simm.s32 $0x2;
	v6 =	vmov s23  }
.LBB2_5:
0x69: {  	p0 =	sne.s32 s2, $0x3F;
	v6 =	vand.u32 $0x3F, v6;
	[tilespmem:s1+$0x0] =	vst v5  }
0x6a: {  	v6 =	vbroadcast v6, $0x0;
	v4 =	vld.idx.msk [tilespmem:v4+s16+$0x0], $0xffff;
	_ =	sdelay $0x1  }
0x6b: {  	v5 =	vor.u32 v0, v6;
	_ =	sdelay $0x3  }
0x6c: {  	[tilespmem:s1+$0x10] =	vst v4  }
0x6d: {  	v4 =	vld.idx.msk [tilespmem:v5+s16+$0x0], $0xffff;
	_ =	sdelay $0x1  }
0x6e: {  	v5 =	vor.u32 v1, v6;
	_ =	sdelay $0x2  }
0x6f: {  	s1 =	sadd.s32 $0x40, s1  }
0x70: {  	[tilespmem:s1+$0xFFFFFFE0] =	vst v4  }
0x71: {  	v4 =	vld.idx.msk [tilespmem:v5+s16+$0x0], $0xffff;
	_ =	sdelay $0x1  }
0x72: {  	v5 =	vor.u32 v2, v6;
	_ =	sdelay $0x3  }
0x73: {  	[tilespmem:s1+$0xFFFFFFF0] =	vst v4  }
0x74: {  	v5 =	vld.idx.msk [tilespmem:v5+s16+$0x0], $0xffff  }
.Ltmp3:
0x75: {  	(pc) =	sbr.rel @p0 .LBB2_5-.Ltmp3, $2  }
0x76: {  	v4 =	vor.u32 v3, v6;
	_ =	sdelay $0x2  }
0x77: {  	v6 =	vmov s2;
	s2 =	sadd.s32 $0x1, s2  }
0x78: {  	_ =	sdelay $0x1  }
0x79: {  	v6 =	vand.u32 $0x3F, v6  }
0x7a: {  	[tilespmem:s1+$0x0] =	vst v5;
	v5 =	vbroadcast v6, $0x0  }
0x7b: {  	v4 =	vld.idx.msk [tilespmem:v4+s16+$0x0], $0xffff  }
0x7c: {  	v6 =	vor.u32 v0, v5;
	_ =	sdelay $0x3  }
0x7d: {  	[tilespmem:s1+$0x10] =	vst v4  }
0x7e: {  	v4 =	vld.idx.msk [tilespmem:v6+s16+$0x0], $0xffff  }
0x7f: {  	v6 =	vor.u32 v1, v5;
	_ =	sdelay $0x2  }
0x80: {  	s10 =	sadd.s32 $0x40, s1  }
0x81: {  	[tilespmem:s10+$0xFFFFFFE0] =	vst v4  }
0x82: {  	v4 =	vld.idx.msk [tilespmem:v6+s16+$0x0], $0xffff  }
0x83: {  	v6 =	vor.u32 v2, v5;
	_ =	sdelay $0x3  }
0x84: {  	[tilespmem:s10+$0xFFFFFFF0] =	vst v4  }
0x85: {  	v4 =	vld.idx.msk [tilespmem:v6+s16+$0x0], $0xffff  }
0x86: {  	v5 =	vor.u32 v3, v5;
	_ =	sdelay $0x3  }
0x87: {  	[tilespmem:s10+$0x0] =	vst v4  }
0x88: {  	v4 =	vld.idx.msk [tilespmem:v5+s16+$0x0], $0xffff;
	_ =	sdelay $0x1  }
0x89: {  	s2 =	sshll.u32 s30, $0x14  }
0x8a: {  	s2 =	sor.u32 s3, s2;
	s1 =	sshll.u32 s30, $0x3  }
0x8b: {  	s23 =	sshrl.u32 s2, $0x3;
	s20 =	sadd.s32 $0xFFFFFFF8, s1  }
0x8c: {  	s7 =	simm.s32 $0xA000;
	s2 =	sadd.s32 s5, s23;
	p0 =	sgt.u32 s20, $0x37;
	[tilespmem:s10+$0x10] =	vst v4  }
0x8d: {  	[hbm4b:s2+s12] =	stream.strided.scatter [tilespmem:s7], [sflag:$0x9], $0x1000, s13, s12, $0x38;
	[tilespmem:$0x12000] =	vst v63  }
0x8e: {  	s7 =	simm.s32 @!p0 $0xD  }
0x8f: {  	s2 =	sor.u32 $0x4, s1;
	_ =	swait.ge @!p0 [sflag:s7], $0x1000  }
0x90: {  	s8 =	sshll.u32 s2, $0x6;
	[sflag:s7] =	ssyncset.done @!p0 $0x0  }
0x91: {  	s22 =	sand.u32 $0x3FFFFFC0, s8;
	[sflag:s7] =	ssyncadd.s32 @!p0 $0xFFFFF000  }
0x92: {  	[tilespmem:s24], [sflag:$0x5] =	stream.indirect.gather [hbm4b:s4+s12], $0x40, s22, s12, $0xb8;
	[tilespmem:$0x12000] =	vst v63  }
0x93: {  	_ =	swait.ge [sflag:s25], $0x1000  }
0x94: {  	[sflag:s25] =	ssyncset.done $0x0  }
0x95: {  	s7 =	simm.s32 $0x0;
	[sflag:s25] =	ssyncadd.s32 $0xFFFFF000  }
0x96: {  	v5 =	vld [tilespmem:s7+$0x1030]  }
0x97: {  	v6 =	vld [tilespmem:s7+$0x1000]  }
0x98: {  	v7 =	vld [tilespmem:s7+$0x1010]  }
0x99: {  	v4 =	vld [tilespmem:s7+$0x1020];
	_ =	sdelay $0x1  }
0x9a: {  	[tilespmem:s7+$0x3030] =	vst.add.f32.msk $0xffff, v5  }
0x9b: {  	[tilespmem:s7+$0x3000] =	vst.add.f32.msk $0xffff, v6  }
0x9c: {  	s9 =	simm.s32 $0x0;
	s10 =	simm.s32 $0x200;
	s8 =	simm.s32 $0x40;
	[tilespmem:s7+$0x3010] =	vst.add.f32.msk $0xffff, v7  }
.LBB2_7:
0x9d: {  	p1 =	sne.s32 s10, $0x3F00;
	v5 =	vld [tilespmem:s8+$0x1030];
	v6 =	vmov v4  }
0x9e: {  	v7 =	vld [tilespmem:s8+$0x1000]  }
0x9f: {  	v8 =	vld [tilespmem:s8+$0x1010]  }
.Ltmp4:
0xa0: {  	v4 =	vld [tilespmem:s8+$0x1020];
	(pc) =	sbr.rel @p1 .LBB2_7-.Ltmp4, $4  }
0xa1: {  	[tilespmem:s7+$0x3020] =	vst.add.f32.msk $0xffff, v6;
	s7 =	smov.u32 s8  }
0xa2: {  	[tilespmem:s7+$0x3030] =	vst.add.f32.msk $0xffff, v5  }
0xa3: {  	[tilespmem:s7+$0x3000] =	vst.add.f32.msk $0xffff, v7  }
0xa4: {  	s8 =	sshra.s32 s10, $0x2;
	s10 =	sadd.s32 $0x100, s10;
	[tilespmem:s7+$0x3010] =	vst.add.f32.msk $0xffff, v8  }
0xa5: {  	v5 =	vld [tilespmem:s8+$0x1030];
	v6 =	vmov s9  }
0xa6: {  	v7 =	vld [tilespmem:s8+$0x1000];
	v6 =	vand.u32 $0x3F, v6  }
0xa7: {  	v8 =	vld [tilespmem:s8+$0x1010];
	v6 =	vbroadcast v6, $0x0  }
0xa8: {  	v9 =	vld [tilespmem:s8+$0x1020]  }
0xa9: {  	[tilespmem:s7+$0x3020] =	vst.add.f32.msk $0xffff, v4;
	v4 =	vor.u32 v0, v6  }
0xaa: {  	[tilespmem:s8+$0x3030] =	vst.add.f32.msk $0xffff, v5  }
0xab: {  	[tilespmem:s8+$0x3000] =	vst.add.f32.msk $0xffff, v7  }
0xac: {  	[tilespmem:s8+$0x3010] =	vst.add.f32.msk $0xffff, v8  }
0xad: {  	[tilespmem:s8+$0x3020] =	vst.add.f32.msk $0xffff, v9  }
0xae: {  	v4 =	vld.idx.msk [tilespmem:v4+s17+$0x0], $0xffff  }
0xaf: {  	v5 =	vor.u32 v1, v6;
	_ =	sdelay $0x2  }
0xb0: {  	s7 =	simm.s32 $0xB030  }
0xb1: {  	[tilespmem:s7+$0xFFFFFFD0] =	vst v4  }
0xb2: {  	v4 =	vld.idx.msk [tilespmem:v5+s17+$0x0], $0xffff  }
0xb3: {  	v5 =	vor.u32 v2, v6;
	_ =	sdelay $0x3  }
0xb4: {  	[tilespmem:s7+$0xFFFFFFE0] =	vst v4  }
0xb5: {  	v5 =	vld.idx.msk [tilespmem:v5+s17+$0x0], $0xffff  }
0xb6: {  	v4 =	vor.u32 v3, v6;
	_ =	sdelay $0x1  }
0xb7: {  	s22 =	simm.s32 $0x1  }
0xb8: {  	s8 =	simm.s32 $0x2;
	v6 =	vmov s22  }
.LBB2_9:
0xb9: {  	p1 =	sne.s32 s8, $0x3F;
	v6 =	vand.u32 $0x3F, v6;
	[tilespmem:s7+$0xFFFFFFF0] =	vst v5  }
0xba: {  	v6 =	vbroadcast v6, $0x0;
	v4 =	vld.idx.msk [tilespmem:v4+s17+$0x0], $0xffff;
	_ =	sdelay $0x1  }
0xbb: {  	v5 =	vor.u32 v0, v6;
	_ =	sdelay $0x3  }
0xbc: {  	[tilespmem:s7+$0x0] =	vst v4  }
0xbd: {  	v4 =	vld.idx.msk [tilespmem:v5+s17+$0x0], $0xffff;
	_ =	sdelay $0x1  }
0xbe: {  	v5 =	vor.u32 v1, v6;
	_ =	sdelay $0x2  }
0xbf: {  	s7 =	sadd.s32 $0x40, s7  }
0xc0: {  	[tilespmem:s7+$0xFFFFFFD0] =	vst v4  }
0xc1: {  	v4 =	vld.idx.msk [tilespmem:v5+s17+$0x0], $0xffff;
	_ =	sdelay $0x1  }
0xc2: {  	v5 =	vor.u32 v2, v6;
	_ =	sdelay $0x3  }
0xc3: {  	[tilespmem:s7+$0xFFFFFFE0] =	vst v4  }
0xc4: {  	v5 =	vld.idx.msk [tilespmem:v5+s17+$0x0], $0xffff  }
.Ltmp5:
0xc5: {  	(pc) =	sbr.rel @p1 .LBB2_9-.Ltmp5, $2  }
0xc6: {  	v4 =	vor.u32 v3, v6;
	_ =	sdelay $0x2  }
0xc7: {  	v6 =	vmov s8;
	s8 =	sadd.s32 $0x1, s8  }
0xc8: {  	_ =	sdelay $0x1  }
0xc9: {  	v6 =	vand.u32 $0x3F, v6  }
0xca: {  	[tilespmem:s7+$0xFFFFFFF0] =	vst v5;
	v5 =	vbroadcast v6, $0x0  }
0xcb: {  	v4 =	vld.idx.msk [tilespmem:v4+s17+$0x0], $0xffff  }
0xcc: {  	v6 =	vor.u32 v0, v5;
	_ =	sdelay $0x3  }
0xcd: {  	[tilespmem:s7+$0x0] =	vst v4  }
0xce: {  	v4 =	vld.idx.msk [tilespmem:v6+s17+$0x0], $0xffff  }
0xcf: {  	v6 =	vor.u32 v1, v5;
	_ =	sdelay $0x2  }
0xd0: {  	s10 =	sadd.s32 $0x40, s7  }
0xd1: {  	[tilespmem:s10+$0xFFFFFFD0] =	vst v4  }
0xd2: {  	v4 =	vld.idx.msk [tilespmem:v6+s17+$0x0], $0xffff  }
0xd3: {  	v6 =	vor.u32 v2, v5;
	_ =	sdelay $0x3  }
0xd4: {  	[tilespmem:s10+$0xFFFFFFE0] =	vst v4  }
0xd5: {  	v4 =	vld.idx.msk [tilespmem:v6+s17+$0x0], $0xffff  }
0xd6: {  	v5 =	vor.u32 v3, v5;
	_ =	sdelay $0x3  }
0xd7: {  	[tilespmem:s10+$0xFFFFFFF0] =	vst v4  }
0xd8: {  	v4 =	vld.idx.msk [tilespmem:v5+s17+$0x0], $0xffff;
	_ =	sdelay $0x3  }
0xd9: {  	s20 =	rddreg [dreg:$0x5]  }
0xda: {  	s8 =	simm.s32 $0xB000;
	s7 =	sadd.s32 s23, s20;
	[tilespmem:s10+$0x0] =	vst v4  }
0xdb: {  	[hbm4b:s7+s12] =	stream.strided.scatter [tilespmem:s8], [sflag:$0xA], $0x1000, s13, s12, $0x38;
	[tilespmem:$0x12000] =	vst v63  }
0xdc: {  	s8 =	simm.s32 @!p0 $0xE  }
0xdd: {  	s7 =	sor.u32 $0x5, s1;
	_ =	swait.ge @!p0 [sflag:s8], $0x1000  }
0xde: {  	s9 =	sshll.u32 s7, $0x6;
	[sflag:s8] =	ssyncset.done @!p0 $0x0  }
0xdf: {  	s22 =	sand.u32 $0x3FFFFFC0, s9;
	[sflag:s8] =	ssyncadd.s32 @!p0 $0xFFFFF000  }
0xe0: {  	[tilespmem:s28], [sflag:$0x6] =	stream.indirect.gather [hbm4b:s4+s12], $0x40, s22, s12, $0xb8;
	[tilespmem:$0x12000] =	vst v63  }
0xe1: {  	_ =	swait.ge [sflag:s29], $0x1000  }
0xe2: {  	[sflag:s29] =	ssyncset.done $0x0  }
0xe3: {  	s8 =	simm.s32 $0x0;
	[sflag:s29] =	ssyncadd.s32 $0xFFFFF000  }
0xe4: {  	v5 =	vld [tilespmem:s8+$0x1030]  }
0xe5: {  	v6 =	vld [tilespmem:s8+$0x1000]  }
0xe6: {  	v7 =	vld [tilespmem:s8+$0x1010]  }
0xe7: {  	v4 =	vld [tilespmem:s8+$0x1020];
	_ =	sdelay $0x1  }
0xe8: {  	[tilespmem:s8+$0x4030] =	vst.add.f32.msk $0xffff, v5  }
0xe9: {  	[tilespmem:s8+$0x4000] =	vst.add.f32.msk $0xffff, v6  }
0xea: {  	s20 =	simm.s32 $0x0;
	s10 =	simm.s32 $0x200;
	s9 =	simm.s32 $0x40;
	[tilespmem:s8+$0x4010] =	vst.add.f32.msk $0xffff, v7  }
.LBB2_11:
0xeb: {  	p1 =	sne.s32 s10, $0x3F00;
	v5 =	vld [tilespmem:s9+$0x1030];
	v6 =	vmov v4  }
0xec: {  	v7 =	vld [tilespmem:s9+$0x1000]  }
0xed: {  	v8 =	vld [tilespmem:s9+$0x1010]  }
.Ltmp6:
0xee: {  	v4 =	vld [tilespmem:s9+$0x1020];
	(pc) =	sbr.rel @p1 .LBB2_11-.Ltmp6, $4  }
0xef: {  	[tilespmem:s8+$0x4020] =	vst.add.f32.msk $0xffff, v6;
	s8 =	smov.u32 s9  }
0xf0: {  	[tilespmem:s8+$0x4030] =	vst.add.f32.msk $0xffff, v5  }
0xf1: {  	[tilespmem:s8+$0x4000] =	vst.add.f32.msk $0xffff, v7  }
0xf2: {  	s9 =	sshra.s32 s10, $0x2;
	s10 =	sadd.s32 $0x100, s10;
	[tilespmem:s8+$0x4010] =	vst.add.f32.msk $0xffff, v8  }
0xf3: {  	v5 =	vld [tilespmem:s9+$0x1030];
	v6 =	vmov s20  }
0xf4: {  	v7 =	vld [tilespmem:s9+$0x1000];
	v6 =	vand.u32 $0x3F, v6  }
0xf5: {  	v8 =	vld [tilespmem:s9+$0x1010];
	v6 =	vbroadcast v6, $0x0  }
0xf6: {  	v9 =	vld [tilespmem:s9+$0x1020]  }
0xf7: {  	[tilespmem:s8+$0x4020] =	vst.add.f32.msk $0xffff, v4;
	v4 =	vor.u32 v0, v6  }
0xf8: {  	[tilespmem:s9+$0x4030] =	vst.add.f32.msk $0xffff, v5  }
0xf9: {  	[tilespmem:s9+$0x4000] =	vst.add.f32.msk $0xffff, v7  }
0xfa: {  	[tilespmem:s9+$0x4010] =	vst.add.f32.msk $0xffff, v8  }
0xfb: {  	[tilespmem:s9+$0x4020] =	vst.add.f32.msk $0xffff, v9  }
0xfc: {  	v4 =	vld.idx.msk [tilespmem:v4+s19+$0x0], $0xffff  }
0xfd: {  	v5 =	vor.u32 v1, v6;
	_ =	sdelay $0x2  }
0xfe: {  	s20 =	simm.s32 $0xC030  }
0xff: {  	[tilespmem:s20+$0xFFFFFFD0] =	vst v4  }
0x100: {  	v4 =	vld.idx.msk [tilespmem:v5+s19+$0x0], $0xffff  }
0x101: {  	v5 =	vor.u32 v2, v6;
	_ =	sdelay $0x3  }
0x102: {  	[tilespmem:s20+$0xFFFFFFE0] =	vst v4  }
0x103: {  	v5 =	vld.idx.msk [tilespmem:v5+s19+$0x0], $0xffff  }
0x104: {  	v4 =	vor.u32 v3, v6;
	_ =	sdelay $0x1  }
0x105: {  	s22 =	simm.s32 $0x1  }
0x106: {  	s8 =	simm.s32 $0x2;
	v6 =	vmov s22  }
.LBB2_13:
0x107: {  	p1 =	sne.s32 s8, $0x3F;
	v6 =	vand.u32 $0x3F, v6;
	[tilespmem:s20+$0xFFFFFFF0] =	vst v5  }
0x108: {  	v6 =	vbroadcast v6, $0x0;
	v4 =	vld.idx.msk [tilespmem:v4+s19+$0x0], $0xffff;
	_ =	sdelay $0x1  }
0x109: {  	v5 =	vor.u32 v0, v6;
	_ =	sdelay $0x3  }
0x10a: {  	[tilespmem:s20+$0x0] =	vst v4  }
0x10b: {  	v4 =	vld.idx.msk [tilespmem:v5+s19+$0x0], $0xffff;
	_ =	sdelay $0x1  }
0x10c: {  	v5 =	vor.u32 v1, v6;
	_ =	sdelay $0x2  }
0x10d: {  	s20 =	sadd.s32 $0x40, s20  }
0x10e: {  	[tilespmem:s20+$0xFFFFFFD0] =	vst v4  }
0x10f: {  	v4 =	vld.idx.msk [tilespmem:v5+s19+$0x0], $0xffff;
	_ =	sdelay $0x1  }
0x110: {  	v5 =	vor.u32 v2, v6;
	_ =	sdelay $0x3  }
0x111: {  	[tilespmem:s20+$0xFFFFFFE0] =	vst v4  }
0x112: {  	v5 =	vld.idx.msk [tilespmem:v5+s19+$0x0], $0xffff  }
.Ltmp7:
0x113: {  	(pc) =	sbr.rel @p1 .LBB2_13-.Ltmp7, $2  }
0x114: {  	v4 =	vor.u32 v3, v6;
	_ =	sdelay $0x2  }
0x115: {  	v6 =	vmov s8;
	s8 =	sadd.s32 $0x1, s8  }
0x116: {  	_ =	sdelay $0x1  }
0x117: {  	v6 =	vand.u32 $0x3F, v6  }
0x118: {  	[tilespmem:s20+$0xFFFFFFF0] =	vst v5;
	v5 =	vbroadcast v6, $0x0  }
0x119: {  	v4 =	vld.idx.msk [tilespmem:v4+s19+$0x0], $0xffff  }
0x11a: {  	v6 =	vor.u32 v0, v5;
	_ =	sdelay $0x3  }
0x11b: {  	[tilespmem:s20+$0x0] =	vst v4  }
0x11c: {  	v4 =	vld.idx.msk [tilespmem:v6+s19+$0x0], $0xffff  }
0x11d: {  	v6 =	vor.u32 v1, v5;
	_ =	sdelay $0x2  }
0x11e: {  	s8 =	sadd.s32 $0x40, s20  }
0x11f: {  	[tilespmem:s8+$0xFFFFFFD0] =	vst v4  }
0x120: {  	v4 =	vld.idx.msk [tilespmem:v6+s19+$0x0], $0xffff  }
0x121: {  	v6 =	vor.u32 v2, v5;
	_ =	sdelay $0x3  }
0x122: {  	[tilespmem:s8+$0xFFFFFFE0] =	vst v4  }
0x123: {  	v4 =	vld.idx.msk [tilespmem:v6+s19+$0x0], $0xffff  }
0x124: {  	v5 =	vor.u32 v3, v5;
	_ =	sdelay $0x3  }
0x125: {  	[tilespmem:s8+$0xFFFFFFF0] =	vst v4  }
0x126: {  	v4 =	vld.idx.msk [tilespmem:v5+s19+$0x0], $0xffff;
	_ =	sdelay $0x3  }
0x127: {  	s9 =	rddreg [dreg:$0x6]  }
0x128: {  	[tilespmem:s8+$0x0] =	vst v4;
	s8 =	sadd.s32 s23, s9;
	s9 =	simm.s32 $0xC000  }
0x129: {  	[hbm4b:s8+s12] =	stream.strided.scatter [tilespmem:s9], [sflag:$0xB], $0x1000, s13, s12, $0x38;
	[tilespmem:$0x12000] =	vst v63  }
0x12a: {  	s8 =	simm.s32 @!p0 $0xF  }
0x12b: {  	s20 =	sor.u32 $0x6, s1;
	_ =	swait.ge @!p0 [sflag:s8], $0x1000  }
0x12c: {  	s10 =	sshll.u32 s20, $0x6;
	[sflag:s8] =	ssyncset.done @!p0 $0x0  }
0x12d: {  	s22 =	sand.u32 $0x3FFFFFC0, s10;
	[sflag:s8] =	ssyncadd.s32 @!p0 $0xFFFFF000  }
0x12e: {  	[tilespmem:s31], [sflag:$0x7] =	stream.indirect.gather [hbm4b:s4+s12], $0x40, s22, s12, $0xb8;
	[tilespmem:$0x12000] =	vst v63  }
0x12f: {  	_ =	swait.ge [sflag:s0], $0x1000  }
0x130: {  	[sflag:s0] =	ssyncset.done $0x0  }
0x131: {  	s8 =	simm.s32 $0x0;
	[sflag:s0] =	ssyncadd.s32 $0xFFFFF000  }
0x132: {  	v5 =	vld [tilespmem:s8+$0x1030]  }
0x133: {  	v6 =	vld [tilespmem:s8+$0x1000]  }
0x134: {  	v7 =	vld [tilespmem:s8+$0x1010]  }
0x135: {  	v4 =	vld [tilespmem:s8+$0x1020];
	_ =	sdelay $0x1  }
0x136: {  	[tilespmem:s8+$0x5030] =	vst.add.f32.msk $0xffff, v5  }
0x137: {  	[tilespmem:s8+$0x5000] =	vst.add.f32.msk $0xffff, v6  }
0x138: {  	s10 =	simm.s32 $0x0;
	s9 =	simm.s32 $0x40;
	s22 =	simm.s32 $0x200;
	[tilespmem:s8+$0x5010] =	vst.add.f32.msk $0xffff, v7  }
.LBB2_15:
0x139: {  	p0 =	sne.s32 s22, $0x3F00;
	v5 =	vld [tilespmem:s9+$0x1030];
	v6 =	vmov v4  }
0x13a: {  	v7 =	vld [tilespmem:s9+$0x1000]  }
0x13b: {  	v8 =	vld [tilespmem:s9+$0x1010]  }
.Ltmp8:
0x13c: {  	v4 =	vld [tilespmem:s9+$0x1020];
	(pc) =	sbr.rel @p0 .LBB2_15-.Ltmp8, $4  }
0x13d: {  	[tilespmem:s8+$0x5020] =	vst.add.f32.msk $0xffff, v6;
	s8 =	smov.u32 s9  }
0x13e: {  	[tilespmem:s8+$0x5030] =	vst.add.f32.msk $0xffff, v5  }
0x13f: {  	[tilespmem:s8+$0x5000] =	vst.add.f32.msk $0xffff, v7  }
0x140: {  	s9 =	sshra.s32 s22, $0x2;
	s22 =	sadd.s32 $0x100, s22;
	[tilespmem:s8+$0x5010] =	vst.add.f32.msk $0xffff, v8  }
0x141: {  	v5 =	vld [tilespmem:s9+$0x1030];
	v6 =	vmov s10  }
0x142: {  	v7 =	vld [tilespmem:s9+$0x1000];
	v6 =	vand.u32 $0x3F, v6  }
0x143: {  	v8 =	vld [tilespmem:s9+$0x1010];
	v6 =	vbroadcast v6, $0x0  }
0x144: {  	v9 =	vld [tilespmem:s9+$0x1020]  }
0x145: {  	[tilespmem:s8+$0x5020] =	vst.add.f32.msk $0xffff, v4;
	v4 =	vor.u32 v0, v6  }
0x146: {  	[tilespmem:s9+$0x5030] =	vst.add.f32.msk $0xffff, v5  }
0x147: {  	[tilespmem:s9+$0x5000] =	vst.add.f32.msk $0xffff, v7  }
0x148: {  	[tilespmem:s9+$0x5010] =	vst.add.f32.msk $0xffff, v8  }
0x149: {  	[tilespmem:s9+$0x5020] =	vst.add.f32.msk $0xffff, v9  }
0x14a: {  	v4 =	vld.idx.msk [tilespmem:v4+s21+$0x0], $0xffff  }
0x14b: {  	v5 =	vor.u32 v1, v6;
	_ =	sdelay $0x2  }
0x14c: {  	s8 =	simm.s32 $0xD030  }
0x14d: {  	[tilespmem:s8+$0xFFFFFFD0] =	vst v4  }
0x14e: {  	v4 =	vld.idx.msk [tilespmem:v5+s21+$0x0], $0xffff  }
0x14f: {  	v5 =	vor.u32 v2, v6;
	_ =	sdelay $0x3  }
0x150: {  	[tilespmem:s8+$0xFFFFFFE0] =	vst v4  }
0x151: {  	v5 =	vld.idx.msk [tilespmem:v5+s21+$0x0], $0xffff  }
0x152: {  	v4 =	vor.u32 v3, v6;
	_ =	sdelay $0x1  }
0x153: {  	s22 =	simm.s32 $0x1  }
0x154: {  	s9 =	simm.s32 $0x2;
	v6 =	vmov s22  }
.LBB2_17:
0x155: {  	p0 =	sne.s32 s9, $0x3F;
	v6 =	vand.u32 $0x3F, v6;
	[tilespmem:s8+$0xFFFFFFF0] =	vst v5  }
0x156: {  	v6 =	vbroadcast v6, $0x0;
	v4 =	vld.idx.msk [tilespmem:v4+s21+$0x0], $0xffff;
	_ =	sdelay $0x1  }
0x157: {  	v5 =	vor.u32 v0, v6;
	_ =	sdelay $0x3  }
0x158: {  	[tilespmem:s8+$0x0] =	vst v4  }
0x159: {  	v4 =	vld.idx.msk [tilespmem:v5+s21+$0x0], $0xffff;
	_ =	sdelay $0x1  }
0x15a: {  	v5 =	vor.u32 v1, v6;
	_ =	sdelay $0x2  }
0x15b: {  	s8 =	sadd.s32 $0x40, s8  }
0x15c: {  	[tilespmem:s8+$0xFFFFFFD0] =	vst v4  }
0x15d: {  	v4 =	vld.idx.msk [tilespmem:v5+s21+$0x0], $0xffff;
	_ =	sdelay $0x1  }
0x15e: {  	v5 =	vor.u32 v2, v6;
	_ =	sdelay $0x3  }
0x15f: {  	[tilespmem:s8+$0xFFFFFFE0] =	vst v4  }
0x160: {  	v5 =	vld.idx.msk [tilespmem:v5+s21+$0x0], $0xffff  }
.Ltmp9:
0x161: {  	(pc) =	sbr.rel @p0 .LBB2_17-.Ltmp9, $2  }
0x162: {  	v4 =	vor.u32 v3, v6;
	_ =	sdelay $0x2  }
0x163: {  	v6 =	vmov s9;
	s9 =	sadd.s32 $0x1, s9  }
0x164: {  	_ =	sdelay $0x1  }
0x165: {  	v6 =	vand.u32 $0x3F, v6  }
0x166: {  	[tilespmem:s8+$0xFFFFFFF0] =	vst v5;
	v5 =	vbroadcast v6, $0x0  }
0x167: {  	v4 =	vld.idx.msk [tilespmem:v4+s21+$0x0], $0xffff  }
0x168: {  	v6 =	vor.u32 v0, v5;
	_ =	sdelay $0x3  }
0x169: {  	[tilespmem:s8+$0x0] =	vst v4  }
0x16a: {  	v4 =	vld.idx.msk [tilespmem:v6+s21+$0x0], $0xffff  }
0x16b: {  	v6 =	vor.u32 v1, v5;
	_ =	sdelay $0x2  }
0x16c: {  	s9 =	sadd.s32 $0x40, s8  }
0x16d: {  	[tilespmem:s9+$0xFFFFFFD0] =	vst v4  }
0x16e: {  	v4 =	vld.idx.msk [tilespmem:v6+s21+$0x0], $0xffff  }
0x16f: {  	v6 =	vor.u32 v2, v5;
	_ =	sdelay $0x3  }
0x170: {  	[tilespmem:s9+$0xFFFFFFE0] =	vst v4  }
0x171: {  	v4 =	vld.idx.msk [tilespmem:v6+s21+$0x0], $0xffff  }
0x172: {  	v5 =	vor.u32 v3, v5;
	_ =	sdelay $0x3  }
0x173: {  	[tilespmem:s9+$0xFFFFFFF0] =	vst v4  }
0x174: {  	v4 =	vld.idx.msk [tilespmem:v5+s21+$0x0], $0xffff;
	_ =	sdelay $0x3  }
0x175: {  	s10 =	rddreg [dreg:$0x7]  }
0x176: {  	p0 =	seq.s32 s30, $0x0;
	s8 =	sadd.s32 s23, s10;
	[tilespmem:s9+$0x0] =	vst v4;
	s9 =	simm.s32 $0xD000  }
0x177: {  	[hbm4b:s8+s12] =	stream.strided.scatter [tilespmem:s9], [sflag:$0xC], $0x1000, s13, s12, $0x38;
	[tilespmem:$0x12000] =	vst v63  }
0x178: {  	s8 =	simm.s32 @!p0 $0x10  }
0x179: {  	s1 =	sor.u32 $0x7, s1;
	_ =	swait.ge @!p0 [sflag:s8], $0x1000  }
0x17a: {  	s22 =	sshll.u32 s1, $0x6;
	[sflag:s8] =	ssyncset.done @!p0 $0x0  }
0x17b: {  	s23 =	sand.u32 $0x3FFFFFC0, s22;
	[sflag:s8] =	ssyncadd.s32 @!p0 $0xFFFFF000  }
0x17c: {  	[tilespmem:s15], [sflag:$0x8] =	stream.indirect.gather [hbm4b:s4+s12], $0x40, s23, s12, $0xb8;
	[tilespmem:$0x12000] =	vst v63  }
0x17d: {  	_ =	swait.ge [sflag:s18], $0x1000  }
0x17e: {  	[sflag:s18] =	ssyncset.done $0x0  }
0x17f: {  	s8 =	simm.s32 $0x0;
	[sflag:s18] =	ssyncadd.s32 $0xFFFFF000  }
0x180: {  	v5 =	vld [tilespmem:s8+$0x1030]  }
0x181: {  	v6 =	vld [tilespmem:s8+$0x1000]  }
0x182: {  	v7 =	vld [tilespmem:s8+$0x1010]  }
0x183: {  	v4 =	vld [tilespmem:s8+$0x1020];
	_ =	sdelay $0x1  }
0x184: {  	[tilespmem:s8+$0x6030] =	vst.add.f32.msk $0xffff, v5  }
0x185: {  	[tilespmem:s8+$0x6000] =	vst.add.f32.msk $0xffff, v6  }
0x186: {  	s10 =	simm.s32 $0x0;
	s22 =	simm.s32 $0x200;
	s9 =	simm.s32 $0x40;
	[tilespmem:s8+$0x6010] =	vst.add.f32.msk $0xffff, v7  }
.LBB2_19:
0x187: {  	p0 =	sne.s32 s22, $0x3F00;
	v5 =	vld [tilespmem:s9+$0x1030];
	v6 =	vmov v4  }
0x188: {  	v7 =	vld [tilespmem:s9+$0x1000]  }
0x189: {  	v8 =	vld [tilespmem:s9+$0x1010]  }
.Ltmp10:
0x18a: {  	v4 =	vld [tilespmem:s9+$0x1020];
	(pc) =	sbr.rel @p0 .LBB2_19-.Ltmp10, $4  }
0x18b: {  	[tilespmem:s8+$0x6020] =	vst.add.f32.msk $0xffff, v6;
	s8 =	smov.u32 s9  }
0x18c: {  	[tilespmem:s8+$0x6030] =	vst.add.f32.msk $0xffff, v5  }
0x18d: {  	[tilespmem:s8+$0x6000] =	vst.add.f32.msk $0xffff, v7  }
0x18e: {  	s9 =	sshra.s32 s22, $0x2;
	s22 =	sadd.s32 $0x100, s22;
	[tilespmem:s8+$0x6010] =	vst.add.f32.msk $0xffff, v8  }
0x18f: {  	v5 =	vld [tilespmem:s9+$0x1030];
	v6 =	vmov s10  }
0x190: {  	v7 =	vld [tilespmem:s9+$0x1000];
	v6 =	vand.u32 $0x3F, v6  }
0x191: {  	v8 =	vld [tilespmem:s9+$0x1010];
	v6 =	vbroadcast v6, $0x0  }
0x192: {  	v9 =	vld [tilespmem:s9+$0x1020]  }
0x193: {  	[tilespmem:s8+$0x6020] =	vst.add.f32.msk $0xffff, v4;
	v4 =	vor.u32 v0, v6  }
0x194: {  	[tilespmem:s9+$0x6030] =	vst.add.f32.msk $0xffff, v5  }
0x195: {  	[tilespmem:s9+$0x6000] =	vst.add.f32.msk $0xffff, v7  }
0x196: {  	[tilespmem:s9+$0x6010] =	vst.add.f32.msk $0xffff, v8  }
0x197: {  	[tilespmem:s9+$0x6020] =	vst.add.f32.msk $0xffff, v9  }
0x198: {  	v4 =	vld.idx.msk [tilespmem:v4+s24+$0x0], $0xffff  }
0x199: {  	v5 =	vor.u32 v1, v6;
	_ =	sdelay $0x2  }
0x19a: {  	s8 =	simm.s32 $0xE000  }
0x19b: {  	[tilespmem:s8+$0x0] =	vst v4  }
0x19c: {  	v4 =	vld.idx.msk [tilespmem:v5+s24+$0x0], $0xffff  }
0x19d: {  	v5 =	vor.u32 v2, v6;
	_ =	sdelay $0x3  }
0x19e: {  	[tilespmem:s8+$0x10] =	vst v4  }
0x19f: {  	v5 =	vld.idx.msk [tilespmem:v5+s24+$0x0], $0xffff  }
0x1a0: {  	v4 =	vor.u32 v3, v6;
	_ =	sdelay $0x1  }
0x1a1: {  	s23 =	simm.s32 $0x1  }
0x1a2: {  	s9 =	simm.s32 $0x2;
	v6 =	vmov s23  }
.LBB2_21:
0x1a3: {  	p0 =	sne.s32 s9, $0x3F;
	v6 =	vand.u32 $0x3F, v6;
	[tilespmem:s8+$0x20] =	vst v5  }
0x1a4: {  	v6 =	vbroadcast v6, $0x0;
	v4 =	vld.idx.msk [tilespmem:v4+s24+$0x0], $0xffff;
	_ =	sdelay $0x1  }
0x1a5: {  	v5 =	vor.u32 v0, v6;
	_ =	sdelay $0x3  }
0x1a6: {  	[tilespmem:s8+$0x30] =	vst v4  }
0x1a7: {  	v4 =	vld.idx.msk [tilespmem:v5+s24+$0x0], $0xffff;
	_ =	sdelay $0x1  }
0x1a8: {  	v5 =	vor.u32 v1, v6;
	_ =	sdelay $0x2  }
0x1a9: {  	s8 =	sadd.s32 $0x40, s8  }
0x1aa: {  	[tilespmem:s8+$0x0] =	vst v4  }
0x1ab: {  	v4 =	vld.idx.msk [tilespmem:v5+s24+$0x0], $0xffff;
	_ =	sdelay $0x1  }
0x1ac: {  	v5 =	vor.u32 v2, v6;
	_ =	sdelay $0x3  }
0x1ad: {  	[tilespmem:s8+$0x10] =	vst v4  }
0x1ae: {  	v5 =	vld.idx.msk [tilespmem:v5+s24+$0x0], $0xffff  }
.Ltmp11:
0x1af: {  	(pc) =	sbr.rel @p0 .LBB2_21-.Ltmp11, $2  }
0x1b0: {  	v4 =	vor.u32 v3, v6;
	_ =	sdelay $0x2  }
0x1b1: {  	v6 =	vmov s9;
	s9 =	sadd.s32 $0x1, s9  }
0x1b2: {  	_ =	sdelay $0x1  }
0x1b3: {  	v6 =	vand.u32 $0x3F, v6  }
0x1b4: {  	[tilespmem:s8+$0x20] =	vst v5;
	v5 =	vbroadcast v6, $0x0  }
0x1b5: {  	v4 =	vld.idx.msk [tilespmem:v4+s24+$0x0], $0xffff  }
0x1b6: {  	v6 =	vor.u32 v0, v5;
	_ =	sdelay $0x3  }
0x1b7: {  	[tilespmem:s8+$0x30] =	vst v4  }
0x1b8: {  	v4 =	vld.idx.msk [tilespmem:v6+s24+$0x0], $0xffff  }
0x1b9: {  	v6 =	vor.u32 v1, v5;
	_ =	sdelay $0x2  }
0x1ba: {  	s22 =	sadd.s32 $0x40, s8  }
0x1bb: {  	[tilespmem:s22+$0x0] =	vst v4  }
0x1bc: {  	v4 =	vld.idx.msk [tilespmem:v6+s24+$0x0], $0xffff  }
0x1bd: {  	v6 =	vor.u32 v2, v5;
	_ =	sdelay $0x3  }
0x1be: {  	[tilespmem:s22+$0x10] =	vst v4  }
0x1bf: {  	v4 =	vld.idx.msk [tilespmem:v6+s24+$0x0], $0xffff  }
0x1c0: {  	v5 =	vor.u32 v3, v5;
	_ =	sdelay $0x3  }
0x1c1: {  	[tilespmem:s22+$0x20] =	vst v4  }
0x1c2: {  	v4 =	vld.idx.msk [tilespmem:v5+s24+$0x0], $0xffff;
	_ =	sdelay $0x1  }
0x1c3: {  	s2 =	sshll.u32 s2, $0x11  }
0x1c4: {  	s2 =	sor.u32 s3, s2  }
0x1c5: {  	s2 =	sshrl.u32 s2, $0x3  }
0x1c6: {  	s23 =	simm.s32 $0xE000;
	p0 =	seq.s32 s30, $0x7;
	s2 =	sadd.s32 s5, s2;
	[tilespmem:s22+$0x30] =	vst v4  }
0x1c7: {  	[hbm4b:s2+s12] =	stream.strided.scatter [tilespmem:s23], [sflag:$0xD], $0x1000, s13, s12, $0x38;
	[tilespmem:$0x12000] =	vst v63  }
0x1c8: {  	s2 =	simm.s32 @!p0 $0x9  }
0x1c9: {  	_ =	swait.ge @!p0 [sflag:s2], $0x1000  }
0x1ca: {  	s8 =	sshll.u32 @!p0 s30, $0x9;
	[sflag:s2] =	ssyncset.done @!p0 $0x0  }
0x1cb: {  	[sflag:s2] =	ssyncadd.s32 @!p0 $0xFFFFF000;
	s2 =	sand.u32 @!p0 $0x3FFFFE00, s8  }
0x1cc: {  	s9 =	simm.s32 @!p0 $0x40;
	s10 =	simm.s32 @!p0 $0x2000;
	s8 =	sadd.s32 @!p0 $0x200, s2  }
0x1cd: {  	[tilespmem:s10], [sflag:$0x1] =	stream.indirect.gather @!p0 [hbm4b:s4+s9], $0x40, s8, s9, $0xb8;
	[tilespmem:$0x12000] =	vst v63  }
0x1ce: {  	_ =	swait.ge [sflag:s6], $0x1000  }
0x1cf: {  	[sflag:s6] =	ssyncset.done $0x0  }
0x1d0: {  	s8 =	simm.s32 $0x0;
	[sflag:s6] =	ssyncadd.s32 $0xFFFFF000  }
0x1d1: {  	v5 =	vld [tilespmem:s8+$0x1030]  }
0x1d2: {  	v6 =	vld [tilespmem:s8+$0x1000]  }
0x1d3: {  	v7 =	vld [tilespmem:s8+$0x1010]  }
0x1d4: {  	v4 =	vld [tilespmem:s8+$0x1020];
	_ =	sdelay $0x1  }
0x1d5: {  	[tilespmem:s8+$0x7030] =	vst.add.f32.msk $0xffff, v5  }
0x1d6: {  	[tilespmem:s8+$0x7000] =	vst.add.f32.msk $0xffff, v6  }
0x1d7: {  	s22 =	simm.s32 $0x200;
	s10 =	simm.s32 $0x0;
	s9 =	simm.s32 $0x40;
	[tilespmem:s8+$0x7010] =	vst.add.f32.msk $0xffff, v7  }
.LBB2_23:
0x1d8: {  	p1 =	sne.s32 s22, $0x3F00;
	v5 =	vld [tilespmem:s9+$0x1030];
	v6 =	vmov v4  }
0x1d9: {  	v7 =	vld [tilespmem:s9+$0x1000]  }
0x1da: {  	v8 =	vld [tilespmem:s9+$0x1010]  }
.Ltmp12:
0x1db: {  	v4 =	vld [tilespmem:s9+$0x1020];
	(pc) =	sbr.rel @p1 .LBB2_23-.Ltmp12, $4  }
0x1dc: {  	[tilespmem:s8+$0x7020] =	vst.add.f32.msk $0xffff, v6;
	s8 =	smov.u32 s9  }
0x1dd: {  	[tilespmem:s8+$0x7030] =	vst.add.f32.msk $0xffff, v5  }
0x1de: {  	[tilespmem:s8+$0x7000] =	vst.add.f32.msk $0xffff, v7  }
0x1df: {  	s9 =	sshra.s32 s22, $0x2;
	s22 =	sadd.s32 $0x100, s22;
	[tilespmem:s8+$0x7010] =	vst.add.f32.msk $0xffff, v8  }
0x1e0: {  	v5 =	vld [tilespmem:s9+$0x1030];
	v6 =	vmov s10  }
0x1e1: {  	v7 =	vld [tilespmem:s9+$0x1000];
	v6 =	vand.u32 $0x3F, v6  }
0x1e2: {  	v8 =	vld [tilespmem:s9+$0x1010];
	v6 =	vbroadcast v6, $0x0  }
0x1e3: {  	v9 =	vld [tilespmem:s9+$0x1020]  }
0x1e4: {  	[tilespmem:s8+$0x7020] =	vst.add.f32.msk $0xffff, v4;
	v4 =	vor.u32 v0, v6  }
0x1e5: {  	[tilespmem:s9+$0x7030] =	vst.add.f32.msk $0xffff, v5  }
0x1e6: {  	[tilespmem:s9+$0x7000] =	vst.add.f32.msk $0xffff, v7  }
0x1e7: {  	[tilespmem:s9+$0x7010] =	vst.add.f32.msk $0xffff, v8  }
0x1e8: {  	[tilespmem:s9+$0x7020] =	vst.add.f32.msk $0xffff, v9  }
0x1e9: {  	v4 =	vld.idx.msk [tilespmem:v4+s28+$0x0], $0xffff  }
0x1ea: {  	v5 =	vor.u32 v1, v6;
	_ =	sdelay $0x2  }
0x1eb: {  	s8 =	simm.s32 $0xF000  }
0x1ec: {  	[tilespmem:s8+$0x0] =	vst v4  }
0x1ed: {  	v4 =	vld.idx.msk [tilespmem:v5+s28+$0x0], $0xffff  }
0x1ee: {  	v5 =	vor.u32 v2, v6;
	_ =	sdelay $0x3  }
0x1ef: {  	[tilespmem:s8+$0x10] =	vst v4  }
0x1f0: {  	v5 =	vld.idx.msk [tilespmem:v5+s28+$0x0], $0xffff  }
0x1f1: {  	v4 =	vor.u32 v3, v6;
	_ =	sdelay $0x1  }
0x1f2: {  	s23 =	simm.s32 $0x1  }
0x1f3: {  	s9 =	simm.s32 $0x2;
	v6 =	vmov s23  }
.LBB2_25:
0x1f4: {  	p1 =	sne.s32 s9, $0x3F;
	v6 =	vand.u32 $0x3F, v6;
	[tilespmem:s8+$0x20] =	vst v5  }
0x1f5: {  	v6 =	vbroadcast v6, $0x0;
	v4 =	vld.idx.msk [tilespmem:v4+s28+$0x0], $0xffff;
	_ =	sdelay $0x1  }
0x1f6: {  	v5 =	vor.u32 v0, v6;
	_ =	sdelay $0x3  }
0x1f7: {  	[tilespmem:s8+$0x30] =	vst v4  }
0x1f8: {  	v4 =	vld.idx.msk [tilespmem:v5+s28+$0x0], $0xffff;
	_ =	sdelay $0x1  }
0x1f9: {  	v5 =	vor.u32 v1, v6;
	_ =	sdelay $0x2  }
0x1fa: {  	s8 =	sadd.s32 $0x40, s8  }
0x1fb: {  	[tilespmem:s8+$0x0] =	vst v4  }
0x1fc: {  	v4 =	vld.idx.msk [tilespmem:v5+s28+$0x0], $0xffff;
	_ =	sdelay $0x1  }
0x1fd: {  	v5 =	vor.u32 v2, v6;
	_ =	sdelay $0x3  }
0x1fe: {  	[tilespmem:s8+$0x10] =	vst v4  }
0x1ff: {  	v5 =	vld.idx.msk [tilespmem:v5+s28+$0x0], $0xffff  }
.Ltmp13:
0x200: {  	(pc) =	sbr.rel @p1 .LBB2_25-.Ltmp13, $2  }
0x201: {  	v4 =	vor.u32 v3, v6;
	_ =	sdelay $0x2  }
0x202: {  	v6 =	vmov s9;
	s9 =	sadd.s32 $0x1, s9  }
0x203: {  	_ =	sdelay $0x1  }
0x204: {  	v6 =	vand.u32 $0x3F, v6  }
0x205: {  	[tilespmem:s8+$0x20] =	vst v5;
	v5 =	vbroadcast v6, $0x0  }
0x206: {  	v4 =	vld.idx.msk [tilespmem:v4+s28+$0x0], $0xffff  }
0x207: {  	v6 =	vor.u32 v0, v5;
	_ =	sdelay $0x3  }
0x208: {  	[tilespmem:s8+$0x30] =	vst v4  }
0x209: {  	v4 =	vld.idx.msk [tilespmem:v6+s28+$0x0], $0xffff  }
0x20a: {  	v6 =	vor.u32 v1, v5;
	_ =	sdelay $0x2  }
0x20b: {  	s22 =	sadd.s32 $0x40, s8  }
0x20c: {  	[tilespmem:s22+$0x0] =	vst v4  }
0x20d: {  	v4 =	vld.idx.msk [tilespmem:v6+s28+$0x0], $0xffff  }
0x20e: {  	v6 =	vor.u32 v2, v5;
	_ =	sdelay $0x3  }
0x20f: {  	[tilespmem:s22+$0x10] =	vst v4  }
0x210: {  	v4 =	vld.idx.msk [tilespmem:v6+s28+$0x0], $0xffff  }
0x211: {  	v5 =	vor.u32 v3, v5;
	_ =	sdelay $0x3  }
0x212: {  	[tilespmem:s22+$0x20] =	vst v4  }
0x213: {  	v4 =	vld.idx.msk [tilespmem:v5+s28+$0x0], $0xffff;
	_ =	sdelay $0x1  }
0x214: {  	s7 =	sshll.u32 s7, $0x11  }
0x215: {  	s7 =	sor.u32 s3, s7  }
0x216: {  	s7 =	sshrl.u32 s7, $0x3  }
0x217: {  	s23 =	simm.s32 $0xF000;
	s7 =	sadd.s32 s5, s7;
	[tilespmem:s22+$0x30] =	vst v4  }
0x218: {  	[hbm4b:s7+s12] =	stream.strided.scatter [tilespmem:s23], [sflag:$0xE], $0x1000, s13, s12, $0x38;
	[tilespmem:$0x12000] =	vst v63  }
0x219: {  	s7 =	simm.s32 @!p0 $0xA  }
0x21a: {  	_ =	swait.ge @!p0 [sflag:s7], $0x1000  }
0x21b: {  	s9 =	simm.s32 @!p0 $0x3000;
	[sflag:s7] =	ssyncset.done @!p0 $0x0  }
0x21c: {  	s8 =	simm.s32 @!p0 $0x40;
	[sflag:s7] =	ssyncadd.s32 @!p0 $0xFFFFF000;
	s7 =	sadd.s32 @!p0 $0x240, s2  }
0x21d: {  	[tilespmem:s9], [sflag:$0x2] =	stream.indirect.gather @!p0 [hbm4b:s4+s8], $0x40, s7, s8, $0xb8;
	[tilespmem:$0x12000] =	vst v63  }
0x21e: {  	_ =	swait.ge [sflag:s11], $0x1000  }
0x21f: {  	[sflag:s11] =	ssyncset.done $0x0  }
0x220: {  	s7 =	simm.s32 $0x0;
	[sflag:s11] =	ssyncadd.s32 $0xFFFFF000  }
0x221: {  	v5 =	vld [tilespmem:s7+$0x1030]  }
0x222: {  	v6 =	vld [tilespmem:s7+$0x1000]  }
0x223: {  	v7 =	vld [tilespmem:s7+$0x1010]  }
0x224: {  	v4 =	vld [tilespmem:s7+$0x1020];
	_ =	sdelay $0x1  }
0x225: {  	[tilespmem:s7+$0x8030] =	vst.add.f32.msk $0xffff, v5  }
0x226: {  	[tilespmem:s7+$0x8000] =	vst.add.f32.msk $0xffff, v6  }
0x227: {  	s10 =	simm.s32 $0x200;
	s9 =	simm.s32 $0x0;
	s8 =	simm.s32 $0x40;
	[tilespmem:s7+$0x8010] =	vst.add.f32.msk $0xffff, v7  }
.LBB2_27:
0x228: {  	p1 =	sne.s32 s10, $0x3F00;
	v5 =	vld [tilespmem:s8+$0x1030];
	v6 =	vmov v4  }
0x229: {  	v7 =	vld [tilespmem:s8+$0x1000]  }
0x22a: {  	v8 =	vld [tilespmem:s8+$0x1010]  }
.Ltmp14:
0x22b: {  	v4 =	vld [tilespmem:s8+$0x1020];
	(pc) =	sbr.rel @p1 .LBB2_27-.Ltmp14, $4  }
0x22c: {  	[tilespmem:s7+$0x8020] =	vst.add.f32.msk $0xffff, v6;
	s7 =	smov.u32 s8  }
0x22d: {  	[tilespmem:s7+$0x8030] =	vst.add.f32.msk $0xffff, v5  }
0x22e: {  	[tilespmem:s7+$0x8000] =	vst.add.f32.msk $0xffff, v7  }
0x22f: {  	s8 =	sshra.s32 s10, $0x2;
	s10 =	sadd.s32 $0x100, s10;
	[tilespmem:s7+$0x8010] =	vst.add.f32.msk $0xffff, v8  }
0x230: {  	v5 =	vld [tilespmem:s8+$0x1030];
	v6 =	vmov s9  }
0x231: {  	v7 =	vld [tilespmem:s8+$0x1000];
	v6 =	vand.u32 $0x3F, v6  }
0x232: {  	v8 =	vld [tilespmem:s8+$0x1010];
	v6 =	vbroadcast v6, $0x0  }
0x233: {  	v9 =	vld [tilespmem:s8+$0x1020]  }
0x234: {  	[tilespmem:s7+$0x8020] =	vst.add.f32.msk $0xffff, v4;
	v4 =	vor.u32 v0, v6  }
0x235: {  	[tilespmem:s8+$0x8030] =	vst.add.f32.msk $0xffff, v5  }
0x236: {  	[tilespmem:s8+$0x8000] =	vst.add.f32.msk $0xffff, v7  }
0x237: {  	[tilespmem:s8+$0x8010] =	vst.add.f32.msk $0xffff, v8  }
0x238: {  	[tilespmem:s8+$0x8020] =	vst.add.f32.msk $0xffff, v9  }
0x239: {  	v4 =	vld.idx.msk [tilespmem:v4+s31+$0x0], $0xffff  }
0x23a: {  	v5 =	vor.u32 v1, v6;
	_ =	sdelay $0x2  }
0x23b: {  	s7 =	simm.s32 $0x10000  }
0x23c: {  	[tilespmem:s7+$0x0] =	vst v4  }
0x23d: {  	v4 =	vld.idx.msk [tilespmem:v5+s31+$0x0], $0xffff  }
0x23e: {  	v5 =	vor.u32 v2, v6;
	_ =	sdelay $0x3  }
0x23f: {  	[tilespmem:s7+$0x10] =	vst v4  }
0x240: {  	v5 =	vld.idx.msk [tilespmem:v5+s31+$0x0], $0xffff  }
0x241: {  	v4 =	vor.u32 v3, v6;
	_ =	sdelay $0x1  }
0x242: {  	s23 =	simm.s32 $0x1  }
0x243: {  	s8 =	simm.s32 $0x2;
	v6 =	vmov s23  }
.LBB2_29:
0x244: {  	p1 =	sne.s32 s8, $0x3F;
	v6 =	vand.u32 $0x3F, v6;
	[tilespmem:s7+$0x20] =	vst v5  }
0x245: {  	v6 =	vbroadcast v6, $0x0;
	v4 =	vld.idx.msk [tilespmem:v4+s31+$0x0], $0xffff;
	_ =	sdelay $0x1  }
0x246: {  	v5 =	vor.u32 v0, v6;
	_ =	sdelay $0x3  }
0x247: {  	[tilespmem:s7+$0x30] =	vst v4  }
0x248: {  	v4 =	vld.idx.msk [tilespmem:v5+s31+$0x0], $0xffff;
	_ =	sdelay $0x1  }
0x249: {  	v5 =	vor.u32 v1, v6;
	_ =	sdelay $0x2  }
0x24a: {  	s7 =	sadd.s32 $0x40, s7  }
0x24b: {  	[tilespmem:s7+$0x0] =	vst v4  }
0x24c: {  	v4 =	vld.idx.msk [tilespmem:v5+s31+$0x0], $0xffff;
	_ =	sdelay $0x1  }
0x24d: {  	v5 =	vor.u32 v2, v6;
	_ =	sdelay $0x3  }
0x24e: {  	[tilespmem:s7+$0x10] =	vst v4  }
0x24f: {  	v5 =	vld.idx.msk [tilespmem:v5+s31+$0x0], $0xffff  }
.Ltmp15:
0x250: {  	(pc) =	sbr.rel @p1 .LBB2_29-.Ltmp15, $2  }
0x251: {  	v4 =	vor.u32 v3, v6;
	_ =	sdelay $0x2  }
0x252: {  	v6 =	vmov s8;
	s8 =	sadd.s32 $0x1, s8  }
0x253: {  	_ =	sdelay $0x1  }
0x254: {  	v6 =	vand.u32 $0x3F, v6  }
0x255: {  	[tilespmem:s7+$0x20] =	vst v5;
	v5 =	vbroadcast v6, $0x0  }
0x256: {  	v4 =	vld.idx.msk [tilespmem:v4+s31+$0x0], $0xffff  }
0x257: {  	v6 =	vor.u32 v0, v5;
	_ =	sdelay $0x3  }
0x258: {  	[tilespmem:s7+$0x30] =	vst v4  }
0x259: {  	v4 =	vld.idx.msk [tilespmem:v6+s31+$0x0], $0xffff  }
0x25a: {  	v6 =	vor.u32 v1, v5;
	_ =	sdelay $0x2  }
0x25b: {  	s10 =	sadd.s32 $0x40, s7  }
0x25c: {  	[tilespmem:s10+$0x0] =	vst v4  }
0x25d: {  	v4 =	vld.idx.msk [tilespmem:v6+s31+$0x0], $0xffff  }
0x25e: {  	v6 =	vor.u32 v2, v5;
	_ =	sdelay $0x3  }
0x25f: {  	[tilespmem:s10+$0x10] =	vst v4  }
0x260: {  	v4 =	vld.idx.msk [tilespmem:v6+s31+$0x0], $0xffff  }
0x261: {  	v5 =	vor.u32 v3, v5;
	_ =	sdelay $0x3  }
0x262: {  	[tilespmem:s10+$0x20] =	vst v4  }
0x263: {  	v4 =	vld.idx.msk [tilespmem:v5+s31+$0x0], $0xffff;
	_ =	sdelay $0x1  }
0x264: {  	s8 =	sshll.u32 s20, $0x11  }
0x265: {  	s8 =	sor.u32 s3, s8  }
0x266: {  	s8 =	sshrl.u32 s8, $0x3  }
0x267: {  	s23 =	simm.s32 $0x10000;
	s22 =	sadd.s32 s5, s8;
	s7 =	simm.s32 @!p0 $0xB;
	[tilespmem:s10+$0x30] =	vst v4  }
0x268: {  	[hbm4b:s22+s12] =	stream.strided.scatter [tilespmem:s23], [sflag:$0xF], $0x1000, s13, s12, $0x38;
	[tilespmem:$0x12000] =	vst v63  }
0x269: {  	_ =	swait.ge @!p0 [sflag:s7], $0x1000  }
0x26a: {  	s2 =	sadd.s32 @!p0 $0x280, s2;
	[sflag:s7] =	ssyncset.done @!p0 $0x0  }
0x26b: {  	s8 =	simm.s32 @!p0 $0x4000;
	[sflag:s7] =	ssyncadd.s32 @!p0 $0xFFFFF000;
	s7 =	simm.s32 @!p0 $0x40  }
0x26c: {  	[tilespmem:s8], [sflag:$0x3] =	stream.indirect.gather @!p0 [hbm4b:s4+s7], $0x40, s2, s7, $0xb8;
	[tilespmem:$0x12000] =	vst v63  }
0x26d: {  	_ =	swait.ge [sflag:s14], $0x1000  }
0x26e: {  	[sflag:s14] =	ssyncset.done $0x0  }
0x26f: {  	s2 =	simm.s32 $0x0;
	[sflag:s14] =	ssyncadd.s32 $0xFFFFF000  }
0x270: {  	v5 =	vld [tilespmem:s2+$0x1030]  }
0x271: {  	v6 =	vld [tilespmem:s2+$0x1000]  }
0x272: {  	v7 =	vld [tilespmem:s2+$0x1010]  }
0x273: {  	v4 =	vld [tilespmem:s2+$0x1020];
	_ =	sdelay $0x1  }
0x274: {  	[tilespmem:s2+$0x9030] =	vst.add.f32.msk $0xffff, v5  }
0x275: {  	[tilespmem:s2+$0x9000] =	vst.add.f32.msk $0xffff, v6  }
0x276: {  	s9 =	simm.s32 $0x200;
	s8 =	simm.s32 $0x0;
	s7 =	simm.s32 $0x40;
	[tilespmem:s2+$0x9010] =	vst.add.f32.msk $0xffff, v7  }
.LBB2_31:
0x277: {  	p1 =	sne.s32 s9, $0x3F00;
	v5 =	vld [tilespmem:s7+$0x1030];
	v6 =	vmov v4  }
0x278: {  	v7 =	vld [tilespmem:s7+$0x1000]  }
0x279: {  	v8 =	vld [tilespmem:s7+$0x1010]  }
.Ltmp16:
0x27a: {  	v4 =	vld [tilespmem:s7+$0x1020];
	(pc) =	sbr.rel @p1 .LBB2_31-.Ltmp16, $4  }
0x27b: {  	[tilespmem:s2+$0x9020] =	vst.add.f32.msk $0xffff, v6;
	s2 =	smov.u32 s7  }
0x27c: {  	[tilespmem:s2+$0x9030] =	vst.add.f32.msk $0xffff, v5  }
0x27d: {  	[tilespmem:s2+$0x9000] =	vst.add.f32.msk $0xffff, v7  }
0x27e: {  	s7 =	sshra.s32 s9, $0x2;
	s9 =	sadd.s32 $0x100, s9;
	[tilespmem:s2+$0x9010] =	vst.add.f32.msk $0xffff, v8  }
0x27f: {  	v5 =	vld [tilespmem:s7+$0x1030];
	v6 =	vmov s8  }
0x280: {  	v7 =	vld [tilespmem:s7+$0x1000];
	v6 =	vand.u32 $0x3F, v6  }
0x281: {  	v8 =	vld [tilespmem:s7+$0x1010];
	v6 =	vbroadcast v6, $0x0  }
0x282: {  	v9 =	vld [tilespmem:s7+$0x1020]  }
0x283: {  	[tilespmem:s2+$0x9020] =	vst.add.f32.msk $0xffff, v4;
	v4 =	vor.u32 v0, v6  }
0x284: {  	[tilespmem:s7+$0x9030] =	vst.add.f32.msk $0xffff, v5  }
0x285: {  	[tilespmem:s7+$0x9000] =	vst.add.f32.msk $0xffff, v7  }
0x286: {  	[tilespmem:s7+$0x9010] =	vst.add.f32.msk $0xffff, v8  }
0x287: {  	[tilespmem:s7+$0x9020] =	vst.add.f32.msk $0xffff, v9  }
0x288: {  	v4 =	vld.idx.msk [tilespmem:v4+s15+$0x0], $0xffff  }
0x289: {  	v5 =	vor.u32 v1, v6;
	_ =	sdelay $0x2  }
0x28a: {  	s2 =	simm.s32 $0x11000  }
0x28b: {  	[tilespmem:s2+$0x0] =	vst v4  }
0x28c: {  	v4 =	vld.idx.msk [tilespmem:v5+s15+$0x0], $0xffff  }
0x28d: {  	v5 =	vor.u32 v2, v6;
	_ =	sdelay $0x3  }
0x28e: {  	[tilespmem:s2+$0x10] =	vst v4  }
0x28f: {  	v5 =	vld.idx.msk [tilespmem:v5+s15+$0x0], $0xffff  }
0x290: {  	v4 =	vor.u32 v3, v6;
	_ =	sdelay $0x1  }
0x291: {  	s23 =	simm.s32 $0x1  }
0x292: {  	s7 =	simm.s32 $0x2;
	v6 =	vmov s23  }
.LBB2_33:
0x293: {  	p1 =	sne.s32 s7, $0x3F;
	v6 =	vand.u32 $0x3F, v6;
	[tilespmem:s2+$0x20] =	vst v5  }
0x294: {  	v6 =	vbroadcast v6, $0x0;
	v4 =	vld.idx.msk [tilespmem:v4+s15+$0x0], $0xffff;
	_ =	sdelay $0x1  }
0x295: {  	v5 =	vor.u32 v0, v6;
	_ =	sdelay $0x3  }
0x296: {  	[tilespmem:s2+$0x30] =	vst v4  }
0x297: {  	v4 =	vld.idx.msk [tilespmem:v5+s15+$0x0], $0xffff;
	_ =	sdelay $0x1  }
0x298: {  	v5 =	vor.u32 v1, v6;
	_ =	sdelay $0x2  }
0x299: {  	s2 =	sadd.s32 $0x40, s2  }
0x29a: {  	[tilespmem:s2+$0x0] =	vst v4  }
0x29b: {  	v4 =	vld.idx.msk [tilespmem:v5+s15+$0x0], $0xffff;
	_ =	sdelay $0x1  }
0x29c: {  	v5 =	vor.u32 v2, v6;
	_ =	sdelay $0x3  }
0x29d: {  	[tilespmem:s2+$0x10] =	vst v4  }
0x29e: {  	v5 =	vld.idx.msk [tilespmem:v5+s15+$0x0], $0xffff  }
.Ltmp17:
0x29f: {  	(pc) =	sbr.rel @p1 .LBB2_33-.Ltmp17, $2  }
0x2a0: {  	v4 =	vor.u32 v3, v6;
	_ =	sdelay $0x2  }
0x2a1: {  	v6 =	vmov s7;
	s7 =	sadd.s32 $0x1, s7  }
0x2a2: {  	_ =	sdelay $0x1  }
0x2a3: {  	v6 =	vand.u32 $0x3F, v6  }
0x2a4: {  	[tilespmem:s2+$0x20] =	vst v5;
	v5 =	vbroadcast v6, $0x0  }
0x2a5: {  	v4 =	vld.idx.msk [tilespmem:v4+s15+$0x0], $0xffff  }
0x2a6: {  	v6 =	vor.u32 v0, v5;
	_ =	sdelay $0x3  }
0x2a7: {  	[tilespmem:s2+$0x30] =	vst v4  }
0x2a8: {  	v4 =	vld.idx.msk [tilespmem:v6+s15+$0x0], $0xffff  }
0x2a9: {  	v62 =	vor.u32 v1, v5;
	_ =	sdelay $0x2  }
0x2aa: {  	s22 =	sadd.s32 $0x40, s2  }
0x2ab: {  	[tilespmem:s22+$0x0] =	vst v4  }
0x2ac: {  	v4 =	vld.idx.msk [tilespmem:v62+s15+$0x0], $0xffff  }
0x2ad: {  	v63 =	vor.u32 v2, v5;
	_ =	sdelay $0x3  }
0x2ae: {  	[tilespmem:s22+$0x10] =	vst v4  }
0x2af: {  	v4 =	vld.idx.msk [tilespmem:v63+s15+$0x0], $0xffff  }
0x2b0: {  	v5 =	vor.u32 v3, v5;
	_ =	sdelay $0x3  }
0x2b1: {  	[tilespmem:s22+$0x20] =	vst v4  }
0x2b2: {  	v4 =	vld.idx.msk [tilespmem:v5+s15+$0x0], $0xffff;
	_ =	sdelay $0x1  }
.Ltmp18:
0x2b3: {  	s1 =	sshll.u32 s1, $0x11;
	(pc) =	sbr.rel @p0 .LBB2_36-.Ltmp18, $4  }
0x2b4: {  	s1 =	sor.u32 s3, s1  }
0x2b5: {  	s1 =	sshrl.u32 s1, $0x3  }
0x2b6: {  	s23 =	simm.s32 $0x11000;
	s1 =	sadd.s32 s5, s1;
	[tilespmem:s22+$0x30] =	vst v4  }
0x2b7: {  	[hbm4b:s1+s12] =	stream.strided.scatter [tilespmem:s23], [sflag:$0x10], $0x1000, s13, s12, $0x38;
	[tilespmem:$0x12000] =	vst v63  }
.Ltmp19:
0x2b8: {  	(pc) =	sbr.rel .LBB2_2-.Ltmp19, $4  }
0x2b9: {  	_ =	swait.ge [sflag:s26], $0x1000;
	s1 =	sshll.u32 s30, $0x9  }
0x2ba: {  	[sflag:s26] =	ssyncset.done $0x0;
	s1 =	sand.u32 $0x3FFFFE00, s1  }
0x2bb: {  	s30 =	sadd.s32 $0x1, s30;
	[sflag:s26] =	ssyncadd.s32 $0xFFFFF000;
	s1 =	sadd.s32 $0x2C0, s1  }
0x2bc: {  	[tilespmem:s21], [sflag:$0x4] =	stream.indirect.gather [hbm4b:s4+s12], $0x40, s1, s12, $0xb8;
	[tilespmem:$0x12000] =	vst v63  }
.LBB2_37:
0x2bd: {  	_ =	sfence.sel $0x180000  }
0x2be: {  	[bflag:$0x0] =	sbarrier.arrive $0xFFFF  }
0x2bf: {  	_ =	strace $0x90000047  }
0x2c0: {  	s0 =	stileid.u32;
	[bflag:$0x2] =	sbarrier.arrive $0xFFFF  }
0x2c1: {  	p0 =	sne.s32 s0, $0x0;
	s0 =	rddreg [dreg:$0x2]  }
0x2c2: {  	s0 =	sadd.s32 @!p0 $0x100000, s0  }
0x2c3: {  	[sflag:s0] =	ssyncadd.tile.s32 @!p0 $0x1;
	_ =	shalt  }
.Lfunc_end2:
_tile_overlayer_lowered:
.L_overlay_start_2:
0x2c4: {  	(tag) =	ssettag $0x2  }
0x2c5: {  	s0 =	rddreg [dreg:$0x0];
	s2 =	stileid.u32  }
0x2c6: {  	s1 =	rddreg [dreg:$0x1];
	p0 =	sne.s32 s2, $0x0  }
0x2c7: {  	s3 =	rddreg [dreg:$0x2];
	[bflag:$0x3] =	sbarrier.arrive $0xFFFF;
	s2 =	simm.s32 @!p0 $0x1C11  }
0x2c8: {  	[timem:s3], [sflag:s2] =	dma.local @!p0 [hbm:s0], s1  }
0x2c9: {  	s0 =	simm.s32 @!p0 $0x11  }
0x2ca: {  	_ =	swait.ge @!p0 [sflag:s0], s1  }
0x2cb: {  	s1 =	ssub.s32 @!p0 $0x0, s1;
	[sflag:s0] =	ssyncset.done @!p0 $0x0  }
0x2cc: {  	[sflag:s0] =	ssyncadd.s32 @!p0 s1  }
0x2cd: {  	[bflag:$0x3] =	sbarrier.arrive $0xFFFF  }
0x2ce: {  	_ =	shalt  }

</sc_bundles>
